<compile_context>
chip_gen: v7x
topology: tpu7x:2x2x1
jax: 0.10.2.dev20260603
libtpu: 0.0.44.dev20260713+nightly
codegen_flags: <defaults>
</compile_context>

<pallas_src>
import functools

import jax
import jax.numpy as jnp
from jax import lax
from jax.experimental import pallas as pl
from jax.experimental.pallas import tpu as pltpu
from jax.experimental.pallas import tpu_sc as plsc

N = 10000
E = 30000
D = 64
BN = 256
BE = 256
NB = (N + BN - 1) // BN
NEB = E // BE + NB + 3
EP = NEB * BE
PADV = 1 << 30


def _routing(src, dst):
    perm = jnp.argsort(src)
    src_s = jnp.take(src, perm)
    dst_s = jnp.take(dst, perm)
    bstart = jnp.searchsorted(src_s, jnp.arange(NB + 1, dtype=jnp.int32) * BN)
    cb = bstart[1:] - bstart[:-1]
    nblk = jnp.maximum(1, (cb + BE - 1) // BE)
    blk_start = jnp.concatenate([jnp.zeros((1,), jnp.int32),
                                 jnp.cumsum(nblk)]).astype(jnp.int32)
    g = jnp.arange(NEB, dtype=jnp.int32)
    obi = jnp.clip(jnp.searchsorted(blk_start, g, side="right") - 1, 0, NB - 1)
    estart_g = bstart[obi] + (g - blk_start[obi]) * BE
    eend_g = bstart[obi + 1]
    e_lin = (jnp.repeat(estart_g, BE)
             + jnp.tile(jnp.arange(BE, dtype=jnp.int32), NEB))
    valid = e_lin < jnp.repeat(eend_g, BE)
    e_id = jnp.clip(e_lin, 0, E - 1)
    src_pad = jnp.where(valid, src_s[e_id], PADV)
    dst_pad = jnp.where(valid, dst_s[e_id], 0)
    gid_pad = jnp.where(valid, perm[e_id], 0)
    return src_pad, dst_pad, gid_pad, obi.astype(jnp.int32)


NW = 32
SPW = EP // NW
CH = 128
NCH = SPW // CH


def _sc_gather_body(nf_hbm, ef_hbm, dst_hbm, gid_hbm,
                    hd_out, ef_out, idx_v, rows_v, sem):
    wid = lax.axis_index("s") * 2 + lax.axis_index("c")
    base = wid * SPW
    for tbl, idx2d, out in ((nf_hbm, dst_hbm, hd_out),
                            (ef_hbm, gid_hbm, ef_out)):
        pltpu.sync_copy(idx2d.at[wid], idx_v)
        copies = [
            pltpu.async_copy(tbl.at[idx_v.at[c]],
                             rows_v.at[pl.ds(c * CH, CH)], sem)
            for c in range(NCH)
        ]
        for cp in copies:
            cp.wait()
        pltpu.sync_copy(rows_v, out.at[pl.ds(base, SPW)])


def _sc_gather(nf_p, ef_p, dst_pad, gid_pad):
    mesh = plsc.VectorSubcoreMesh(core_axis_name="c", subcore_axis_name="s")
    row = jax.ShapeDtypeStruct((EP, D), jnp.float32)
    fn = functools.partial(
        pl.kernel,
        mesh=mesh,
        out_type=[row, row],
        compiler_params=pltpu.CompilerParams(use_tc_tiling_on_sc=False),
        scratch_types=[
            pltpu.VMEM((NCH, CH), jnp.int32),
            pltpu.VMEM((SPW, D), jnp.float32),
            pltpu.SemaphoreType.DMA,
        ],
    )(_sc_gather_body)
    return fn(nf_p, ef_p,
              dst_pad.reshape(NW, NCH, CH), gid_pad.reshape(NW, NCH, CH))


NBP = NB * BN


def _pa_body(nf_ref, w0_ref, w1_ref, w2_ref, out_ref):
    g = pl.program_id(0)
    hi = lax.Precision.HIGHEST
    w01 = jnp.dot(w0_ref[0:D, :], w1_ref[...], precision=hi,
                  preferred_element_type=jnp.float32)
    wa = jnp.dot(w01, w2_ref[...], precision=hi,
                 preferred_element_type=jnp.float32)
    pa = jnp.dot(nf_ref[...], wa, precision=hi,
                 preferred_element_type=jnp.float32)
    rid = g * BN + lax.broadcasted_iota(jnp.int32, (BN, D), 0)
    out_ref[...] = jnp.where(rid < N, pa, 0.0)


def _pa(node_features, W0, W1, W2):
    return pl.pallas_call(
        _pa_body,
        grid=(NB,),
        in_specs=[
            pl.BlockSpec((BN, D), lambda g: (g, 0)),
            pl.BlockSpec((3 * D, D), lambda g: (0, 0)),
            pl.BlockSpec((D, D), lambda g: (0, 0)),
            pl.BlockSpec((D, D), lambda g: (0, 0)),
        ],
        out_specs=pl.BlockSpec((BN, D), lambda g: (g, 0)),
        out_shape=jax.ShapeDtypeStruct((NBP, D), jnp.float32),
    )(node_features, W0, W1, W2)


def _tc_body(obi_ref, pa_ref, ef_ref, hd_ref, srcl_ref, w0_ref, b0_ref,
             w1_ref, b1_ref, w2_ref, b2_ref, out_ref):
    g = pl.program_id(0)
    hi = lax.Precision.HIGHEST
    w01 = jnp.dot(w0_ref[...], w1_ref[...], precision=hi,
                  preferred_element_type=jnp.float32)
    w = jnp.dot(w01, w2_ref[...], precision=hi,
                preferred_element_type=jnp.float32)
    bias = (jnp.dot(jnp.dot(b0_ref[...], w1_ref[...], precision=hi,
                            preferred_element_type=jnp.float32) + b1_ref[...],
                    w2_ref[...], precision=hi,
                    preferred_element_type=jnp.float32)
            + b2_ref[...])
    base = obi_ref[g] * BN
    sl = srcl_ref[0, 0, :] - base
    nn = lax.broadcasted_iota(jnp.int32, (BN, BE), 0)
    sf = (nn == sl[None, :]).astype(jnp.float32)
    hd = hd_ref[...]
    hsw = jnp.dot(sf.T, pa_ref[...], precision=hi,
                  preferred_element_type=jnp.float32)
    filler = (hsw
              + jnp.dot(ef_ref[...], w[D:2 * D, :], precision=hi,
                        preferred_element_type=jnp.float32)
              + jnp.dot(hd, w[2 * D:, :], precision=hi,
                        preferred_element_type=jnp.float32)
              + bias)
    li = lax.broadcasted_iota(jnp.int32, (D, D * D), 1)
    si = lax.broadcasted_iota(jnp.int32, (D, D * D), 0)
    rep = (li // D == si).astype(jnp.bfloat16)
    til = (li % D == si).astype(jnp.bfloat16)
    fb = filler.astype(jnp.bfloat16)
    hdb = hd.astype(jnp.bfloat16)
    k = (jnp.dot(fb, rep, preferred_element_type=jnp.float32)
         * jnp.dot(hdb, til, preferred_element_type=jnp.float32)
         ).astype(jnp.bfloat16)
    s = sf.astype(jnp.bfloat16)
    first = jnp.logical_or(g == 0, obi_ref[g] != obi_ref[jnp.maximum(g - 1, 0)])

    @pl.when(first)
    def _():
        out_ref[...] = jnp.zeros_like(out_ref)

    out_ref[...] += jnp.dot(s, k, preferred_element_type=jnp.float32)


def _tc_scatter(obi, pa, ef, hd, src_pad, W0, b0, W1, b1, W2, b2):
    grid_spec = pltpu.PrefetchScalarGridSpec(
        num_scalar_prefetch=1,
        grid=(NEB,),
        in_specs=[
            pl.BlockSpec((BN, D), lambda g, obi: (obi[g], 0)),
            pl.BlockSpec((BE, D), lambda g, obi: (g, 0)),
            pl.BlockSpec((BE, D), lambda g, obi: (g, 0)),
            pl.BlockSpec((1, 1, BE), lambda g, obi: (g, 0, 0)),
            pl.BlockSpec((3 * D, D), lambda g, obi: (0, 0)),
            pl.BlockSpec((1, D), lambda g, obi: (0, 0)),
            pl.BlockSpec((D, D), lambda g, obi: (0, 0)),
            pl.BlockSpec((1, D), lambda g, obi: (0, 0)),
            pl.BlockSpec((D, D), lambda g, obi: (0, 0)),
            pl.BlockSpec((1, D), lambda g, obi: (0, 0)),
        ],
        out_specs=pl.BlockSpec((BN, D * D), lambda g, obi: (obi[g], 0)),
    )
    return pl.pallas_call(
        _tc_body,
        grid_spec=grid_spec,
        out_shape=jax.ShapeDtypeStruct((N, D * D), jnp.float32),
    )(obi, pa, ef, hd, src_pad.reshape(NEB, 1, BE), W0,
      b0.reshape(1, D), W1, b1.reshape(1, D), W2, b2.reshape(1, D))


def kernel(node_features, edge_features, edge_index, W0, b0, W1, b1, W2, b2):
    src = edge_index[0].astype(jnp.int32)
    dst = edge_index[1].astype(jnp.int32)
    src_pad, dst_pad, gid_pad, obi = _routing(src, dst)
    hd, efp = _sc_gather(node_features, edge_features, dst_pad, gid_pad)
    pa = _pa(node_features, W0, W1, W2)
    out = _tc_scatter(obi, pa, efp, hd, src_pad, W0, b0, W1, b1, W2, b2)
    return out.reshape(N, D, D)

# --- scband reference (transcript-rebuilt; emitter-appended) ---
"""Pipeline reference for scband-overall-model-stepgame-47931835023577 (READ-ONLY COPY).

The authoritative reference and input builder live on the scoring server;
editing this copy changes nothing except your own understanding.
"""

import jax, jax.numpy as jnp
import numpy as np

N = 10000
E = 30000
D = 64      # input_features == proj_size_role
PF = 64     # proj_size_filler


def setup_inputs(seed: int = 0) -> dict:
    key = jax.random.key(seed)
    ks = jax.random.split(key, 10)
    node_features = jax.random.normal(ks[0], (N, D), dtype=jnp.float32)
    edge_features = jax.random.normal(ks[1], (E, D), dtype=jnp.float32)
    edge_index = jax.random.randint(ks[2], (2, E), 0, N)
    s0 = 1.0 / np.sqrt(3 * D)
    s1 = 1.0 / np.sqrt(D)
    W0 = jax.random.uniform(ks[3], (3 * D, D), jnp.float32, -s0, s0)
    b0 = jax.random.uniform(ks[4], (D,), jnp.float32, -s0, s0)
    W1 = jax.random.uniform(ks[5], (D, D), jnp.float32, -s1, s1)
    b1 = jax.random.uniform(ks[6], (D,), jnp.float32, -s1, s1)
    W2 = jax.random.uniform(ks[7], (D, PF), jnp.float32, -s1, s1)
    b2 = jax.random.uniform(ks[8], (PF,), jnp.float32, -s1, s1)
    return {
        "node_features": node_features,
        "edge_features": edge_features,
        "edge_index": edge_index,
        "W0": W0, "b0": b0,
        "W1": W1, "b1": b1,
        "W2": W2, "b2": b2,
    }


def reference(node_features, edge_features, edge_index, W0, b0, W1, b1, W2, b2):
    # Faithful JAX translation of My_reasoner.initialization (scatter_memory core).
    # Note: the original code calls x.relu() without assignment (no-op) and uses
    # dropout which is identity in eval mode, so neither appears here.
    src = edge_index[0]
    dst = edge_index[1]
    h_src = jnp.take(node_features, src, axis=0)   # gather [E, D]
    h_dst = jnp.take(node_features, dst, axis=0)   # gather [E, D]
    mlp_in = jnp.concatenate([h_src, edge_features, h_dst], axis=-1)  # [E, 3D]
    x = mlp_in @ W0 + b0
    x = x @ W1 + b1
    filler = x @ W2 + b2                            # [E, PF]
    # role_filler_memory[src] += outer(filler, h_dst)
    outer = filler[:, :, None] * h_dst[:, None, :]  # [E, PF, D]
    mem = jnp.zeros((node_features.shape[0], filler.shape[1], node_features.shape[1]), dtype=jnp.float32)
    mem = mem.at[src].add(outer)                    # scatter-add into memory
    return mem

if __name__ == "__main__":
    import jax
    _d = setup_inputs()
    print(jax.jit(kernel)(*tuple(_d.values())))

</pallas_src>

<mosaic_0001>
#map = affine_map<(d0, d1) -> (0, 0)>
#map1 = affine_map<(d0, d1) -> (0, 0, 0)>
module attributes {stable_mosaic.version = 14 : i64} {
  func.func @_sc_gather_body(%arg0: i32, %arg1: i32, %arg2: memref<10000x64xf32, #tpu.memory_space<hbm>>, %arg3: memref<30000x64xf32, #tpu.memory_space<hbm>>, %arg4: memref<32x10x128xi32, #tpu.memory_space<hbm>>, %arg5: memref<32x10x128xi32, #tpu.memory_space<hbm>>, %arg6: memref<40960x64xf32, #tpu.memory_space<hbm>>, %arg7: memref<40960x64xf32, #tpu.memory_space<hbm>>, %arg8: memref<10x128xi32, #tpu.memory_space<vmem>>, %arg9: memref<1280x64xf32, #tpu.memory_space<vmem>>, %arg10: memref<!tpu.dma_semaphore, #tpu.memory_space<semaphore_mem>>) attributes {dimension_semantics = [#tpu.dimension_semantics<core_parallel>, #tpu.dimension_semantics<subcore_parallel>], iteration_bounds = array<i64: 2, 16>, scalar_prefetch = 0 : i64, scratch_operands = 3 : i64, tpu.core_type = #tpu.core_type<sc_vector_subcore>, window_params = [{transform_indices = #map}, {transform_indices = #map}, {transform_indices = #map1}, {transform_indices = #map1}, {transform_indices = #map}, {transform_indices = #map}]} {
    %mul3A = arith.constant 2 : i32
    %mul3A_0 = arith.muli %arg1, %mul3A : i32
    %add3A = arith.addi %mul3A_0, %arg0 : i32
    %mul3A_1 = arith.constant 1280 : i32
    %mul3A_2 = arith.muli %add3A, %mul3A_1 : i32
    "tpu.region"() ({
      %run_scoped3A = tpu.sem_alloc : memref<!tpu.dma_semaphore, #tpu.memory_space<semaphore_mem>>
      %dma_start3A_401 = arith.constant 0 : i32
      %dma_start3A_402 = arith.constant 0 : i32
      %dma_start3A_403 = tpu.memref_slice %arg4[%add3A, %dma_start3A_401, %dma_start3A_402] : memref<32x10x128xi32, #tpu.memory_space<hbm>> -> memref<1x10x128xi32, #tpu.memory_space<hbm>>
      %dma_start3A_404 = tpu.memref_squeeze %dma_start3A_403 : memref<1x10x128xi32, #tpu.memory_space<hbm>> -> memref<10x128xi32, #tpu.memory_space<hbm>>
      %dma_start3A_405 = arith.constant 0 : i32
      %dma_start3A_406 = arith.constant 0 : i32
      %dma_start3A_407 = tpu.memref_slice %arg4[%add3A, %dma_start3A_405, %dma_start3A_406] : memref<32x10x128xi32, #tpu.memory_space<hbm>> -> memref<1x10x128xi32, #tpu.memory_space<hbm>>
      %dma_start3A_408 = tpu.memref_squeeze %dma_start3A_407 : memref<1x10x128xi32, #tpu.memory_space<hbm>> -> memref<10x128xi32, #tpu.memory_space<hbm>>
      tpu.enqueue_dma source(%dma_start3A_408 : memref<10x128xi32, #tpu.memory_space<hbm>>) target(%arg8 : memref<10x128xi32, #tpu.memory_space<vmem>>) target_semaphore(%run_scoped3A : memref<!tpu.dma_semaphore, #tpu.memory_space<semaphore_mem>>)
      %dma_wait3A_409 = arith.constant 0 : i32
      %dma_wait3A_410 = arith.constant 0 : i32
      %dma_wait3A_411 = tpu.memref_slice %arg4[%add3A, %dma_wait3A_409, %dma_wait3A_410] : memref<32x10x128xi32, #tpu.memory_space<hbm>> -> memref<1x10x128xi32, #tpu.memory_space<hbm>>
      %dma_wait3A_412 = tpu.memref_squeeze %dma_wait3A_411 : memref<1x10x128xi32, #tpu.memory_space<hbm>> -> memref<10x128xi32, #tpu.memory_space<hbm>>
      %dma_wait3A_413 = arith.constant 0 : i32
      %dma_wait3A_414 = arith.constant 0 : i32
      %dma_wait3A_415 = tpu.memref_slice %arg4[%add3A, %dma_wait3A_413, %dma_wait3A_414] : memref<32x10x128xi32, #tpu.memory_space<hbm>> -> memref<1x10x128xi32, #tpu.memory_space<hbm>>
      %dma_wait3A_416 = tpu.memref_squeeze %dma_wait3A_415 : memref<1x10x128xi32, #tpu.memory_space<hbm>> -> memref<10x128xi32, #tpu.memory_space<hbm>>
      tpu.wait_dma2 semaphore(%run_scoped3A : memref<!tpu.dma_semaphore, #tpu.memory_space<semaphore_mem>>) src(%dma_wait3A_416 : memref<10x128xi32, #tpu.memory_space<hbm>>) dst(%arg8 : memref<10x128xi32, #tpu.memory_space<vmem>>)
      tpu.yield
    }) : () -> ()
    %dma_start3A = arith.constant 0 : i32
    %dma_start3A_3 = arith.constant 0 : i32
    %dma_start3A_4 = arith.constant 0 : i32
    %dma_start3A_5 = tpu.memref_slice %arg9[%dma_start3A_3, %dma_start3A_4] : memref<1280x64xf32, #tpu.memory_space<vmem>> -> memref<128x64xf32, #tpu.memory_space<vmem>>
    %dma_start3A_6 = arith.constant 0 : i32
    %dma_start3A_7 = tpu.memref_slice %arg8[%dma_start3A, %dma_start3A_6] : memref<10x128xi32, #tpu.memory_space<vmem>> -> memref<1x128xi32, #tpu.memory_space<vmem>>
    %dma_start3A_8 = tpu.memref_squeeze %dma_start3A_7 : memref<1x128xi32, #tpu.memory_space<vmem>> -> memref<128xi32, #tpu.memory_space<vmem>>
    %dma_start3A_9 = arith.constant 0 : i32
    %dma_start3A_10 = arith.constant 0 : i32
    %dma_start3A_11 = tpu.memref_slice %arg2[%dma_start3A_9, %dma_start3A_10] : memref<10000x64xf32, #tpu.memory_space<hbm>> -> memref<10000x64xf32, #tpu.memory_space<hbm>>
    tpu.enqueue_indirect_dma source(%dma_start3A_11 : memref<10000x64xf32, #tpu.memory_space<hbm>>) target(%dma_start3A_5 : memref<128x64xf32, #tpu.memory_space<vmem>>) offsets(%dma_start3A_8 : memref<128xi32, #tpu.memory_space<vmem>>) semaphore(%arg10 : memref<!tpu.dma_semaphore, #tpu.memory_space<semaphore_mem>>)
    %dma_start3A_12 = arith.constant 1 : i32
    %dma_start3A_13 = arith.constant 128 : i32
    %dma_start3A_14 = arith.constant 0 : i32
    %dma_start3A_15 = tpu.memref_slice %arg9[%dma_start3A_13, %dma_start3A_14] : memref<1280x64xf32, #tpu.memory_space<vmem>> -> memref<128x64xf32, #tpu.memory_space<vmem>>
    %dma_start3A_16 = arith.constant 0 : i32
    %dma_start3A_17 = tpu.memref_slice %arg8[%dma_start3A_12, %dma_start3A_16] : memref<10x128xi32, #tpu.memory_space<vmem>> -> memref<1x128xi32, #tpu.memory_space<vmem>>
    %dma_start3A_18 = tpu.memref_squeeze %dma_start3A_17 : memref<1x128xi32, #tpu.memory_space<vmem>> -> memref<128xi32, #tpu.memory_space<vmem>>
    %dma_start3A_19 = arith.constant 0 : i32
    %dma_start3A_20 = arith.constant 0 : i32
    %dma_start3A_21 = tpu.memref_slice %arg2[%dma_start3A_19, %dma_start3A_20] : memref<10000x64xf32, #tpu.memory_space<hbm>> -> memref<10000x64xf32, #tpu.memory_space<hbm>>
    tpu.enqueue_indirect_dma source(%dma_start3A_21 : memref<10000x64xf32, #tpu.memory_space<hbm>>) target(%dma_start3A_15 : memref<128x64xf32, #tpu.memory_space<vmem>>) offsets(%dma_start3A_18 : memref<128xi32, #tpu.memory_space<vmem>>) semaphore(%arg10 : memref<!tpu.dma_semaphore, #tpu.memory_space<semaphore_mem>>)
    %dma_start3A_22 = arith.constant 2 : i32
    %dma_start3A_23 = arith.constant 256 : i32
    %dma_start3A_24 = arith.constant 0 : i32
    %dma_start3A_25 = tpu.memref_slice %arg9[%dma_start3A_23, %dma_start3A_24] : memref<1280x64xf32, #tpu.memory_space<vmem>> -> memref<128x64xf32, #tpu.memory_space<vmem>>
    %dma_start3A_26 = arith.constant 0 : i32
    %dma_start3A_27 = tpu.memref_slice %arg8[%dma_start3A_22, %dma_start3A_26] : memref<10x128xi32, #tpu.memory_space<vmem>> -> memref<1x128xi32, #tpu.memory_space<vmem>>
    %dma_start3A_28 = tpu.memref_squeeze %dma_start3A_27 : memref<1x128xi32, #tpu.memory_space<vmem>> -> memref<128xi32, #tpu.memory_space<vmem>>
    %dma_start3A_29 = arith.constant 0 : i32
    %dma_start3A_30 = arith.constant 0 : i32
    %dma_start3A_31 = tpu.memref_slice %arg2[%dma_start3A_29, %dma_start3A_30] : memref<10000x64xf32, #tpu.memory_space<hbm>> -> memref<10000x64xf32, #tpu.memory_space<hbm>>
    tpu.enqueue_indirect_dma source(%dma_start3A_31 : memref<10000x64xf32, #tpu.memory_space<hbm>>) target(%dma_start3A_25 : memref<128x64xf32, #tpu.memory_space<vmem>>) offsets(%dma_start3A_28 : memref<128xi32, #tpu.memory_space<vmem>>) semaphore(%arg10 : memref<!tpu.dma_semaphore, #tpu.memory_space<semaphore_mem>>)
    %dma_start3A_32 = arith.constant 3 : i32
    %dma_start3A_33 = arith.constant 384 : i32
    %dma_start3A_34 = arith.constant 0 : i32
    %dma_start3A_35 = tpu.memref_slice %arg9[%dma_start3A_33, %dma_start3A_34] : memref<1280x64xf32, #tpu.memory_space<vmem>> -> memref<128x64xf32, #tpu.memory_space<vmem>>
    %dma_start3A_36 = arith.constant 0 : i32
    %dma_start3A_37 = tpu.memref_slice %arg8[%dma_start3A_32, %dma_start3A_36] : memref<10x128xi32, #tpu.memory_space<vmem>> -> memref<1x128xi32, #tpu.memory_space<vmem>>
    %dma_start3A_38 = tpu.memref_squeeze %dma_start3A_37 : memref<1x128xi32, #tpu.memory_space<vmem>> -> memref<128xi32, #tpu.memory_space<vmem>>
    %dma_start3A_39 = arith.constant 0 : i32
    %dma_start3A_40 = arith.constant 0 : i32
    %dma_start3A_41 = tpu.memref_slice %arg2[%dma_start3A_39, %dma_start3A_40] : memref<10000x64xf32, #tpu.memory_space<hbm>> -> memref<10000x64xf32, #tpu.memory_space<hbm>>
    tpu.enqueue_indirect_dma source(%dma_start3A_41 : memref<10000x64xf32, #tpu.memory_space<hbm>>) target(%dma_start3A_35 : memref<128x64xf32, #tpu.memory_space<vmem>>) offsets(%dma_start3A_38 : memref<128xi32, #tpu.memory_space<vmem>>) semaphore(%arg10 : memref<!tpu.dma_semaphore, #tpu.memory_space<semaphore_mem>>)
    %dma_start3A_42 = arith.constant 4 : i32
    %dma_start3A_43 = arith.constant 512 : i32
    %dma_start3A_44 = arith.constant 0 : i32
    %dma_start3A_45 = tpu.memref_slice %arg9[%dma_start3A_43, %dma_start3A_44] : memref<1280x64xf32, #tpu.memory_space<vmem>> -> memref<128x64xf32, #tpu.memory_space<vmem>>
    %dma_start3A_46 = arith.constant 0 : i32
    %dma_start3A_47 = tpu.memref_slice %arg8[%dma_start3A_42, %dma_start3A_46] : memref<10x128xi32, #tpu.memory_space<vmem>> -> memref<1x128xi32, #tpu.memory_space<vmem>>
    %dma_start3A_48 = tpu.memref_squeeze %dma_start3A_47 : memref<1x128xi32, #tpu.memory_space<vmem>> -> memref<128xi32, #tpu.memory_space<vmem>>
    %dma_start3A_49 = arith.constant 0 : i32
    %dma_start3A_50 = arith.constant 0 : i32
    %dma_start3A_51 = tpu.memref_slice %arg2[%dma_start3A_49, %dma_start3A_50] : memref<10000x64xf32, #tpu.memory_space<hbm>> -> memref<10000x64xf32, #tpu.memory_space<hbm>>
    tpu.enqueue_indirect_dma source(%dma_start3A_51 : memref<10000x64xf32, #tpu.memory_space<hbm>>) target(%dma_start3A_45 : memref<128x64xf32, #tpu.memory_space<vmem>>) offsets(%dma_start3A_48 : memref<128xi32, #tpu.memory_space<vmem>>) semaphore(%arg10 : memref<!tpu.dma_semaphore, #tpu.memory_space<semaphore_mem>>)
    %dma_start3A_52 = arith.constant 5 : i32
    %dma_start3A_53 = arith.constant 640 : i32
    %dma_start3A_54 = arith.constant 0 : i32
    %dma_start3A_55 = tpu.memref_slice %arg9[%dma_start3A_53, %dma_start3A_54] : memref<1280x64xf32, #tpu.memory_space<vmem>> -> memref<128x64xf32, #tpu.memory_space<vmem>>
    %dma_start3A_56 = arith.constant 0 : i32
    %dma_start3A_57 = tpu.memref_slice %arg8[%dma_start3A_52, %dma_start3A_56] : memref<10x128xi32, #tpu.memory_space<vmem>> -> memref<1x128xi32, #tpu.memory_space<vmem>>
    %dma_start3A_58 = tpu.memref_squeeze %dma_start3A_57 : memref<1x128xi32, #tpu.memory_space<vmem>> -> memref<128xi32, #tpu.memory_space<vmem>>
    %dma_start3A_59 = arith.constant 0 : i32
    %dma_start3A_60 = arith.constant 0 : i32
    %dma_start3A_61 = tpu.memref_slice %arg2[%dma_start3A_59, %dma_start3A_60] : memref<10000x64xf32, #tpu.memory_space<hbm>> -> memref<10000x64xf32, #tpu.memory_space<hbm>>
    tpu.enqueue_indirect_dma source(%dma_start3A_61 : memref<10000x64xf32, #tpu.memory_space<hbm>>) target(%dma_start3A_55 : memref<128x64xf32, #tpu.memory_space<vmem>>) offsets(%dma_start3A_58 : memref<128xi32, #tpu.memory_space<vmem>>) semaphore(%arg10 : memref<!tpu.dma_semaphore, #tpu.memory_space<semaphore_mem>>)
    %dma_start3A_62 = arith.constant 6 : i32
    %dma_start3A_63 = arith.constant 768 : i32
    %dma_start3A_64 = arith.constant 0 : i32
    %dma_start3A_65 = tpu.memref_slice %arg9[%dma_start3A_63, %dma_start3A_64] : memref<1280x64xf32, #tpu.memory_space<vmem>> -> memref<128x64xf32, #tpu.memory_space<vmem>>
    %dma_start3A_66 = arith.constant 0 : i32
    %dma_start3A_67 = tpu.memref_slice %arg8[%dma_start3A_62, %dma_start3A_66] : memref<10x128xi32, #tpu.memory_space<vmem>> -> memref<1x128xi32, #tpu.memory_space<vmem>>
    %dma_start3A_68 = tpu.memref_squeeze %dma_start3A_67 : memref<1x128xi32, #tpu.memory_space<vmem>> -> memref<128xi32, #tpu.memory_space<vmem>>
    %dma_start3A_69 = arith.constant 0 : i32
    %dma_start3A_70 = arith.constant 0 : i32
    %dma_start3A_71 = tpu.memref_slice %arg2[%dma_start3A_69, %dma_start3A_70] : memref<10000x64xf32, #tpu.memory_space<hbm>> -> memref<10000x64xf32, #tpu.memory_space<hbm>>
    tpu.enqueue_indirect_dma source(%dma_start3A_71 : memref<10000x64xf32, #tpu.memory_space<hbm>>) target(%dma_start3A_65 : memref<128x64xf32, #tpu.memory_space<vmem>>) offsets(%dma_start3A_68 : memref<128xi32, #tpu.memory_space<vmem>>) semaphore(%arg10 : memref<!tpu.dma_semaphore, #tpu.memory_space<semaphore_mem>>)
    %dma_start3A_72 = arith.constant 7 : i32
    %dma_start3A_73 = arith.constant 896 : i32
    %dma_start3A_74 = arith.constant 0 : i32
    %dma_start3A_75 = tpu.memref_slice %arg9[%dma_start3A_73, %dma_start3A_74] : memref<1280x64xf32, #tpu.memory_space<vmem>> -> memref<128x64xf32, #tpu.memory_space<vmem>>
    %dma_start3A_76 = arith.constant 0 : i32
    %dma_start3A_77 = tpu.memref_slice %arg8[%dma_start3A_72, %dma_start3A_76] : memref<10x128xi32, #tpu.memory_space<vmem>> -> memref<1x128xi32, #tpu.memory_space<vmem>>
    %dma_start3A_78 = tpu.memref_squeeze %dma_start3A_77 : memref<1x128xi32, #tpu.memory_space<vmem>> -> memref<128xi32, #tpu.memory_space<vmem>>
    %dma_start3A_79 = arith.constant 0 : i32
    %dma_start3A_80 = arith.constant 0 : i32
    %dma_start3A_81 = tpu.memref_slice %arg2[%dma_start3A_79, %dma_start3A_80] : memref<10000x64xf32, #tpu.memory_space<hbm>> -> memref<10000x64xf32, #tpu.memory_space<hbm>>
    tpu.enqueue_indirect_dma source(%dma_start3A_81 : memref<10000x64xf32, #tpu.memory_space<hbm>>) target(%dma_start3A_75 : memref<128x64xf32, #tpu.memory_space<vmem>>) offsets(%dma_start3A_78 : memref<128xi32, #tpu.memory_space<vmem>>) semaphore(%arg10 : memref<!tpu.dma_semaphore, #tpu.memory_space<semaphore_mem>>)
    %dma_start3A_82 = arith.constant 8 : i32
    %dma_start3A_83 = arith.constant 1024 : i32
    %dma_start3A_84 = arith.constant 0 : i32
    %dma_start3A_85 = tpu.memref_slice %arg9[%dma_start3A_83, %dma_start3A_84] : memref<1280x64xf32, #tpu.memory_space<vmem>> -> memref<128x64xf32, #tpu.memory_space<vmem>>
    %dma_start3A_86 = arith.constant 0 : i32
    %dma_start3A_87 = tpu.memref_slice %arg8[%dma_start3A_82, %dma_start3A_86] : memref<10x128xi32, #tpu.memory_space<vmem>> -> memref<1x128xi32, #tpu.memory_space<vmem>>
    %dma_start3A_88 = tpu.memref_squeeze %dma_start3A_87 : memref<1x128xi32, #tpu.memory_space<vmem>> -> memref<128xi32, #tpu.memory_space<vmem>>
    %dma_start3A_89 = arith.constant 0 : i32
    %dma_start3A_90 = arith.constant 0 : i32
    %dma_start3A_91 = tpu.memref_slice %arg2[%dma_start3A_89, %dma_start3A_90] : memref<10000x64xf32, #tpu.memory_space<hbm>> -> memref<10000x64xf32, #tpu.memory_space<hbm>>
    tpu.enqueue_indirect_dma source(%dma_start3A_91 : memref<10000x64xf32, #tpu.memory_space<hbm>>) target(%dma_start3A_85 : memref<128x64xf32, #tpu.memory_space<vmem>>) offsets(%dma_start3A_88 : memref<128xi32, #tpu.memory_space<vmem>>) semaphore(%arg10 : memref<!tpu.dma_semaphore, #tpu.memory_space<semaphore_mem>>)
    %dma_start3A_92 = arith.constant 9 : i32
    %dma_start3A_93 = arith.constant 1152 : i32
    %dma_start3A_94 = arith.constant 0 : i32
    %dma_start3A_95 = tpu.memref_slice %arg9[%dma_start3A_93, %dma_start3A_94] : memref<1280x64xf32, #tpu.memory_space<vmem>> -> memref<128x64xf32, #tpu.memory_space<vmem>>
    %dma_start3A_96 = arith.constant 0 : i32
    %dma_start3A_97 = tpu.memref_slice %arg8[%dma_start3A_92, %dma_start3A_96] : memref<10x128xi32, #tpu.memory_space<vmem>> -> memref<1x128xi32, #tpu.memory_space<vmem>>
    %dma_start3A_98 = tpu.memref_squeeze %dma_start3A_97 : memref<1x128xi32, #tpu.memory_space<vmem>> -> memref<128xi32, #tpu.memory_space<vmem>>
    %dma_start3A_99 = arith.constant 0 : i32
    %dma_start3A_100 = arith.constant 0 : i32
    %dma_start3A_101 = tpu.memref_slice %arg2[%dma_start3A_99, %dma_start3A_100] : memref<10000x64xf32, #tpu.memory_space<hbm>> -> memref<10000x64xf32, #tpu.memory_space<hbm>>
    tpu.enqueue_indirect_dma source(%dma_start3A_101 : memref<10000x64xf32, #tpu.memory_space<hbm>>) target(%dma_start3A_95 : memref<128x64xf32, #tpu.memory_space<vmem>>) offsets(%dma_start3A_98 : memref<128xi32, #tpu.memory_space<vmem>>) semaphore(%arg10 : memref<!tpu.dma_semaphore, #tpu.memory_space<semaphore_mem>>)
    %dma_wait3A = arith.constant 0 : i32
    %dma_wait3A_102 = arith.constant 0 : i32
    %dma_wait3A_103 = arith.constant 0 : i32
    %dma_wait3A_104 = tpu.memref_slice %arg9[%dma_wait3A_102, %dma_wait3A_103] : memref<1280x64xf32, #tpu.memory_space<vmem>> -> memref<128x64xf32, #tpu.memory_space<vmem>>
    %dma_wait3A_105 = arith.constant 0 : i32
    %dma_wait3A_106 = tpu.memref_slice %arg8[%dma_wait3A, %dma_wait3A_105] : memref<10x128xi32, #tpu.memory_space<vmem>> -> memref<1x128xi32, #tpu.memory_space<vmem>>
    %dma_wait3A_107 = tpu.memref_squeeze %dma_wait3A_106 : memref<1x128xi32, #tpu.memory_space<vmem>> -> memref<128xi32, #tpu.memory_space<vmem>>
    %dma_wait3A_108 = arith.constant 0 : i32
    %dma_wait3A_109 = arith.constant 0 : i32
    %dma_wait3A_110 = tpu.memref_slice %arg2[%dma_wait3A_108, %dma_wait3A_109] : memref<10000x64xf32, #tpu.memory_space<hbm>> -> memref<10000x64xf32, #tpu.memory_space<hbm>>
    tpu.wait_indirect_dma semaphore(%arg10 : memref<!tpu.dma_semaphore, #tpu.memory_space<semaphore_mem>>) src(%dma_wait3A_110 : memref<10000x64xf32, #tpu.memory_space<hbm>>) dst(%dma_wait3A_104 : memref<128x64xf32, #tpu.memory_space<vmem>>)
    %dma_wait3A_111 = arith.constant 1 : i32
    %dma_wait3A_112 = arith.constant 128 : i32
    %dma_wait3A_113 = arith.constant 0 : i32
    %dma_wait3A_114 = tpu.memref_slice %arg9[%dma_wait3A_112, %dma_wait3A_113] : memref<1280x64xf32, #tpu.memory_space<vmem>> -> memref<128x64xf32, #tpu.memory_space<vmem>>
    %dma_wait3A_115 = arith.constant 0 : i32
    %dma_wait3A_116 = tpu.memref_slice %arg8[%dma_wait3A_111, %dma_wait3A_115] : memref<10x128xi32, #tpu.memory_space<vmem>> -> memref<1x128xi32, #tpu.memory_space<vmem>>
    %dma_wait3A_117 = tpu.memref_squeeze %dma_wait3A_116 : memref<1x128xi32, #tpu.memory_space<vmem>> -> memref<128xi32, #tpu.memory_space<vmem>>
    %dma_wait3A_118 = arith.constant 0 : i32
    %dma_wait3A_119 = arith.constant 0 : i32
    %dma_wait3A_120 = tpu.memref_slice %arg2[%dma_wait3A_118, %dma_wait3A_119] : memref<10000x64xf32, #tpu.memory_space<hbm>> -> memref<10000x64xf32, #tpu.memory_space<hbm>>
    tpu.wait_indirect_dma semaphore(%arg10 : memref<!tpu.dma_semaphore, #tpu.memory_space<semaphore_mem>>) src(%dma_wait3A_120 : memref<10000x64xf32, #tpu.memory_space<hbm>>) dst(%dma_wait3A_114 : memref<128x64xf32, #tpu.memory_space<vmem>>)
    %dma_wait3A_121 = arith.constant 2 : i32
    %dma_wait3A_122 = arith.constant 256 : i32
    %dma_wait3A_123 = arith.constant 0 : i32
    %dma_wait3A_124 = tpu.memref_slice %arg9[%dma_wait3A_122, %dma_wait3A_123] : memref<1280x64xf32, #tpu.memory_space<vmem>> -> memref<128x64xf32, #tpu.memory_space<vmem>>
    %dma_wait3A_125 = arith.constant 0 : i32
    %dma_wait3A_126 = tpu.memref_slice %arg8[%dma_wait3A_121, %dma_wait3A_125] : memref<10x128xi32, #tpu.memory_space<vmem>> -> memref<1x128xi32, #tpu.memory_space<vmem>>
    %dma_wait3A_127 = tpu.memref_squeeze %dma_wait3A_126 : memref<1x128xi32, #tpu.memory_space<vmem>> -> memref<128xi32, #tpu.memory_space<vmem>>
    %dma_wait3A_128 = arith.constant 0 : i32
    %dma_wait3A_129 = arith.constant 0 : i32
    %dma_wait3A_130 = tpu.memref_slice %arg2[%dma_wait3A_128, %dma_wait3A_129] : memref<10000x64xf32, #tpu.memory_space<hbm>> -> memref<10000x64xf32, #tpu.memory_space<hbm>>
    tpu.wait_indirect_dma semaphore(%arg10 : memref<!tpu.dma_semaphore, #tpu.memory_space<semaphore_mem>>) src(%dma_wait3A_130 : memref<10000x64xf32, #tpu.memory_space<hbm>>) dst(%dma_wait3A_124 : memref<128x64xf32, #tpu.memory_space<vmem>>)
    %dma_wait3A_131 = arith.constant 3 : i32
    %dma_wait3A_132 = arith.constant 384 : i32
    %dma_wait3A_133 = arith.constant 0 : i32
    %dma_wait3A_134 = tpu.memref_slice %arg9[%dma_wait3A_132, %dma_wait3A_133] : memref<1280x64xf32, #tpu.memory_space<vmem>> -> memref<128x64xf32, #tpu.memory_space<vmem>>
    %dma_wait3A_135 = arith.constant 0 : i32
    %dma_wait3A_136 = tpu.memref_slice %arg8[%dma_wait3A_131, %dma_wait3A_135] : memref<10x128xi32, #tpu.memory_space<vmem>> -> memref<1x128xi32, #tpu.memory_space<vmem>>
    %dma_wait3A_137 = tpu.memref_squeeze %dma_wait3A_136 : memref<1x128xi32, #tpu.memory_space<vmem>> -> memref<128xi32, #tpu.memory_space<vmem>>
    %dma_wait3A_138 = arith.constant 0 : i32
    %dma_wait3A_139 = arith.constant 0 : i32
    %dma_wait3A_140 = tpu.memref_slice %arg2[%dma_wait3A_138, %dma_wait3A_139] : memref<10000x64xf32, #tpu.memory_space<hbm>> -> memref<10000x64xf32, #tpu.memory_space<hbm>>
    tpu.wait_indirect_dma semaphore(%arg10 : memref<!tpu.dma_semaphore, #tpu.memory_space<semaphore_mem>>) src(%dma_wait3A_140 : memref<10000x64xf32, #tpu.memory_space<hbm>>) dst(%dma_wait3A_134 : memref<128x64xf32, #tpu.memory_space<vmem>>)
    %dma_wait3A_141 = arith.constant 4 : i32
    %dma_wait3A_142 = arith.constant 512 : i32
    %dma_wait3A_143 = arith.constant 0 : i32
    %dma_wait3A_144 = tpu.memref_slice %arg9[%dma_wait3A_142, %dma_wait3A_143] : memref<1280x64xf32, #tpu.memory_space<vmem>> -> memref<128x64xf32, #tpu.memory_space<vmem>>
    %dma_wait3A_145 = arith.constant 0 : i32
    %dma_wait3A_146 = tpu.memref_slice %arg8[%dma_wait3A_141, %dma_wait3A_145] : memref<10x128xi32, #tpu.memory_space<vmem>> -> memref<1x128xi32, #tpu.memory_space<vmem>>
    %dma_wait3A_147 = tpu.memref_squeeze %dma_wait3A_146 : memref<1x128xi32, #tpu.memory_space<vmem>> -> memref<128xi32, #tpu.memory_space<vmem>>
    %dma_wait3A_148 = arith.constant 0 : i32
    %dma_wait3A_149 = arith.constant 0 : i32
    %dma_wait3A_150 = tpu.memref_slice %arg2[%dma_wait3A_148, %dma_wait3A_149] : memref<10000x64xf32, #tpu.memory_space<hbm>> -> memref<10000x64xf32, #tpu.memory_space<hbm>>
    tpu.wait_indirect_dma semaphore(%arg10 : memref<!tpu.dma_semaphore, #tpu.memory_space<semaphore_mem>>) src(%dma_wait3A_150 : memref<10000x64xf32, #tpu.memory_space<hbm>>) dst(%dma_wait3A_144 : memref<128x64xf32, #tpu.memory_space<vmem>>)
    %dma_wait3A_151 = arith.constant 5 : i32
    %dma_wait3A_152 = arith.constant 640 : i32
    %dma_wait3A_153 = arith.constant 0 : i32
    %dma_wait3A_154 = tpu.memref_slice %arg9[%dma_wait3A_152, %dma_wait3A_153] : memref<1280x64xf32, #tpu.memory_space<vmem>> -> memref<128x64xf32, #tpu.memory_space<vmem>>
    %dma_wait3A_155 = arith.constant 0 : i32
    %dma_wait3A_156 = tpu.memref_slice %arg8[%dma_wait3A_151, %dma_wait3A_155] : memref<10x128xi32, #tpu.memory_space<vmem>> -> memref<1x128xi32, #tpu.memory_space<vmem>>
    %dma_wait3A_157 = tpu.memref_squeeze %dma_wait3A_156 : memref<1x128xi32, #tpu.memory_space<vmem>> -> memref<128xi32, #tpu.memory_space<vmem>>
    %dma_wait3A_158 = arith.constant 0 : i32
    %dma_wait3A_159 = arith.constant 0 : i32
    %dma_wait3A_160 = tpu.memref_slice %arg2[%dma_wait3A_158, %dma_wait3A_159] : memref<10000x64xf32, #tpu.memory_space<hbm>> -> memref<10000x64xf32, #tpu.memory_space<hbm>>
    tpu.wait_indirect_dma semaphore(%arg10 : memref<!tpu.dma_semaphore, #tpu.memory_space<semaphore_mem>>) src(%dma_wait3A_160 : memref<10000x64xf32, #tpu.memory_space<hbm>>) dst(%dma_wait3A_154 : memref<128x64xf32, #tpu.memory_space<vmem>>)
    %dma_wait3A_161 = arith.constant 6 : i32
    %dma_wait3A_162 = arith.constant 768 : i32
    %dma_wait3A_163 = arith.constant 0 : i32
    %dma_wait3A_164 = tpu.memref_slice %arg9[%dma_wait3A_162, %dma_wait3A_163] : memref<1280x64xf32, #tpu.memory_space<vmem>> -> memref<128x64xf32, #tpu.memory_space<vmem>>
    %dma_wait3A_165 = arith.constant 0 : i32
    %dma_wait3A_166 = tpu.memref_slice %arg8[%dma_wait3A_161, %dma_wait3A_165] : memref<10x128xi32, #tpu.memory_space<vmem>> -> memref<1x128xi32, #tpu.memory_space<vmem>>
    %dma_wait3A_167 = tpu.memref_squeeze %dma_wait3A_166 : memref<1x128xi32, #tpu.memory_space<vmem>> -> memref<128xi32, #tpu.memory_space<vmem>>
    %dma_wait3A_168 = arith.constant 0 : i32
    %dma_wait3A_169 = arith.constant 0 : i32
    %dma_wait3A_170 = tpu.memref_slice %arg2[%dma_wait3A_168, %dma_wait3A_169] : memref<10000x64xf32, #tpu.memory_space<hbm>> -> memref<10000x64xf32, #tpu.memory_space<hbm>>
    tpu.wait_indirect_dma semaphore(%arg10 : memref<!tpu.dma_semaphore, #tpu.memory_space<semaphore_mem>>) src(%dma_wait3A_170 : memref<10000x64xf32, #tpu.memory_space<hbm>>) dst(%dma_wait3A_164 : memref<128x64xf32, #tpu.memory_space<vmem>>)
    %dma_wait3A_171 = arith.constant 7 : i32
    %dma_wait3A_172 = arith.constant 896 : i32
    %dma_wait3A_173 = arith.constant 0 : i32
    %dma_wait3A_174 = tpu.memref_slice %arg9[%dma_wait3A_172, %dma_wait3A_173] : memref<1280x64xf32, #tpu.memory_space<vmem>> -> memref<128x64xf32, #tpu.memory_space<vmem>>
    %dma_wait3A_175 = arith.constant 0 : i32
    %dma_wait3A_176 = tpu.memref_slice %arg8[%dma_wait3A_171, %dma_wait3A_175] : memref<10x128xi32, #tpu.memory_space<vmem>> -> memref<1x128xi32, #tpu.memory_space<vmem>>
    %dma_wait3A_177 = tpu.memref_squeeze %dma_wait3A_176 : memref<1x128xi32, #tpu.memory_space<vmem>> -> memref<128xi32, #tpu.memory_space<vmem>>
    %dma_wait3A_178 = arith.constant 0 : i32
    %dma_wait3A_179 = arith.constant 0 : i32
    %dma_wait3A_180 = tpu.memref_slice %arg2[%dma_wait3A_178, %dma_wait3A_179] : memref<10000x64xf32, #tpu.memory_space<hbm>> -> memref<10000x64xf32, #tpu.memory_space<hbm>>
    tpu.wait_indirect_dma semaphore(%arg10 : memref<!tpu.dma_semaphore, #tpu.memory_space<semaphore_mem>>) src(%dma_wait3A_180 : memref<10000x64xf32, #tpu.memory_space<hbm>>) dst(%dma_wait3A_174 : memref<128x64xf32, #tpu.memory_space<vmem>>)
    %dma_wait3A_181 = arith.constant 8 : i32
    %dma_wait3A_182 = arith.constant 1024 : i32
    %dma_wait3A_183 = arith.constant 0 : i32
    %dma_wait3A_184 = tpu.memref_slice %arg9[%dma_wait3A_182, %dma_wait3A_183] : memref<1280x64xf32, #tpu.memory_space<vmem>> -> memref<128x64xf32, #tpu.memory_space<vmem>>
    %dma_wait3A_185 = arith.constant 0 : i32
    %dma_wait3A_186 = tpu.memref_slice %arg8[%dma_wait3A_181, %dma_wait3A_185] : memref<10x128xi32, #tpu.memory_space<vmem>> -> memref<1x128xi32, #tpu.memory_space<vmem>>
    %dma_wait3A_187 = tpu.memref_squeeze %dma_wait3A_186 : memref<1x128xi32, #tpu.memory_space<vmem>> -> memref<128xi32, #tpu.memory_space<vmem>>
    %dma_wait3A_188 = arith.constant 0 : i32
    %dma_wait3A_189 = arith.constant 0 : i32
    %dma_wait3A_190 = tpu.memref_slice %arg2[%dma_wait3A_188, %dma_wait3A_189] : memref<10000x64xf32, #tpu.memory_space<hbm>> -> memref<10000x64xf32, #tpu.memory_space<hbm>>
    tpu.wait_indirect_dma semaphore(%arg10 : memref<!tpu.dma_semaphore, #tpu.memory_space<semaphore_mem>>) src(%dma_wait3A_190 : memref<10000x64xf32, #tpu.memory_space<hbm>>) dst(%dma_wait3A_184 : memref<128x64xf32, #tpu.memory_space<vmem>>)
    %dma_wait3A_191 = arith.constant 9 : i32
    %dma_wait3A_192 = arith.constant 1152 : i32
    %dma_wait3A_193 = arith.constant 0 : i32
    %dma_wait3A_194 = tpu.memref_slice %arg9[%dma_wait3A_192, %dma_wait3A_193] : memref<1280x64xf32, #tpu.memory_space<vmem>> -> memref<128x64xf32, #tpu.memory_space<vmem>>
    %dma_wait3A_195 = arith.constant 0 : i32
    %dma_wait3A_196 = tpu.memref_slice %arg8[%dma_wait3A_191, %dma_wait3A_195] : memref<10x128xi32, #tpu.memory_space<vmem>> -> memref<1x128xi32, #tpu.memory_space<vmem>>
    %dma_wait3A_197 = tpu.memref_squeeze %dma_wait3A_196 : memref<1x128xi32, #tpu.memory_space<vmem>> -> memref<128xi32, #tpu.memory_space<vmem>>
    %dma_wait3A_198 = arith.constant 0 : i32
    %dma_wait3A_199 = arith.constant 0 : i32
    %dma_wait3A_200 = tpu.memref_slice %arg2[%dma_wait3A_198, %dma_wait3A_199] : memref<10000x64xf32, #tpu.memory_space<hbm>> -> memref<10000x64xf32, #tpu.memory_space<hbm>>
    tpu.wait_indirect_dma semaphore(%arg10 : memref<!tpu.dma_semaphore, #tpu.memory_space<semaphore_mem>>) src(%dma_wait3A_200 : memref<10000x64xf32, #tpu.memory_space<hbm>>) dst(%dma_wait3A_194 : memref<128x64xf32, #tpu.memory_space<vmem>>)
    "tpu.region"() ({
      %run_scoped3A = tpu.sem_alloc : memref<!tpu.dma_semaphore, #tpu.memory_space<semaphore_mem>>
      %dma_start3A_401 = arith.constant 0 : i32
      %dma_start3A_402 = tpu.memref_slice %arg6[%mul3A_2, %dma_start3A_401] : memref<40960x64xf32, #tpu.memory_space<hbm>> -> memref<1280x64xf32, #tpu.memory_space<hbm>>
      %dma_start3A_403 = arith.constant 0 : i32
      %dma_start3A_404 = tpu.memref_slice %arg6[%mul3A_2, %dma_start3A_403] : memref<40960x64xf32, #tpu.memory_space<hbm>> -> memref<1280x64xf32, #tpu.memory_space<hbm>>
      tpu.enqueue_dma source(%arg9 : memref<1280x64xf32, #tpu.memory_space<vmem>>) target(%dma_start3A_404 : memref<1280x64xf32, #tpu.memory_space<hbm>>) target_semaphore(%run_scoped3A : memref<!tpu.dma_semaphore, #tpu.memory_space<semaphore_mem>>)
      %dma_wait3A_405 = arith.constant 0 : i32
      %dma_wait3A_406 = tpu.memref_slice %arg6[%mul3A_2, %dma_wait3A_405] : memref<40960x64xf32, #tpu.memory_space<hbm>> -> memref<1280x64xf32, #tpu.memory_space<hbm>>
      %dma_wait3A_407 = arith.constant 0 : i32
      %dma_wait3A_408 = tpu.memref_slice %arg6[%mul3A_2, %dma_wait3A_407] : memref<40960x64xf32, #tpu.memory_space<hbm>> -> memref<1280x64xf32, #tpu.memory_space<hbm>>
      tpu.wait_dma2 semaphore(%run_scoped3A : memref<!tpu.dma_semaphore, #tpu.memory_space<semaphore_mem>>) src(%arg9 : memref<1280x64xf32, #tpu.memory_space<vmem>>) dst(%dma_wait3A_408 : memref<1280x64xf32, #tpu.memory_space<hbm>>)
      tpu.yield
    }) : () -> ()
    "tpu.region"() ({
      %run_scoped3A = tpu.sem_alloc : memref<!tpu.dma_semaphore, #tpu.memory_space<semaphore_mem>>
      %dma_start3A_401 = arith.constant 0 : i32
      %dma_start3A_402 = arith.constant 0 : i32
      %dma_start3A_403 = tpu.memref_slice %arg5[%add3A, %dma_start3A_401, %dma_start3A_402] : memref<32x10x128xi32, #tpu.memory_space<hbm>> -> memref<1x10x128xi32, #tpu.memory_space<hbm>>
      %dma_start3A_404 = tpu.memref_squeeze %dma_start3A_403 : memref<1x10x128xi32, #tpu.memory_space<hbm>> -> memref<10x128xi32, #tpu.memory_space<hbm>>
      %dma_start3A_405 = arith.constant 0 : i32
      %dma_start3A_406 = arith.constant 0 : i32
      %dma_start3A_407 = tpu.memref_slice %arg5[%add3A, %dma_start3A_405, %dma_start3A_406] : memref<32x10x128xi32, #tpu.memory_space<hbm>> -> memref<1x10x128xi32, #tpu.memory_space<hbm>>
      %dma_start3A_408 = tpu.memref_squeeze %dma_start3A_407 : memref<1x10x128xi32, #tpu.memory_space<hbm>> -> memref<10x128xi32, #tpu.memory_space<hbm>>
      tpu.enqueue_dma source(%dma_start3A_408 : memref<10x128xi32, #tpu.memory_space<hbm>>) target(%arg8 : memref<10x128xi32, #tpu.memory_space<vmem>>) target_semaphore(%run_scoped3A : memref<!tpu.dma_semaphore, #tpu.memory_space<semaphore_mem>>)
      %dma_wait3A_409 = arith.constant 0 : i32
      %dma_wait3A_410 = arith.constant 0 : i32
      %dma_wait3A_411 = tpu.memref_slice %arg5[%add3A, %dma_wait3A_409, %dma_wait3A_410] : memref<32x10x128xi32, #tpu.memory_space<hbm>> -> memref<1x10x128xi32, #tpu.memory_space<hbm>>
      %dma_wait3A_412 = tpu.memref_squeeze %dma_wait3A_411 : memref<1x10x128xi32, #tpu.memory_space<hbm>> -> memref<10x128xi32, #tpu.memory_space<hbm>>
      %dma_wait3A_413 = arith.constant 0 : i32
      %dma_wait3A_414 = arith.constant 0 : i32
      %dma_wait3A_415 = tpu.memref_slice %arg5[%add3A, %dma_wait3A_413, %dma_wait3A_414] : memref<32x10x128xi32, #tpu.memory_space<hbm>> -> memref<1x10x128xi32, #tpu.memory_space<hbm>>
      %dma_wait3A_416 = tpu.memref_squeeze %dma_wait3A_415 : memref<1x10x128xi32, #tpu.memory_space<hbm>> -> memref<10x128xi32, #tpu.memory_space<hbm>>
      tpu.wait_dma2 semaphore(%run_scoped3A : memref<!tpu.dma_semaphore, #tpu.memory_space<semaphore_mem>>) src(%dma_wait3A_416 : memref<10x128xi32, #tpu.memory_space<hbm>>) dst(%arg8 : memref<10x128xi32, #tpu.memory_space<vmem>>)
      tpu.yield
    }) : () -> ()
    %dma_start3A_201 = arith.constant 0 : i32
    %dma_start3A_202 = arith.constant 0 : i32
    %dma_start3A_203 = arith.constant 0 : i32
    %dma_start3A_204 = tpu.memref_slice %arg9[%dma_start3A_202, %dma_start3A_203] : memref<1280x64xf32, #tpu.memory_space<vmem>> -> memref<128x64xf32, #tpu.memory_space<vmem>>
    %dma_start3A_205 = arith.constant 0 : i32
    %dma_start3A_206 = tpu.memref_slice %arg8[%dma_start3A_201, %dma_start3A_205] : memref<10x128xi32, #tpu.memory_space<vmem>> -> memref<1x128xi32, #tpu.memory_space<vmem>>
    %dma_start3A_207 = tpu.memref_squeeze %dma_start3A_206 : memref<1x128xi32, #tpu.memory_space<vmem>> -> memref<128xi32, #tpu.memory_space<vmem>>
    %dma_start3A_208 = arith.constant 0 : i32
    %dma_start3A_209 = arith.constant 0 : i32
    %dma_start3A_210 = tpu.memref_slice %arg3[%dma_start3A_208, %dma_start3A_209] : memref<30000x64xf32, #tpu.memory_space<hbm>> -> memref<30000x64xf32, #tpu.memory_space<hbm>>
    tpu.enqueue_indirect_dma source(%dma_start3A_210 : memref<30000x64xf32, #tpu.memory_space<hbm>>) target(%dma_start3A_204 : memref<128x64xf32, #tpu.memory_space<vmem>>) offsets(%dma_start3A_207 : memref<128xi32, #tpu.memory_space<vmem>>) semaphore(%arg10 : memref<!tpu.dma_semaphore, #tpu.memory_space<semaphore_mem>>)
    %dma_start3A_211 = arith.constant 1 : i32
    %dma_start3A_212 = arith.constant 128 : i32
    %dma_start3A_213 = arith.constant 0 : i32
    %dma_start3A_214 = tpu.memref_slice %arg9[%dma_start3A_212, %dma_start3A_213] : memref<1280x64xf32, #tpu.memory_space<vmem>> -> memref<128x64xf32, #tpu.memory_space<vmem>>
    %dma_start3A_215 = arith.constant 0 : i32
    %dma_start3A_216 = tpu.memref_slice %arg8[%dma_start3A_211, %dma_start3A_215] : memref<10x128xi32, #tpu.memory_space<vmem>> -> memref<1x128xi32, #tpu.memory_space<vmem>>
    %dma_start3A_217 = tpu.memref_squeeze %dma_start3A_216 : memref<1x128xi32, #tpu.memory_space<vmem>> -> memref<128xi32, #tpu.memory_space<vmem>>
    %dma_start3A_218 = arith.constant 0 : i32
    %dma_start3A_219 = arith.constant 0 : i32
    %dma_start3A_220 = tpu.memref_slice %arg3[%dma_start3A_218, %dma_start3A_219] : memref<30000x64xf32, #tpu.memory_space<hbm>> -> memref<30000x64xf32, #tpu.memory_space<hbm>>
    tpu.enqueue_indirect_dma source(%dma_start3A_220 : memref<30000x64xf32, #tpu.memory_space<hbm>>) target(%dma_start3A_214 : memref<128x64xf32, #tpu.memory_space<vmem>>) offsets(%dma_start3A_217 : memref<128xi32, #tpu.memory_space<vmem>>) semaphore(%arg10 : memref<!tpu.dma_semaphore, #tpu.memory_space<semaphore_mem>>)
    %dma_start3A_221 = arith.constant 2 : i32
    %dma_start3A_222 = arith.constant 256 : i32
    %dma_start3A_223 = arith.constant 0 : i32
    %dma_start3A_224 = tpu.memref_slice %arg9[%dma_start3A_222, %dma_start3A_223] : memref<1280x64xf32, #tpu.memory_space<vmem>> -> memref<128x64xf32, #tpu.memory_space<vmem>>
    %dma_start3A_225 = arith.constant 0 : i32
    %dma_start3A_226 = tpu.memref_slice %arg8[%dma_start3A_221, %dma_start3A_225] : memref<10x128xi32, #tpu.memory_space<vmem>> -> memref<1x128xi32, #tpu.memory_space<vmem>>
    %dma_start3A_227 = tpu.memref_squeeze %dma_start3A_226 : memref<1x128xi32, #tpu.memory_space<vmem>> -> memref<128xi32, #tpu.memory_space<vmem>>
    %dma_start3A_228 = arith.constant 0 : i32
    %dma_start3A_229 = arith.constant 0 : i32
    %dma_start3A_230 = tpu.memref_slice %arg3[%dma_start3A_228, %dma_start3A_229] : memref<30000x64xf32, #tpu.memory_space<hbm>> -> memref<30000x64xf32, #tpu.memory_space<hbm>>
    tpu.enqueue_indirect_dma source(%dma_start3A_230 : memref<30000x64xf32, #tpu.memory_space<hbm>>) target(%dma_start3A_224 : memref<128x64xf32, #tpu.memory_space<vmem>>) offsets(%dma_start3A_227 : memref<128xi32, #tpu.memory_space<vmem>>) semaphore(%arg10 : memref<!tpu.dma_semaphore, #tpu.memory_space<semaphore_mem>>)
    %dma_start3A_231 = arith.constant 3 : i32
    %dma_start3A_232 = arith.constant 384 : i32
    %dma_start3A_233 = arith.constant 0 : i32
    %dma_start3A_234 = tpu.memref_slice %arg9[%dma_start3A_232, %dma_start3A_233] : memref<1280x64xf32, #tpu.memory_space<vmem>> -> memref<128x64xf32, #tpu.memory_space<vmem>>
    %dma_start3A_235 = arith.constant 0 : i32
    %dma_start3A_236 = tpu.memref_slice %arg8[%dma_start3A_231, %dma_start3A_235] : memref<10x128xi32, #tpu.memory_space<vmem>> -> memref<1x128xi32, #tpu.memory_space<vmem>>
    %dma_start3A_237 = tpu.memref_squeeze %dma_start3A_236 : memref<1x128xi32, #tpu.memory_space<vmem>> -> memref<128xi32, #tpu.memory_space<vmem>>
    %dma_start3A_238 = arith.constant 0 : i32
    %dma_start3A_239 = arith.constant 0 : i32
    %dma_start3A_240 = tpu.memref_slice %arg3[%dma_start3A_238, %dma_start3A_239] : memref<30000x64xf32, #tpu.memory_space<hbm>> -> memref<30000x64xf32, #tpu.memory_space<hbm>>
    tpu.enqueue_indirect_dma source(%dma_start3A_240 : memref<30000x64xf32, #tpu.memory_space<hbm>>) target(%dma_start3A_234 : memref<128x64xf32, #tpu.memory_space<vmem>>) offsets(%dma_start3A_237 : memref<128xi32, #tpu.memory_space<vmem>>) semaphore(%arg10 : memref<!tpu.dma_semaphore, #tpu.memory_space<semaphore_mem>>)
    %dma_start3A_241 = arith.constant 4 : i32
    %dma_start3A_242 = arith.constant 512 : i32
    %dma_start3A_243 = arith.constant 0 : i32
    %dma_start3A_244 = tpu.memref_slice %arg9[%dma_start3A_242, %dma_start3A_243] : memref<1280x64xf32, #tpu.memory_space<vmem>> -> memref<128x64xf32, #tpu.memory_space<vmem>>
    %dma_start3A_245 = arith.constant 0 : i32
    %dma_start3A_246 = tpu.memref_slice %arg8[%dma_start3A_241, %dma_start3A_245] : memref<10x128xi32, #tpu.memory_space<vmem>> -> memref<1x128xi32, #tpu.memory_space<vmem>>
    %dma_start3A_247 = tpu.memref_squeeze %dma_start3A_246 : memref<1x128xi32, #tpu.memory_space<vmem>> -> memref<128xi32, #tpu.memory_space<vmem>>
    %dma_start3A_248 = arith.constant 0 : i32
    %dma_start3A_249 = arith.constant 0 : i32
    %dma_start3A_250 = tpu.memref_slice %arg3[%dma_start3A_248, %dma_start3A_249] : memref<30000x64xf32, #tpu.memory_space<hbm>> -> memref<30000x64xf32, #tpu.memory_space<hbm>>
    tpu.enqueue_indirect_dma source(%dma_start3A_250 : memref<30000x64xf32, #tpu.memory_space<hbm>>) target(%dma_start3A_244 : memref<128x64xf32, #tpu.memory_space<vmem>>) offsets(%dma_start3A_247 : memref<128xi32, #tpu.memory_space<vmem>>) semaphore(%arg10 : memref<!tpu.dma_semaphore, #tpu.memory_space<semaphore_mem>>)
    %dma_start3A_251 = arith.constant 5 : i32
    %dma_start3A_252 = arith.constant 640 : i32
    %dma_start3A_253 = arith.constant 0 : i32
    %dma_start3A_254 = tpu.memref_slice %arg9[%dma_start3A_252, %dma_start3A_253] : memref<1280x64xf32, #tpu.memory_space<vmem>> -> memref<128x64xf32, #tpu.memory_space<vmem>>
    %dma_start3A_255 = arith.constant 0 : i32
    %dma_start3A_256 = tpu.memref_slice %arg8[%dma_start3A_251, %dma_start3A_255] : memref<10x128xi32, #tpu.memory_space<vmem>> -> memref<1x128xi32, #tpu.memory_space<vmem>>
    %dma_start3A_257 = tpu.memref_squeeze %dma_start3A_256 : memref<1x128xi32, #tpu.memory_space<vmem>> -> memref<128xi32, #tpu.memory_space<vmem>>
    %dma_start3A_258 = arith.constant 0 : i32
    %dma_start3A_259 = arith.constant 0 : i32
    %dma_start3A_260 = tpu.memref_slice %arg3[%dma_start3A_258, %dma_start3A_259] : memref<30000x64xf32, #tpu.memory_space<hbm>> -> memref<30000x64xf32, #tpu.memory_space<hbm>>
    tpu.enqueue_indirect_dma source(%dma_start3A_260 : memref<30000x64xf32, #tpu.memory_space<hbm>>) target(%dma_start3A_254 : memref<128x64xf32, #tpu.memory_space<vmem>>) offsets(%dma_start3A_257 : memref<128xi32, #tpu.memory_space<vmem>>) semaphore(%arg10 : memref<!tpu.dma_semaphore, #tpu.memory_space<semaphore_mem>>)
    %dma_start3A_261 = arith.constant 6 : i32
    %dma_start3A_262 = arith.constant 768 : i32
    %dma_start3A_263 = arith.constant 0 : i32
    %dma_start3A_264 = tpu.memref_slice %arg9[%dma_start3A_262, %dma_start3A_263] : memref<1280x64xf32, #tpu.memory_space<vmem>> -> memref<128x64xf32, #tpu.memory_space<vmem>>
    %dma_start3A_265 = arith.constant 0 : i32
    %dma_start3A_266 = tpu.memref_slice %arg8[%dma_start3A_261, %dma_start3A_265] : memref<10x128xi32, #tpu.memory_space<vmem>> -> memref<1x128xi32, #tpu.memory_space<vmem>>
    %dma_start3A_267 = tpu.memref_squeeze %dma_start3A_266 : memref<1x128xi32, #tpu.memory_space<vmem>> -> memref<128xi32, #tpu.memory_space<vmem>>
    %dma_start3A_268 = arith.constant 0 : i32
    %dma_start3A_269 = arith.constant 0 : i32
    %dma_start3A_270 = tpu.memref_slice %arg3[%dma_start3A_268, %dma_start3A_269] : memref<30000x64xf32, #tpu.memory_space<hbm>> -> memref<30000x64xf32, #tpu.memory_space<hbm>>
    tpu.enqueue_indirect_dma source(%dma_start3A_270 : memref<30000x64xf32, #tpu.memory_space<hbm>>) target(%dma_start3A_264 : memref<128x64xf32, #tpu.memory_space<vmem>>) offsets(%dma_start3A_267 : memref<128xi32, #tpu.memory_space<vmem>>) semaphore(%arg10 : memref<!tpu.dma_semaphore, #tpu.memory_space<semaphore_mem>>)
    %dma_start3A_271 = arith.constant 7 : i32
    %dma_start3A_272 = arith.constant 896 : i32
    %dma_start3A_273 = arith.constant 0 : i32
    %dma_start3A_274 = tpu.memref_slice %arg9[%dma_start3A_272, %dma_start3A_273] : memref<1280x64xf32, #tpu.memory_space<vmem>> -> memref<128x64xf32, #tpu.memory_space<vmem>>
    %dma_start3A_275 = arith.constant 0 : i32
    %dma_start3A_276 = tpu.memref_slice %arg8[%dma_start3A_271, %dma_start3A_275] : memref<10x128xi32, #tpu.memory_space<vmem>> -> memref<1x128xi32, #tpu.memory_space<vmem>>
    %dma_start3A_277 = tpu.memref_squeeze %dma_start3A_276 : memref<1x128xi32, #tpu.memory_space<vmem>> -> memref<128xi32, #tpu.memory_space<vmem>>
    %dma_start3A_278 = arith.constant 0 : i32
    %dma_start3A_279 = arith.constant 0 : i32
    %dma_start3A_280 = tpu.memref_slice %arg3[%dma_start3A_278, %dma_start3A_279] : memref<30000x64xf32, #tpu.memory_space<hbm>> -> memref<30000x64xf32, #tpu.memory_space<hbm>>
    tpu.enqueue_indirect_dma source(%dma_start3A_280 : memref<30000x64xf32, #tpu.memory_space<hbm>>) target(%dma_start3A_274 : memref<128x64xf32, #tpu.memory_space<vmem>>) offsets(%dma_start3A_277 : memref<128xi32, #tpu.memory_space<vmem>>) semaphore(%arg10 : memref<!tpu.dma_semaphore, #tpu.memory_space<semaphore_mem>>)
    %dma_start3A_281 = arith.constant 8 : i32
    %dma_start3A_282 = arith.constant 1024 : i32
    %dma_start3A_283 = arith.constant 0 : i32
    %dma_start3A_284 = tpu.memref_slice %arg9[%dma_start3A_282, %dma_start3A_283] : memref<1280x64xf32, #tpu.memory_space<vmem>> -> memref<128x64xf32, #tpu.memory_space<vmem>>
    %dma_start3A_285 = arith.constant 0 : i32
    %dma_start3A_286 = tpu.memref_slice %arg8[%dma_start3A_281, %dma_start3A_285] : memref<10x128xi32, #tpu.memory_space<vmem>> -> memref<1x128xi32, #tpu.memory_space<vmem>>
    %dma_start3A_287 = tpu.memref_squeeze %dma_start3A_286 : memref<1x128xi32, #tpu.memory_space<vmem>> -> memref<128xi32, #tpu.memory_space<vmem>>
    %dma_start3A_288 = arith.constant 0 : i32
    %dma_start3A_289 = arith.constant 0 : i32
    %dma_start3A_290 = tpu.memref_slice %arg3[%dma_start3A_288, %dma_start3A_289] : memref<30000x64xf32, #tpu.memory_space<hbm>> -> memref<30000x64xf32, #tpu.memory_space<hbm>>
    tpu.enqueue_indirect_dma source(%dma_start3A_290 : memref<30000x64xf32, #tpu.memory_space<hbm>>) target(%dma_start3A_284 : memref<128x64xf32, #tpu.memory_space<vmem>>) offsets(%dma_start3A_287 : memref<128xi32, #tpu.memory_space<vmem>>) semaphore(%arg10 : memref<!tpu.dma_semaphore, #tpu.memory_space<semaphore_mem>>)
    %dma_start3A_291 = arith.constant 9 : i32
    %dma_start3A_292 = arith.constant 1152 : i32
    %dma_start3A_293 = arith.constant 0 : i32
    %dma_start3A_294 = tpu.memref_slice %arg9[%dma_start3A_292, %dma_start3A_293] : memref<1280x64xf32, #tpu.memory_space<vmem>> -> memref<128x64xf32, #tpu.memory_space<vmem>>
    %dma_start3A_295 = arith.constant 0 : i32
    %dma_start3A_296 = tpu.memref_slice %arg8[%dma_start3A_291, %dma_start3A_295] : memref<10x128xi32, #tpu.memory_space<vmem>> -> memref<1x128xi32, #tpu.memory_space<vmem>>
    %dma_start3A_297 = tpu.memref_squeeze %dma_start3A_296 : memref<1x128xi32, #tpu.memory_space<vmem>> -> memref<128xi32, #tpu.memory_space<vmem>>
    %dma_start3A_298 = arith.constant 0 : i32
    %dma_start3A_299 = arith.constant 0 : i32
    %dma_start3A_300 = tpu.memref_slice %arg3[%dma_start3A_298, %dma_start3A_299] : memref<30000x64xf32, #tpu.memory_space<hbm>> -> memref<30000x64xf32, #tpu.memory_space<hbm>>
    tpu.enqueue_indirect_dma source(%dma_start3A_300 : memref<30000x64xf32, #tpu.memory_space<hbm>>) target(%dma_start3A_294 : memref<128x64xf32, #tpu.memory_space<vmem>>) offsets(%dma_start3A_297 : memref<128xi32, #tpu.memory_space<vmem>>) semaphore(%arg10 : memref<!tpu.dma_semaphore, #tpu.memory_space<semaphore_mem>>)
    %dma_wait3A_301 = arith.constant 0 : i32
    %dma_wait3A_302 = arith.constant 0 : i32
    %dma_wait3A_303 = arith.constant 0 : i32
    %dma_wait3A_304 = tpu.memref_slice %arg9[%dma_wait3A_302, %dma_wait3A_303] : memref<1280x64xf32, #tpu.memory_space<vmem>> -> memref<128x64xf32, #tpu.memory_space<vmem>>
    %dma_wait3A_305 = arith.constant 0 : i32
    %dma_wait3A_306 = tpu.memref_slice %arg8[%dma_wait3A_301, %dma_wait3A_305] : memref<10x128xi32, #tpu.memory_space<vmem>> -> memref<1x128xi32, #tpu.memory_space<vmem>>
    %dma_wait3A_307 = tpu.memref_squeeze %dma_wait3A_306 : memref<1x128xi32, #tpu.memory_space<vmem>> -> memref<128xi32, #tpu.memory_space<vmem>>
    %dma_wait3A_308 = arith.constant 0 : i32
    %dma_wait3A_309 = arith.constant 0 : i32
    %dma_wait3A_310 = tpu.memref_slice %arg3[%dma_wait3A_308, %dma_wait3A_309] : memref<30000x64xf32, #tpu.memory_space<hbm>> -> memref<30000x64xf32, #tpu.memory_space<hbm>>
    tpu.wait_indirect_dma semaphore(%arg10 : memref<!tpu.dma_semaphore, #tpu.memory_space<semaphore_mem>>) src(%dma_wait3A_310 : memref<30000x64xf32, #tpu.memory_space<hbm>>) dst(%dma_wait3A_304 : memref<128x64xf32, #tpu.memory_space<vmem>>)
    %dma_wait3A_311 = arith.constant 1 : i32
    %dma_wait3A_312 = arith.constant 128 : i32
    %dma_wait3A_313 = arith.constant 0 : i32
    %dma_wait3A_314 = tpu.memref_slice %arg9[%dma_wait3A_312, %dma_wait3A_313] : memref<1280x64xf32, #tpu.memory_space<vmem>> -> memref<128x64xf32, #tpu.memory_space<vmem>>
    %dma_wait3A_315 = arith.constant 0 : i32
    %dma_wait3A_316 = tpu.memref_slice %arg8[%dma_wait3A_311, %dma_wait3A_315] : memref<10x128xi32, #tpu.memory_space<vmem>> -> memref<1x128xi32, #tpu.memory_space<vmem>>
    %dma_wait3A_317 = tpu.memref_squeeze %dma_wait3A_316 : memref<1x128xi32, #tpu.memory_space<vmem>> -> memref<128xi32, #tpu.memory_space<vmem>>
    %dma_wait3A_318 = arith.constant 0 : i32
    %dma_wait3A_319 = arith.constant 0 : i32
    %dma_wait3A_320 = tpu.memref_slice %arg3[%dma_wait3A_318, %dma_wait3A_319] : memref<30000x64xf32, #tpu.memory_space<hbm>> -> memref<30000x64xf32, #tpu.memory_space<hbm>>
    tpu.wait_indirect_dma semaphore(%arg10 : memref<!tpu.dma_semaphore, #tpu.memory_space<semaphore_mem>>) src(%dma_wait3A_320 : memref<30000x64xf32, #tpu.memory_space<hbm>>) dst(%dma_wait3A_314 : memref<128x64xf32, #tpu.memory_space<vmem>>)
    %dma_wait3A_321 = arith.constant 2 : i32
    %dma_wait3A_322 = arith.constant 256 : i32
    %dma_wait3A_323 = arith.constant 0 : i32
    %dma_wait3A_324 = tpu.memref_slice %arg9[%dma_wait3A_322, %dma_wait3A_323] : memref<1280x64xf32, #tpu.memory_space<vmem>> -> memref<128x64xf32, #tpu.memory_space<vmem>>
    %dma_wait3A_325 = arith.constant 0 : i32
    %dma_wait3A_326 = tpu.memref_slice %arg8[%dma_wait3A_321, %dma_wait3A_325] : memref<10x128xi32, #tpu.memory_space<vmem>> -> memref<1x128xi32, #tpu.memory_space<vmem>>
    %dma_wait3A_327 = tpu.memref_squeeze %dma_wait3A_326 : memref<1x128xi32, #tpu.memory_space<vmem>> -> memref<128xi32, #tpu.memory_space<vmem>>
    %dma_wait3A_328 = arith.constant 0 : i32
    %dma_wait3A_329 = arith.constant 0 : i32
    %dma_wait3A_330 = tpu.memref_slice %arg3[%dma_wait3A_328, %dma_wait3A_329] : memref<30000x64xf32, #tpu.memory_space<hbm>> -> memref<30000x64xf32, #tpu.memory_space<hbm>>
    tpu.wait_indirect_dma semaphore(%arg10 : memref<!tpu.dma_semaphore, #tpu.memory_space<semaphore_mem>>) src(%dma_wait3A_330 : memref<30000x64xf32, #tpu.memory_space<hbm>>) dst(%dma_wait3A_324 : memref<128x64xf32, #tpu.memory_space<vmem>>)
    %dma_wait3A_331 = arith.constant 3 : i32
    %dma_wait3A_332 = arith.constant 384 : i32
    %dma_wait3A_333 = arith.constant 0 : i32
    %dma_wait3A_334 = tpu.memref_slice %arg9[%dma_wait3A_332, %dma_wait3A_333] : memref<1280x64xf32, #tpu.memory_space<vmem>> -> memref<128x64xf32, #tpu.memory_space<vmem>>
    %dma_wait3A_335 = arith.constant 0 : i32
    %dma_wait3A_336 = tpu.memref_slice %arg8[%dma_wait3A_331, %dma_wait3A_335] : memref<10x128xi32, #tpu.memory_space<vmem>> -> memref<1x128xi32, #tpu.memory_space<vmem>>
    %dma_wait3A_337 = tpu.memref_squeeze %dma_wait3A_336 : memref<1x128xi32, #tpu.memory_space<vmem>> -> memref<128xi32, #tpu.memory_space<vmem>>
    %dma_wait3A_338 = arith.constant 0 : i32
    %dma_wait3A_339 = arith.constant 0 : i32
    %dma_wait3A_340 = tpu.memref_slice %arg3[%dma_wait3A_338, %dma_wait3A_339] : memref<30000x64xf32, #tpu.memory_space<hbm>> -> memref<30000x64xf32, #tpu.memory_space<hbm>>
    tpu.wait_indirect_dma semaphore(%arg10 : memref<!tpu.dma_semaphore, #tpu.memory_space<semaphore_mem>>) src(%dma_wait3A_340 : memref<30000x64xf32, #tpu.memory_space<hbm>>) dst(%dma_wait3A_334 : memref<128x64xf32, #tpu.memory_space<vmem>>)
    %dma_wait3A_341 = arith.constant 4 : i32
    %dma_wait3A_342 = arith.constant 512 : i32
    %dma_wait3A_343 = arith.constant 0 : i32
    %dma_wait3A_344 = tpu.memref_slice %arg9[%dma_wait3A_342, %dma_wait3A_343] : memref<1280x64xf32, #tpu.memory_space<vmem>> -> memref<128x64xf32, #tpu.memory_space<vmem>>
    %dma_wait3A_345 = arith.constant 0 : i32
    %dma_wait3A_346 = tpu.memref_slice %arg8[%dma_wait3A_341, %dma_wait3A_345] : memref<10x128xi32, #tpu.memory_space<vmem>> -> memref<1x128xi32, #tpu.memory_space<vmem>>
    %dma_wait3A_347 = tpu.memref_squeeze %dma_wait3A_346 : memref<1x128xi32, #tpu.memory_space<vmem>> -> memref<128xi32, #tpu.memory_space<vmem>>
    %dma_wait3A_348 = arith.constant 0 : i32
    %dma_wait3A_349 = arith.constant 0 : i32
    %dma_wait3A_350 = tpu.memref_slice %arg3[%dma_wait3A_348, %dma_wait3A_349] : memref<30000x64xf32, #tpu.memory_space<hbm>> -> memref<30000x64xf32, #tpu.memory_space<hbm>>
    tpu.wait_indirect_dma semaphore(%arg10 : memref<!tpu.dma_semaphore, #tpu.memory_space<semaphore_mem>>) src(%dma_wait3A_350 : memref<30000x64xf32, #tpu.memory_space<hbm>>) dst(%dma_wait3A_344 : memref<128x64xf32, #tpu.memory_space<vmem>>)
    %dma_wait3A_351 = arith.constant 5 : i32
    %dma_wait3A_352 = arith.constant 640 : i32
    %dma_wait3A_353 = arith.constant 0 : i32
    %dma_wait3A_354 = tpu.memref_slice %arg9[%dma_wait3A_352, %dma_wait3A_353] : memref<1280x64xf32, #tpu.memory_space<vmem>> -> memref<128x64xf32, #tpu.memory_space<vmem>>
    %dma_wait3A_355 = arith.constant 0 : i32
    %dma_wait3A_356 = tpu.memref_slice %arg8[%dma_wait3A_351, %dma_wait3A_355] : memref<10x128xi32, #tpu.memory_space<vmem>> -> memref<1x128xi32, #tpu.memory_space<vmem>>
    %dma_wait3A_357 = tpu.memref_squeeze %dma_wait3A_356 : memref<1x128xi32, #tpu.memory_space<vmem>> -> memref<128xi32, #tpu.memory_space<vmem>>
    %dma_wait3A_358 = arith.constant 0 : i32
    %dma_wait3A_359 = arith.constant 0 : i32
    %dma_wait3A_360 = tpu.memref_slice %arg3[%dma_wait3A_358, %dma_wait3A_359] : memref<30000x64xf32, #tpu.memory_space<hbm>> -> memref<30000x64xf32, #tpu.memory_space<hbm>>
    tpu.wait_indirect_dma semaphore(%arg10 : memref<!tpu.dma_semaphore, #tpu.memory_space<semaphore_mem>>) src(%dma_wait3A_360 : memref<30000x64xf32, #tpu.memory_space<hbm>>) dst(%dma_wait3A_354 : memref<128x64xf32, #tpu.memory_space<vmem>>)
    %dma_wait3A_361 = arith.constant 6 : i32
    %dma_wait3A_362 = arith.constant 768 : i32
    %dma_wait3A_363 = arith.constant 0 : i32
    %dma_wait3A_364 = tpu.memref_slice %arg9[%dma_wait3A_362, %dma_wait3A_363] : memref<1280x64xf32, #tpu.memory_space<vmem>> -> memref<128x64xf32, #tpu.memory_space<vmem>>
    %dma_wait3A_365 = arith.constant 0 : i32
    %dma_wait3A_366 = tpu.memref_slice %arg8[%dma_wait3A_361, %dma_wait3A_365] : memref<10x128xi32, #tpu.memory_space<vmem>> -> memref<1x128xi32, #tpu.memory_space<vmem>>
    %dma_wait3A_367 = tpu.memref_squeeze %dma_wait3A_366 : memref<1x128xi32, #tpu.memory_space<vmem>> -> memref<128xi32, #tpu.memory_space<vmem>>
    %dma_wait3A_368 = arith.constant 0 : i32
    %dma_wait3A_369 = arith.constant 0 : i32
    %dma_wait3A_370 = tpu.memref_slice %arg3[%dma_wait3A_368, %dma_wait3A_369] : memref<30000x64xf32, #tpu.memory_space<hbm>> -> memref<30000x64xf32, #tpu.memory_space<hbm>>
    tpu.wait_indirect_dma semaphore(%arg10 : memref<!tpu.dma_semaphore, #tpu.memory_space<semaphore_mem>>) src(%dma_wait3A_370 : memref<30000x64xf32, #tpu.memory_space<hbm>>) dst(%dma_wait3A_364 : memref<128x64xf32, #tpu.memory_space<vmem>>)
    %dma_wait3A_371 = arith.constant 7 : i32
    %dma_wait3A_372 = arith.constant 896 : i32
    %dma_wait3A_373 = arith.constant 0 : i32
    %dma_wait3A_374 = tpu.memref_slice %arg9[%dma_wait3A_372, %dma_wait3A_373] : memref<1280x64xf32, #tpu.memory_space<vmem>> -> memref<128x64xf32, #tpu.memory_space<vmem>>
    %dma_wait3A_375 = arith.constant 0 : i32
    %dma_wait3A_376 = tpu.memref_slice %arg8[%dma_wait3A_371, %dma_wait3A_375] : memref<10x128xi32, #tpu.memory_space<vmem>> -> memref<1x128xi32, #tpu.memory_space<vmem>>
    %dma_wait3A_377 = tpu.memref_squeeze %dma_wait3A_376 : memref<1x128xi32, #tpu.memory_space<vmem>> -> memref<128xi32, #tpu.memory_space<vmem>>
    %dma_wait3A_378 = arith.constant 0 : i32
    %dma_wait3A_379 = arith.constant 0 : i32
    %dma_wait3A_380 = tpu.memref_slice %arg3[%dma_wait3A_378, %dma_wait3A_379] : memref<30000x64xf32, #tpu.memory_space<hbm>> -> memref<30000x64xf32, #tpu.memory_space<hbm>>
    tpu.wait_indirect_dma semaphore(%arg10 : memref<!tpu.dma_semaphore, #tpu.memory_space<semaphore_mem>>) src(%dma_wait3A_380 : memref<30000x64xf32, #tpu.memory_space<hbm>>) dst(%dma_wait3A_374 : memref<128x64xf32, #tpu.memory_space<vmem>>)
    %dma_wait3A_381 = arith.constant 8 : i32
    %dma_wait3A_382 = arith.constant 1024 : i32
    %dma_wait3A_383 = arith.constant 0 : i32
    %dma_wait3A_384 = tpu.memref_slice %arg9[%dma_wait3A_382, %dma_wait3A_383] : memref<1280x64xf32, #tpu.memory_space<vmem>> -> memref<128x64xf32, #tpu.memory_space<vmem>>
    %dma_wait3A_385 = arith.constant 0 : i32
    %dma_wait3A_386 = tpu.memref_slice %arg8[%dma_wait3A_381, %dma_wait3A_385] : memref<10x128xi32, #tpu.memory_space<vmem>> -> memref<1x128xi32, #tpu.memory_space<vmem>>
    %dma_wait3A_387 = tpu.memref_squeeze %dma_wait3A_386 : memref<1x128xi32, #tpu.memory_space<vmem>> -> memref<128xi32, #tpu.memory_space<vmem>>
    %dma_wait3A_388 = arith.constant 0 : i32
    %dma_wait3A_389 = arith.constant 0 : i32
    %dma_wait3A_390 = tpu.memref_slice %arg3[%dma_wait3A_388, %dma_wait3A_389] : memref<30000x64xf32, #tpu.memory_space<hbm>> -> memref<30000x64xf32, #tpu.memory_space<hbm>>
    tpu.wait_indirect_dma semaphore(%arg10 : memref<!tpu.dma_semaphore, #tpu.memory_space<semaphore_mem>>) src(%dma_wait3A_390 : memref<30000x64xf32, #tpu.memory_space<hbm>>) dst(%dma_wait3A_384 : memref<128x64xf32, #tpu.memory_space<vmem>>)
    %dma_wait3A_391 = arith.constant 9 : i32
    %dma_wait3A_392 = arith.constant 1152 : i32
    %dma_wait3A_393 = arith.constant 0 : i32
    %dma_wait3A_394 = tpu.memref_slice %arg9[%dma_wait3A_392, %dma_wait3A_393] : memref<1280x64xf32, #tpu.memory_space<vmem>> -> memref<128x64xf32, #tpu.memory_space<vmem>>
    %dma_wait3A_395 = arith.constant 0 : i32
    %dma_wait3A_396 = tpu.memref_slice %arg8[%dma_wait3A_391, %dma_wait3A_395] : memref<10x128xi32, #tpu.memory_space<vmem>> -> memref<1x128xi32, #tpu.memory_space<vmem>>
    %dma_wait3A_397 = tpu.memref_squeeze %dma_wait3A_396 : memref<1x128xi32, #tpu.memory_space<vmem>> -> memref<128xi32, #tpu.memory_space<vmem>>
    %dma_wait3A_398 = arith.constant 0 : i32
    %dma_wait3A_399 = arith.constant 0 : i32
    %dma_wait3A_400 = tpu.memref_slice %arg3[%dma_wait3A_398, %dma_wait3A_399] : memref<30000x64xf32, #tpu.memory_space<hbm>> -> memref<30000x64xf32, #tpu.memory_space<hbm>>
    tpu.wait_indirect_dma semaphore(%arg10 : memref<!tpu.dma_semaphore, #tpu.memory_space<semaphore_mem>>) src(%dma_wait3A_400 : memref<30000x64xf32, #tpu.memory_space<hbm>>) dst(%dma_wait3A_394 : memref<128x64xf32, #tpu.memory_space<vmem>>)
    "tpu.region"() ({
      %run_scoped3A = tpu.sem_alloc : memref<!tpu.dma_semaphore, #tpu.memory_space<semaphore_mem>>
      %dma_start3A_401 = arith.constant 0 : i32
      %dma_start3A_402 = tpu.memref_slice %arg7[%mul3A_2, %dma_start3A_401] : memref<40960x64xf32, #tpu.memory_space<hbm>> -> memref<1280x64xf32, #tpu.memory_space<hbm>>
      %dma_start3A_403 = arith.constant 0 : i32
      %dma_start3A_404 = tpu.memref_slice %arg7[%mul3A_2, %dma_start3A_403] : memref<40960x64xf32, #tpu.memory_space<hbm>> -> memref<1280x64xf32, #tpu.memory_space<hbm>>
      tpu.enqueue_dma source(%arg9 : memref<1280x64xf32, #tpu.memory_space<vmem>>) target(%dma_start3A_404 : memref<1280x64xf32, #tpu.memory_space<hbm>>) target_semaphore(%run_scoped3A : memref<!tpu.dma_semaphore, #tpu.memory_space<semaphore_mem>>)
      %dma_wait3A_405 = arith.constant 0 : i32
      %dma_wait3A_406 = tpu.memref_slice %arg7[%mul3A_2, %dma_wait3A_405] : memref<40960x64xf32, #tpu.memory_space<hbm>> -> memref<1280x64xf32, #tpu.memory_space<hbm>>
      %dma_wait3A_407 = arith.constant 0 : i32
      %dma_wait3A_408 = tpu.memref_slice %arg7[%mul3A_2, %dma_wait3A_407] : memref<40960x64xf32, #tpu.memory_space<hbm>> -> memref<1280x64xf32, #tpu.memory_space<hbm>>
      tpu.wait_dma2 semaphore(%run_scoped3A : memref<!tpu.dma_semaphore, #tpu.memory_space<semaphore_mem>>) src(%arg9 : memref<1280x64xf32, #tpu.memory_space<vmem>>) dst(%dma_wait3A_408 : memref<1280x64xf32, #tpu.memory_space<hbm>>)
      tpu.yield
    }) : () -> ()
    return
  }
}

module attributes {stable_mosaic.version = 14 : i64} {
  func.func @_pa_body(%arg0: i32, %arg1: memref<256x64xf32, #tpu.memory_space<vmem>>, %arg2: memref<192x64xf32, #tpu.memory_space<vmem>>, %arg3: memref<64x64xf32, #tpu.memory_space<vmem>>, %arg4: memref<64x64xf32, #tpu.memory_space<vmem>>, %arg5: memref<256x64xf32, #tpu.memory_space<vmem>>) attributes {dimension_semantics = [#tpu.dimension_semantics<arbitrary>], iteration_bounds = array<i64: 40>, scalar_prefetch = 0 : i64, scratch_operands = 0 : i64, tpu.core_type = #tpu.core_type<tc>, window_params = [{transform_indices = @transform_0, window_bounds = array<i64: 256, 64>}, {pipeline_mode = #tpu.pipeline_mode<synchronous>, transform_indices = @transform_1, window_bounds = array<i64: 192, 64>}, {pipeline_mode = #tpu.pipeline_mode<synchronous>, transform_indices = @transform_2, window_bounds = array<i64: 64, 64>}, {pipeline_mode = #tpu.pipeline_mode<synchronous>, transform_indices = @transform_3, window_bounds = array<i64: 64, 64>}, {transform_indices = @transform_4, window_bounds = array<i64: 256, 64>}]} {
    %get3A = arith.constant 0 : index
    %get3A_0 = arith.constant 0 : index
    %get3A_1 = vector.load %arg2[%get3A, %get3A_0] : memref<192x64xf32, #tpu.memory_space<vmem>>, vector<64x64xf32>
    %get3A_2 = arith.constant 0 : index
    %get3A_3 = arith.constant 0 : index
    %get3A_4 = vector.load %arg3[%get3A_2, %get3A_3] : memref<64x64xf32, #tpu.memory_space<vmem>>, vector<64x64xf32>
    %dot_general3A = arith.constant dense<0.000000e+00> : vector<64x64xf32>
    %dot_general3A_5 = tpu.matmul %get3A_1, %get3A_4, %dot_general3A {dimension_numbers = #tpu.dot_dimension_numbers<[1], [0], [0], [1], [0, 0, 1, 1], [], []>, precision = #tpu.contract_precision<fp32>, transpose_lhs_hint = false} : vector<64x64xf32>, vector<64x64xf32>, vector<64x64xf32> -> vector<64x64xf32>
    %get3A_6 = arith.constant 0 : index
    %get3A_7 = arith.constant 0 : index
    %get3A_8 = vector.load %arg4[%get3A_6, %get3A_7] : memref<64x64xf32, #tpu.memory_space<vmem>>, vector<64x64xf32>
    %dot_general3A_9 = arith.constant dense<0.000000e+00> : vector<64x64xf32>
    %dot_general3A_10 = tpu.matmul %dot_general3A_5, %get3A_8, %dot_general3A_9 {dimension_numbers = #tpu.dot_dimension_numbers<[1], [0], [0], [1], [0, 0, 1, 1], [], []>, precision = #tpu.contract_precision<fp32>, transpose_lhs_hint = false} : vector<64x64xf32>, vector<64x64xf32>, vector<64x64xf32> -> vector<64x64xf32>
    %get3A_11 = arith.constant 0 : index
    %get3A_12 = arith.constant 0 : index
    %get3A_13 = vector.load %arg1[%get3A_11, %get3A_12] : memref<256x64xf32, #tpu.memory_space<vmem>>, vector<256x64xf32>
    %dot_general3A_14 = arith.constant dense<0.000000e+00> : vector<256x64xf32>
    %dot_general3A_15 = tpu.matmul %get3A_13, %dot_general3A_10, %dot_general3A_14 {dimension_numbers = #tpu.dot_dimension_numbers<[1], [0], [0], [1], [0, 0, 1, 1], [], []>, precision = #tpu.contract_precision<fp32>, transpose_lhs_hint = false} : vector<256x64xf32>, vector<64x64xf32>, vector<256x64xf32> -> vector<256x64xf32>
    %mul3A = arith.constant 256 : i32
    %mul3A_16 = arith.muli %arg0, %mul3A : i32
    %iota3A = tpu.iota {dimensions = array<i32: 0>} : vector<256x64xi32>
    %add3A = vector.broadcast %mul3A_16 : i32 to vector<256x64xi32>
    %add3A_17 = arith.addi %add3A, %iota3A : vector<256x64xi32>
    %lt3A = arith.constant 10000 : i32
    %lt3A_18 = vector.broadcast %lt3A : i32 to vector<256x64xi32>
    %lt3A_19 = arith.cmpi slt, %add3A_17, %lt3A_18 : vector<256x64xi32>
    %jit3A = arith.constant 0.000000e+00 : f32
    %broadcast_in_dim3A = vector.broadcast %jit3A : f32 to vector<256x64xf32>
    %select_n3A = arith.select %lt3A_19, %dot_general3A_15, %broadcast_in_dim3A : vector<256x64xi1>, vector<256x64xf32>
    %swap3A = arith.constant 0 : index
    %swap3A_20 = arith.constant 0 : index
    %swap3A_21 = vector.load %arg5[%swap3A, %swap3A_20] : memref<256x64xf32, #tpu.memory_space<vmem>>, vector<256x64xf32>
    tpu.vector_store %arg5[%swap3A, %swap3A_20], %select_n3A {strides = array<i32>} : memref<256x64xf32, #tpu.memory_space<vmem>>, vector<256x64xf32>,
    return
  }
  func.func @transform_0(%arg0: i32) -> (i32, i32) {
    %c0_i32 = arith.constant 0 : i32
    %c0_i32_0 = arith.constant 0 : i32
    return %arg0, %c0_i32 : i32, i32
  }
  func.func @transform_1(%arg0: i32) -> (i32, i32) {
    %c0_i32 = arith.constant 0 : i32
    %c0_i32_0 = arith.constant 0 : i32
    %c0_i32_1 = arith.constant 0 : i32
    return %c0_i32, %c0_i32_0 : i32, i32
  }
  func.func @transform_2(%arg0: i32) -> (i32, i32) {
    %c0_i32 = arith.constant 0 : i32
    %c0_i32_0 = arith.constant 0 : i32
    %c0_i32_1 = arith.constant 0 : i32
    return %c0_i32, %c0_i32_0 : i32, i32
  }
  func.func @transform_3(%arg0: i32) -> (i32, i32) {
    %c0_i32 = arith.constant 0 : i32
    %c0_i32_0 = arith.constant 0 : i32
    %c0_i32_1 = arith.constant 0 : i32
    return %c0_i32, %c0_i32_0 : i32, i32
  }
  func.func @transform_4(%arg0: i32) -> (i32, i32) {
    %c0_i32 = arith.constant 0 : i32
    %c0_i32_0 = arith.constant 0 : i32
    return %arg0, %c0_i32 : i32, i32
  }
}

module attributes {stable_mosaic.version = 14 : i64} {
  func.func @_tc_body(%arg0: i32, %arg1: memref<160xi32, #tpu.memory_space<smem>>, %arg2: memref<256x64xf32, #tpu.memory_space<vmem>>, %arg3: memref<256x64xf32, #tpu.memory_space<vmem>>, %arg4: memref<256x64xf32, #tpu.memory_space<vmem>>, %arg5: memref<1x1x256xi32, #tpu.memory_space<vmem>>, %arg6: memref<192x64xf32, #tpu.memory_space<vmem>>, %arg7: memref<1x64xf32, #tpu.memory_space<vmem>>, %arg8: memref<64x64xf32, #tpu.memory_space<vmem>>, %arg9: memref<1x64xf32, #tpu.memory_space<vmem>>, %arg10: memref<64x64xf32, #tpu.memory_space<vmem>>, %arg11: memref<1x64xf32, #tpu.memory_space<vmem>>, %arg12: memref<256x4096xf32, #tpu.memory_space<vmem>>) attributes {dimension_semantics = [#tpu.dimension_semantics<arbitrary>], iteration_bounds = array<i64: 160>, scalar_prefetch = 1 : i64, scratch_operands = 0 : i64, tpu.core_type = #tpu.core_type<tc>, window_params = [{transform_indices = @transform_0, window_bounds = array<i64: 256, 64>}, {transform_indices = @transform_1, window_bounds = array<i64: 256, 64>}, {transform_indices = @transform_2, window_bounds = array<i64: 256, 64>}, {transform_indices = @transform_3, window_bounds = array<i64: 1, 1, 256>}, {pipeline_mode = #tpu.pipeline_mode<synchronous>, transform_indices = @transform_4, window_bounds = array<i64: 192, 64>}, {pipeline_mode = #tpu.pipeline_mode<synchronous>, transform_indices = @transform_5, window_bounds = array<i64: 1, 64>}, {pipeline_mode = #tpu.pipeline_mode<synchronous>, transform_indices = @transform_6, window_bounds = array<i64: 64, 64>}, {pipeline_mode = #tpu.pipeline_mode<synchronous>, transform_indices = @transform_7, window_bounds = array<i64: 1, 64>}, {pipeline_mode = #tpu.pipeline_mode<synchronous>, transform_indices = @transform_8, window_bounds = array<i64: 64, 64>}, {pipeline_mode = #tpu.pipeline_mode<synchronous>, transform_indices = @transform_9, window_bounds = array<i64: 1, 64>}, {transform_indices = @transform_10, window_bounds = array<i64: 256, 4096>}]} {
    %get3A = arith.constant 0 : index
    %get3A_0 = arith.constant 0 : index
    %get3A_1 = vector.load %arg6[%get3A, %get3A_0] : memref<192x64xf32, #tpu.memory_space<vmem>>, vector<192x64xf32>
    %get3A_2 = arith.constant 0 : index
    %get3A_3 = arith.constant 0 : index
    %get3A_4 = vector.load %arg8[%get3A_2, %get3A_3] : memref<64x64xf32, #tpu.memory_space<vmem>>, vector<64x64xf32>
    %dot_general3A = arith.constant dense<0.000000e+00> : vector<192x64xf32>
    %dot_general3A_5 = tpu.matmul %get3A_1, %get3A_4, %dot_general3A {dimension_numbers = #tpu.dot_dimension_numbers<[1], [0], [0], [1], [0, 0, 1, 1], [], []>, precision = #tpu.contract_precision<fp32>, transpose_lhs_hint = false} : vector<192x64xf32>, vector<64x64xf32>, vector<192x64xf32> -> vector<192x64xf32>
    %get3A_6 = arith.constant 0 : index
    %get3A_7 = arith.constant 0 : index
    %get3A_8 = vector.load %arg10[%get3A_6, %get3A_7] : memref<64x64xf32, #tpu.memory_space<vmem>>, vector<64x64xf32>
    %dot_general3A_9 = arith.constant dense<0.000000e+00> : vector<192x64xf32>
    %dot_general3A_10 = tpu.matmul %dot_general3A_5, %get3A_8, %dot_general3A_9 {dimension_numbers = #tpu.dot_dimension_numbers<[1], [0], [0], [1], [0, 0, 1, 1], [], []>, precision = #tpu.contract_precision<fp32>, transpose_lhs_hint = false} : vector<192x64xf32>, vector<64x64xf32>, vector<192x64xf32> -> vector<192x64xf32>
    %get3A_11 = arith.constant 0 : index
    %get3A_12 = arith.constant 0 : index
    %get3A_13 = vector.load %arg7[%get3A_11, %get3A_12] : memref<1x64xf32, #tpu.memory_space<vmem>>, vector<1x64xf32>
    %get3A_14 = arith.constant 0 : index
    %get3A_15 = arith.constant 0 : index
    %get3A_16 = vector.load %arg8[%get3A_14, %get3A_15] : memref<64x64xf32, #tpu.memory_space<vmem>>, vector<64x64xf32>
    %dot_general3A_17 = arith.constant dense<0.000000e+00> : vector<1x64xf32>
    %dot_general3A_18 = tpu.matmul %get3A_13, %get3A_16, %dot_general3A_17 {dimension_numbers = #tpu.dot_dimension_numbers<[1], [0], [0], [1], [0, 0, 1, 1], [], []>, precision = #tpu.contract_precision<fp32>, transpose_lhs_hint = false} : vector<1x64xf32>, vector<64x64xf32>, vector<1x64xf32> -> vector<1x64xf32>
    %get3A_19 = arith.constant 0 : index
    %get3A_20 = arith.constant 0 : index
    %get3A_21 = vector.load %arg9[%get3A_19, %get3A_20] : memref<1x64xf32, #tpu.memory_space<vmem>>, vector<1x64xf32>
    %add3A = arith.addf %dot_general3A_18, %get3A_21 : vector<1x64xf32>
    %get3A_22 = arith.constant 0 : index
    %get3A_23 = arith.constant 0 : index
    %get3A_24 = vector.load %arg10[%get3A_22, %get3A_23] : memref<64x64xf32, #tpu.memory_space<vmem>>, vector<64x64xf32>
    %dot_general3A_25 = arith.constant dense<0.000000e+00> : vector<1x64xf32>
    %dot_general3A_26 = tpu.matmul %add3A, %get3A_24, %dot_general3A_25 {dimension_numbers = #tpu.dot_dimension_numbers<[1], [0], [0], [1], [0, 0, 1, 1], [], []>, precision = #tpu.contract_precision<fp32>, transpose_lhs_hint = false} : vector<1x64xf32>, vector<64x64xf32>, vector<1x64xf32> -> vector<1x64xf32>
    %get3A_27 = arith.constant 0 : index
    %get3A_28 = arith.constant 0 : index
    %get3A_29 = vector.load %arg11[%get3A_27, %get3A_28] : memref<1x64xf32, #tpu.memory_space<vmem>>, vector<1x64xf32>
    %add3A_30 = arith.addf %dot_general3A_26, %get3A_29 : vector<1x64xf32>
    %get3A_31 = arith.index_cast %arg0 : i32 to index
    %get3A_32 = memref.load %arg1[%get3A_31] : memref<160xi32, #tpu.memory_space<smem>>
    %mul3A = arith.constant 256 : i32
    %mul3A_33 = arith.muli %get3A_32, %mul3A : i32
    %get3A_34 = arith.constant 0 : index
    %get3A_35 = arith.constant 0 : index
    %get3A_36 = arith.constant 0 : index
    %get3A_37 = vector.load %arg5[%get3A_34, %get3A_35, %get3A_36] : memref<1x1x256xi32, #tpu.memory_space<vmem>>, vector<1x1x256xi32>
    %get3A_38 = vector.shape_cast %get3A_37 : vector<1x1x256xi32> to vector<256xi32>
    %sub3A = vector.broadcast %mul3A_33 : i32 to vector<256xi32>
    %sub3A_39 = arith.subi %get3A_38, %sub3A : vector<256xi32>
    %iota3A = tpu.iota {dimensions = array<i32: 0>} : vector<256x256xi32>
    %broadcast_in_dim3A = vector.shape_cast %sub3A_39 : vector<256xi32> to vector<1x256xi32>
    %eq3A = vector.broadcast %broadcast_in_dim3A : vector<1x256xi32> to vector<256x256xi32>
    %eq3A_40 = arith.cmpi eq, %iota3A, %eq3A : vector<256x256xi32>
    %convert_element_type3A = arith.extui %eq3A_40 : vector<256x256xi1> to vector<256x256xi32>
    %convert_element_type3A_41 = arith.sitofp %convert_element_type3A : vector<256x256xi32> to vector<256x256xf32>
    %get3A_42 = arith.constant 0 : index
    %get3A_43 = arith.constant 0 : index
    %get3A_44 = vector.load %arg4[%get3A_42, %get3A_43] : memref<256x64xf32, #tpu.memory_space<vmem>>, vector<256x64xf32>
    %transpose3A = tpu.transpose %convert_element_type3A_41, [1, 0] : vector<256x256xf32> -> vector<256x256xf32>
    %get3A_45 = arith.constant 0 : index
    %get3A_46 = arith.constant 0 : index
    %get3A_47 = vector.load %arg2[%get3A_45, %get3A_46] : memref<256x64xf32, #tpu.memory_space<vmem>>, vector<256x64xf32>
    %dot_general3A_48 = arith.constant dense<0.000000e+00> : vector<256x64xf32>
    %dot_general3A_49 = tpu.matmul %transpose3A, %get3A_47, %dot_general3A_48 {dimension_numbers = #tpu.dot_dimension_numbers<[1], [0], [0], [1], [0, 0, 1, 1], [], []>, precision = #tpu.contract_precision<fp32>, transpose_lhs_hint = false} : vector<256x256xf32>, vector<256x64xf32>, vector<256x64xf32> -> vector<256x64xf32>
    %get3A_50 = arith.constant 0 : index
    %get3A_51 = arith.constant 0 : index
    %get3A_52 = vector.load %arg3[%get3A_50, %get3A_51] : memref<256x64xf32, #tpu.memory_space<vmem>>, vector<256x64xf32>
    %slice3A = vector.extract_strided_slice %dot_general3A_10 {offsets = [64, 0], sizes = [64, 64], strides = [1, 1]} : vector<192x64xf32> to vector<64x64xf32>
    %dot_general3A_53 = arith.constant dense<0.000000e+00> : vector<256x64xf32>
    %dot_general3A_54 = tpu.matmul %get3A_52, %slice3A, %dot_general3A_53 {dimension_numbers = #tpu.dot_dimension_numbers<[1], [0], [0], [1], [0, 0, 1, 1], [], []>, precision = #tpu.contract_precision<fp32>, transpose_lhs_hint = false} : vector<256x64xf32>, vector<64x64xf32>, vector<256x64xf32> -> vector<256x64xf32>
    %add3A_55 = arith.addf %dot_general3A_49, %dot_general3A_54 : vector<256x64xf32>
    %slice3A_56 = vector.extract_strided_slice %dot_general3A_10 {offsets = [128, 0], sizes = [64, 64], strides = [1, 1]} : vector<192x64xf32> to vector<64x64xf32>
    %dot_general3A_57 = arith.constant dense<0.000000e+00> : vector<256x64xf32>
    %dot_general3A_58 = tpu.matmul %get3A_44, %slice3A_56, %dot_general3A_57 {dimension_numbers = #tpu.dot_dimension_numbers<[1], [0], [0], [1], [0, 0, 1, 1], [], []>, precision = #tpu.contract_precision<fp32>, transpose_lhs_hint = false} : vector<256x64xf32>, vector<64x64xf32>, vector<256x64xf32> -> vector<256x64xf32>
    %add3A_59 = arith.addf %add3A_55, %dot_general3A_58 : vector<256x64xf32>
    %add3A_60 = vector.broadcast %add3A_30 : vector<1x64xf32> to vector<256x64xf32>
    %add3A_61 = arith.addf %add3A_59, %add3A_60 : vector<256x64xf32>
    %iota3A_62 = tpu.iota {dimensions = array<i32: 1>} : vector<64x4096xi32>
    %iota3A_63 = tpu.iota {dimensions = array<i32: 0>} : vector<64x4096xi32>
    %jit3A = arith.constant 64 : i32
    %div3A = vector.broadcast %jit3A : i32 to vector<64x4096xi32>
    %div3A_64 = arith.divsi %iota3A_62, %div3A : vector<64x4096xi32>
    %sign3A = arith.constant 0 : i32
    %sign3A_65 = vector.broadcast %sign3A : i32 to vector<64x4096xi32>
    %sign3A_66 = arith.cmpi sgt, %iota3A_62, %sign3A_65 : vector<64x4096xi32>
    %sign3A_67 = arith.extui %sign3A_66 : vector<64x4096xi1> to vector<64x4096xi32>
    %sign3A_68 = arith.constant 0 : i32
    %sign3A_69 = vector.broadcast %sign3A_68 : i32 to vector<64x4096xi32>
    %sign3A_70 = arith.cmpi slt, %iota3A_62, %sign3A_69 : vector<64x4096xi32>
    %sign3A_71 = arith.extui %sign3A_70 : vector<64x4096xi1> to vector<64x4096xi32>
    %sign3A_72 = arith.subi %sign3A_67, %sign3A_71 : vector<64x4096xi32>
    %sign3A_73 = arith.constant 0 : i32
    %sign3A_74 = arith.cmpi sgt, %jit3A, %sign3A_73 : i32
    %sign3A_75 = arith.extui %sign3A_74 : i1 to i32
    %sign3A_76 = arith.constant 0 : i32
    %sign3A_77 = arith.cmpi slt, %jit3A, %sign3A_76 : i32
    %sign3A_78 = arith.extui %sign3A_77 : i1 to i32
    %sign3A_79 = arith.subi %sign3A_75, %sign3A_78 : i32
    %ne3A = vector.broadcast %sign3A_79 : i32 to vector<64x4096xi32>
    %ne3A_80 = arith.cmpi ne, %sign3A_72, %ne3A : vector<64x4096xi32>
    %rem3A = vector.broadcast %jit3A : i32 to vector<64x4096xi32>
    %rem3A_81 = arith.remsi %iota3A_62, %rem3A : vector<64x4096xi32>
    %ne3A_82 = arith.constant 0 : i32
    %ne3A_83 = vector.broadcast %ne3A_82 : i32 to vector<64x4096xi32>
    %ne3A_84 = arith.cmpi ne, %rem3A_81, %ne3A_83 : vector<64x4096xi32>
    %and3A = arith.andi %ne3A_80, %ne3A_84 : vector<64x4096xi1>
    %sub3A_85 = arith.constant 1 : i32
    %sub3A_86 = vector.broadcast %sub3A_85 : i32 to vector<64x4096xi32>
    %sub3A_87 = arith.subi %div3A_64, %sub3A_86 : vector<64x4096xi32>
    %select_n3A = arith.select %and3A, %sub3A_87, %div3A_64 : vector<64x4096xi1>, vector<64x4096xi32>
    %eq3A_88 = arith.cmpi eq, %select_n3A, %iota3A_63 : vector<64x4096xi32>
    %convert_element_type3A_89 = arith.extui %eq3A_88 : vector<64x4096xi1> to vector<64x4096xi32>
    %convert_element_type3A_90 = arith.sitofp %convert_element_type3A_89 : vector<64x4096xi32> to vector<64x4096xf32>
    %convert_element_type3A_91 = arith.truncf %convert_element_type3A_90 : vector<64x4096xf32> to vector<64x4096xbf16>
    %jit3A_92 = arith.constant 64 : i32
    %eq3A_93 = arith.constant 0 : i32
    %eq3A_94 = arith.cmpi eq, %jit3A_92, %eq3A_93 : i32
    %jit3A_95 = arith.constant 1 : i32
    %select_n3A_96 = arith.select %eq3A_94, %jit3A_95, %jit3A_92 : i32
    %rem3A_97 = vector.broadcast %select_n3A_96 : i32 to vector<64x4096xi32>
    %rem3A_98 = arith.remsi %iota3A_62, %rem3A_97 : vector<64x4096xi32>
    %ne3A_99 = arith.constant 0 : i32
    %ne3A_100 = vector.broadcast %ne3A_99 : i32 to vector<64x4096xi32>
    %ne3A_101 = arith.cmpi ne, %rem3A_98, %ne3A_100 : vector<64x4096xi32>
    %lt3A = arith.constant 0 : i32
    %lt3A_102 = vector.broadcast %lt3A : i32 to vector<64x4096xi32>
    %lt3A_103 = arith.cmpi slt, %rem3A_98, %lt3A_102 : vector<64x4096xi32>
    %lt3A_104 = arith.constant 0 : i32
    %lt3A_105 = arith.cmpi slt, %select_n3A_96, %lt3A_104 : i32
    %ne3A_106 = vector.broadcast %lt3A_105 : i1 to vector<64x4096xi1>
    %ne3A_107 = vector.broadcast %ne3A_106 : vector<64x4096xi1> to vector<64x4096xi1>
    %ne3A_108 = arith.xori %lt3A_103, %ne3A_107 : vector<64x4096xi1>
    %and3A_109 = arith.andi %ne3A_108, %ne3A_101 : vector<64x4096xi1>
    %add3A_110 = vector.broadcast %select_n3A_96 : i32 to vector<64x4096xi32>
    %add3A_111 = arith.addi %rem3A_98, %add3A_110 : vector<64x4096xi32>
    %select_n3A_112 = arith.select %and3A_109, %add3A_111, %rem3A_98 : vector<64x4096xi1>, vector<64x4096xi32>
    %eq3A_113 = arith.cmpi eq, %select_n3A_112, %iota3A_63 : vector<64x4096xi32>
    %convert_element_type3A_114 = arith.extui %eq3A_113 : vector<64x4096xi1> to vector<64x4096xi32>
    %convert_element_type3A_115 = arith.sitofp %convert_element_type3A_114 : vector<64x4096xi32> to vector<64x4096xf32>
    %convert_element_type3A_116 = arith.truncf %convert_element_type3A_115 : vector<64x4096xf32> to vector<64x4096xbf16>
    %convert_element_type3A_117 = arith.truncf %add3A_61 : vector<256x64xf32> to vector<256x64xbf16>
    %convert_element_type3A_118 = arith.truncf %get3A_44 : vector<256x64xf32> to vector<256x64xbf16>
    %dot_general3A_119 = arith.constant dense<0.000000e+00> : vector<256x4096xf32>
    %dot_general3A_120 = tpu.matmul %convert_element_type3A_117, %convert_element_type3A_91, %dot_general3A_119 {dimension_numbers = #tpu.dot_dimension_numbers<[1], [0], [0], [1], [0, 0, 1, 1], [], []>, transpose_lhs_hint = false} : vector<256x64xbf16>, vector<64x4096xbf16>, vector<256x4096xf32> -> vector<256x4096xf32>
    %dot_general3A_121 = arith.constant dense<0.000000e+00> : vector<256x4096xf32>
    %dot_general3A_122 = tpu.matmul %convert_element_type3A_118, %convert_element_type3A_116, %dot_general3A_121 {dimension_numbers = #tpu.dot_dimension_numbers<[1], [0], [0], [1], [0, 0, 1, 1], [], []>, transpose_lhs_hint = false} : vector<256x64xbf16>, vector<64x4096xbf16>, vector<256x4096xf32> -> vector<256x4096xf32>
    %mul3A_123 = arith.mulf %dot_general3A_120, %dot_general3A_122 : vector<256x4096xf32>
    %convert_element_type3A_124 = arith.truncf %mul3A_123 : vector<256x4096xf32> to vector<256x4096xbf16>
    %convert_element_type3A_125 = arith.truncf %convert_element_type3A_41 : vector<256x256xf32> to vector<256x256xbf16>
    %eq3A_126 = arith.constant 0 : i32
    %eq3A_127 = arith.cmpi eq, %arg0, %eq3A_126 : i32
    %get3A_128 = arith.index_cast %arg0 : i32 to index
    %get3A_129 = memref.load %arg1[%get3A_128] : memref<160xi32, #tpu.memory_space<smem>>
    %sub3A_130 = arith.constant 1 : i32
    %sub3A_131 = arith.subi %arg0, %sub3A_130 : i32
    %max3A = arith.constant 0 : i32
    %max3A_132 = arith.maxsi %sub3A_131, %max3A : i32
    %get3A_133 = arith.index_cast %max3A_132 : i32 to index
    %get3A_134 = memref.load %arg1[%get3A_133] : memref<160xi32, #tpu.memory_space<smem>>
    %ne3A_135 = arith.cmpi ne, %get3A_129, %get3A_134 : i32
    %or3A = arith.ori %eq3A_127, %ne3A_135 : i1
    %convert_element_type3A_136 = arith.extui %or3A : i1 to i32
    %cond3A = arith.constant 0 : i32
    %cond3A_137 = arith.cmpi ne, %convert_element_type3A_136, %cond3A : i32
    scf.if %cond3A_137 {
      %broadcast_in_dim3A_146 = arith.constant 0.000000e+00 : f32
      %broadcast_in_dim3A_147 = vector.broadcast %broadcast_in_dim3A_146 : f32 to vector<256x4096xf32>
      %swap3A_148 = arith.constant 0 : index
      %swap3A_149 = arith.constant 0 : index
      %swap3A_150 = vector.load %arg12[%swap3A_148, %swap3A_149] : memref<256x4096xf32, #tpu.memory_space<vmem>>, vector<256x4096xf32>
      tpu.vector_store %arg12[%swap3A_148, %swap3A_149], %broadcast_in_dim3A_147 {strides = array<i32>} : memref<256x4096xf32, #tpu.memory_space<vmem>>, vector<256x4096xf32>,
    } else {
    }
    %get3A_138 = arith.constant 0 : index
    %get3A_139 = arith.constant 0 : index
    %get3A_140 = vector.load %arg12[%get3A_138, %get3A_139] : memref<256x4096xf32, #tpu.memory_space<vmem>>, vector<256x4096xf32>
    %dot_general3A_141 = arith.constant dense<0.000000e+00> : vector<256x4096xf32>
    %dot_general3A_142 = tpu.matmul %convert_element_type3A_125, %convert_element_type3A_124, %dot_general3A_141 {dimension_numbers = #tpu.dot_dimension_numbers<[1], [0], [0], [1], [0, 0, 1, 1], [], []>, transpose_lhs_hint = false} : vector<256x256xbf16>, vector<256x4096xbf16>, vector<256x4096xf32> -> vector<256x4096xf32>
    %add3A_143 = arith.addf %get3A_140, %dot_general3A_142 : vector<256x4096xf32>
    %swap3A = arith.constant 0 : index
    %swap3A_144 = arith.constant 0 : index
    %swap3A_145 = vector.load %arg12[%swap3A, %swap3A_144] : memref<256x4096xf32, #tpu.memory_space<vmem>>, vector<256x4096xf32>
    tpu.vector_store %arg12[%swap3A, %swap3A_144], %add3A_143 {strides = array<i32>} : memref<256x4096xf32, #tpu.memory_space<vmem>>, vector<256x4096xf32>,
    return
  }
  func.func @transform_0(%arg0: i32, %arg1: memref<160xi32, #tpu.memory_space<smem>>) -> (i32, i32) {
    %get3A = arith.index_cast %arg0 : i32 to index
    %get3A_0 = memref.load %arg1[%get3A] : memref<160xi32, #tpu.memory_space<smem>>
    %c0_i32 = arith.constant 0 : i32
    %c0_i32_1 = arith.constant 0 : i32
    return %get3A_0, %c0_i32 : i32, i32
  }
  func.func @transform_1(%arg0: i32, %arg1: memref<160xi32, #tpu.memory_space<smem>>) -> (i32, i32) {
    %c0_i32 = arith.constant 0 : i32
    %c0_i32_0 = arith.constant 0 : i32
    return %arg0, %c0_i32 : i32, i32
  }
  func.func @transform_2(%arg0: i32, %arg1: memref<160xi32, #tpu.memory_space<smem>>) -> (i32, i32) {
    %c0_i32 = arith.constant 0 : i32
    %c0_i32_0 = arith.constant 0 : i32
    return %arg0, %c0_i32 : i32, i32
  }
  func.func @transform_3(%arg0: i32, %arg1: memref<160xi32, #tpu.memory_space<smem>>) -> (i32, i32, i32) {
    %c0_i32 = arith.constant 0 : i32
    %c0_i32_0 = arith.constant 0 : i32
    %c0_i32_1 = arith.constant 0 : i32
    return %arg0, %c0_i32, %c0_i32_0 : i32, i32, i32
  }
  func.func @transform_4(%arg0: i32, %arg1: memref<160xi32, #tpu.memory_space<smem>>) -> (i32, i32) {
    %c0_i32 = arith.constant 0 : i32
    %c0_i32_0 = arith.constant 0 : i32
    %c0_i32_1 = arith.constant 0 : i32
    return %c0_i32, %c0_i32_0 : i32, i32
  }
  func.func @transform_5(%arg0: i32, %arg1: memref<160xi32, #tpu.memory_space<smem>>) -> (i32, i32) {
    %c0_i32 = arith.constant 0 : i32
    %c0_i32_0 = arith.constant 0 : i32
    %c0_i32_1 = arith.constant 0 : i32
    return %c0_i32, %c0_i32_0 : i32, i32
  }
  func.func @transform_6(%arg0: i32, %arg1: memref<160xi32, #tpu.memory_space<smem>>) -> (i32, i32) {
    %c0_i32 = arith.constant 0 : i32
    %c0_i32_0 = arith.constant 0 : i32
    %c0_i32_1 = arith.constant 0 : i32
    return %c0_i32, %c0_i32_0 : i32, i32
  }
  func.func @transform_7(%arg0: i32, %arg1: memref<160xi32, #tpu.memory_space<smem>>) -> (i32, i32) {
    %c0_i32 = arith.constant 0 : i32
    %c0_i32_0 = arith.constant 0 : i32
    %c0_i32_1 = arith.constant 0 : i32
    return %c0_i32, %c0_i32_0 : i32, i32
  }
  func.func @transform_8(%arg0: i32, %arg1: memref<160xi32, #tpu.memory_space<smem>>) -> (i32, i32) {
    %c0_i32 = arith.constant 0 : i32
    %c0_i32_0 = arith.constant 0 : i32
    %c0_i32_1 = arith.constant 0 : i32
    return %c0_i32, %c0_i32_0 : i32, i32
  }
  func.func @transform_9(%arg0: i32, %arg1: memref<160xi32, #tpu.memory_space<smem>>) -> (i32, i32) {
    %c0_i32 = arith.constant 0 : i32
    %c0_i32_0 = arith.constant 0 : i32
    %c0_i32_1 = arith.constant 0 : i32
    return %c0_i32, %c0_i32_0 : i32, i32
  }
  func.func @transform_10(%arg0: i32, %arg1: memref<160xi32, #tpu.memory_space<smem>>) -> (i32, i32) {
    %get3A = arith.index_cast %arg0 : i32 to index
    %get3A_0 = memref.load %arg1[%get3A] : memref<160xi32, #tpu.memory_space<smem>>
    %c0_i32 = arith.constant 0 : i32
    %c0_i32_1 = arith.constant 0 : i32
    return %get3A_0, %c0_i32 : i32, i32
  }
}

</mosaic_0001>

<sc_bundles>
// kernel: gather_offload_async_start.1
scs
__scs_entry_jumppad:
0x0: {  	(pc) =	sbr.rel $0x88, $3  }
0x1: {  	(tag) =	ssettag $0x0;
	lr =	simm.s32 $0x1  }
0x2: {  	[smem:$0x3F98] =	sst lr;
	_ =	strace $0xD0000000  }
0x3: {  	_ = 	snop  }
0x4: {  	_ = 	snop  }
0x5: {  	_ = 	snop  }
0x6: {  	_ = 	snop  }
0x7: {  	_ = 	snop  }
__scs_overlays_trampoline_lowered:
0x8: {  	[smem:$0x3FA7] =	sst s0  }
0x9: {  	[smem:$0x3FA8] =	sst s1  }
0xa: {  	[smem:$0x3FA9] =	sst s2  }
0xb: {  	[smem:$0x3FAA] =	sst s3  }
0xc: {  	[smem:$0x3FAB] =	sst s4  }
0xd: {  	[smem:$0x3FAC] =	sst s5  }
0xe: {  	[smem:$0x3FAD] =	sst s6  }
0xf: {  	[smem:$0x3FAE] =	sst s7  }
0x10: {  	[smem:$0x3FAF] =	sst s8  }
0x11: {  	[smem:$0x3FB0] =	sst s9;
	s0 =	simm.s32 @!p0 $0x0  }
0x12: {  	s1 =	sld [smem:$0x3F96];
	s0 =	simm.s32 @p0 $0x1  }
0x13: {  	[smem:$0x3FB1] =	sst s0;
	s0 =	simm.s32 @!p1 $0x0  }
0x14: {  	s2 =	sld [smem:$0x3F95];
	s0 =	simm.s32 @p1 $0x1  }
0x15: {  	[smem:$0x3FB2] =	sst s0;
	s0 =	simm.s32 @!p2 $0x0  }
0x16: {  	s3 =	sld [smem:$0x3FDB];
	s0 =	simm.s32 @p2 $0x1  }
0x17: {  	s4 =	simm.s32 $0x1BF5;
	[smem:$0x3FB4] =	sst s0  }
0x18: {  	s0 =	sld [smem:$0x3F97];
	_ =	swait.ge [sflag:s4], $0x0  }
0x19: {  	s7 =	sld [smem:$0x3F98]  }
0x1a: {  	s8 =	sadd.s32 $0xFFFFE003, lr  }
0x1b: {  	s9 =	sadd.s32 $0xFFFFFEF7, lr;
	s5 =	simm.s32 $0xFFFFFFFF;
	p2 =	slt.u32 s8, $0xFFFFF086  }
0x1c: {  	p1 =	slt.u32 s9, $0xF7A;
	s5 =	simm.s32 @!p2 $0x0  }
0x1d: {  	s5 =	simm.s32 @p1 $0x1;
	p0 =	seq.s32 s7, s2  }
0x1e: {  	s7 =	smul.u32 @!p0 $0xF7A, s2;
	p2 =	seq.s32 @!p0 s5, $0x0  }
0x1f: {  	s9 =	smul.u32 $0xF7A, s1;
	s8 =	simm.s32 @!p0 $0x1BF5;
	p2 =	por !p2, p0  }
0x20: {  	[sflag:s8] =	ssyncset.s32 @!p0 $0xFFFFF086;
	s6 =	sadd.s32 @!p0 s3, s7;
	s7 =	simm.s32 @!p0 $0x108  }
0x21: {  	s3 =	sadd.s32 s3, s9;
	s6 =	sadd.s32 @!p0 $0x88, s6;
	s7 =	simm.s32 @p2 $0x1082  }
0x22: {  	[simem:s7], [sflag:s8] =	dma.local @!p0 [hbm:s6], $0xF7A  }
0x23: {  	s9 =	sor.u32 $0xD0000000, s2;
	s6 =	simm.s32 $0x108;
	_ =	swait.ge @!p0 [sflag:s8], $0x0  }
0x24: {  	s3 =	sadd.s32 $0x88, s3;
	s6 =	simm.s32 @!p1 $0x1082;
	[sflag:s4] =	ssyncset.s32 $0xFFFFF086  }
0x25: {  	[simem:s6], [sflag:s4] =	dma.local [hbm:s3], $0xF7A  }
0x26: {  	[smem:$0x3F98] =	sst s1;
	(tag) =	ssettag s2;
	_ =	strace s9  }
0x27: {  	s1 =	sld [smem:$0x3FA8]  }
0x28: {  	s2 =	sld [smem:$0x3FA9]  }
0x29: {  	s4 =	sld [smem:$0x3FAB]  }
0x2a: {  	p0 =	seq.s32 s5, $0x0;
	s5 =	sld [smem:$0x3FAC]  }
0x2b: {  	s6 =	sld [smem:$0x3FAD]  }
0x2c: {  	s7 =	sld [smem:$0x3FAE]  }
0x2d: {  	s3 =	simm.s32 $0x108;
	s8 =	sld [smem:$0x3FAF]  }
0x2e: {  	s3 =	simm.s32 @!p0 $0x1082;
	s9 =	sld [smem:$0x3FB0]  }
0x2f: {  	lr =	sadd.s32 s0, s3;
	s0 =	sld [smem:$0x3FA7]  }
0x30: {  	s3 =	sld [smem:$0x3FAA]  }
0x31: {  	[smem:$0x3FB3] =	sst s10  }
0x32: {  	s10 =	sld [smem:$0x3FB1];
	_ =	sdelay $0x3  }
0x33: {  	p0 =	seq.s32 s10, $0x1;
	s10 =	sld [smem:$0x3FB3];
	_ =	sdelay $0x3  }
0x34: {  	[smem:$0x3FB3] =	sst s10  }
0x35: {  	s10 =	sld [smem:$0x3FB2];
	_ =	sdelay $0x3  }
0x36: {  	p1 =	seq.s32 s10, $0x1;
	s10 =	sld [smem:$0x3FB3];
	_ =	sdelay $0x3  }
0x37: {  	[smem:$0x3FB3] =	sst s10  }
0x38: {  	s10 =	sld [smem:$0x3FB4]  }
0x39: {  	_ = 	snop;
	(pc) =	sbr.ind lr, $3  }
0x3a: {  	_ = 	snop  }
0x3b: {  	_ = 	snop  }
0x3c: {  	p2 =	seq.s32 s10, $0x1;
	s10 =	sld [smem:$0x3FB3]  }
0x3d: {  	_ =	shalt  }
0x3e: {  	_ =	shalt  }
0x3f: {  	_ =	shalt  }
0x40: {  	_ =	shalt  }
0x41: {  	_ =	shalt  }
0x42: {  	_ =	shalt  }
0x43: {  	_ =	shalt  }
0x44: {  	_ =	shalt  }
0x45: {  	_ =	shalt  }
0x46: {  	_ =	shalt  }
0x47: {  	_ =	shalt  }
0x48: {  	_ =	shalt  }
0x49: {  	_ =	shalt  }
0x4a: {  	_ =	shalt  }
0x4b: {  	_ =	shalt  }
0x4c: {  	_ =	shalt  }
0x4d: {  	_ =	shalt  }
0x4e: {  	_ =	shalt  }
0x4f: {  	_ =	shalt  }
0x50: {  	_ =	shalt  }
0x51: {  	_ =	shalt  }
0x52: {  	_ =	shalt  }
0x53: {  	_ =	shalt  }
0x54: {  	_ =	shalt  }
0x55: {  	_ =	shalt  }
0x56: {  	_ =	shalt  }
0x57: {  	_ =	shalt  }
0x58: {  	_ =	shalt  }
0x59: {  	_ =	shalt  }
0x5a: {  	_ =	shalt  }
0x5b: {  	_ =	shalt  }
0x5c: {  	_ =	shalt  }
0x5d: {  	_ =	shalt  }
0x5e: {  	_ =	shalt  }
0x5f: {  	_ =	shalt  }
0x60: {  	_ =	shalt  }
0x61: {  	_ =	shalt  }
0x62: {  	_ =	shalt  }
0x63: {  	_ =	shalt  }
0x64: {  	_ =	shalt  }
0x65: {  	_ =	shalt  }
0x66: {  	_ =	shalt  }
0x67: {  	_ =	shalt  }
0x68: {  	_ =	shalt  }
0x69: {  	_ =	shalt  }
0x6a: {  	_ =	shalt  }
0x6b: {  	_ =	shalt  }
0x6c: {  	_ =	shalt  }
0x6d: {  	_ =	shalt  }
0x6e: {  	_ =	shalt  }
0x6f: {  	_ =	shalt  }
0x70: {  	_ =	shalt  }
0x71: {  	_ =	shalt  }
0x72: {  	_ =	shalt  }
0x73: {  	_ =	shalt  }
0x74: {  	_ =	shalt  }
0x75: {  	_ =	shalt  }
0x76: {  	_ =	shalt  }
0x77: {  	_ =	shalt  }
0x78: {  	_ =	shalt  }
0x79: {  	_ =	shalt  }
0x7a: {  	_ =	shalt  }
0x7b: {  	_ =	shalt  }
0x7c: {  	_ =	shalt  }
0x7d: {  	_ =	shalt  }
0x7e: {  	_ =	shalt  }
0x7f: {  	_ =	shalt  }
0x80: {  	_ =	shalt  }
0x81: {  	_ =	shalt  }
0x82: {  	_ =	shalt  }
0x83: {  	_ =	shalt  }
0x84: {  	_ =	shalt  }
0x85: {  	_ =	shalt  }
0x86: {  	_ =	shalt  }
0x87: {  	_ =	shalt  }
.Lfunc_end0:
.L_simem_size_0:
called_computation.1_lowered:
.L_overlay_start_0:
0x88: {  	s2 =	sld [smem:$0x3FD9]  }
0x89: {  	s3 =	sld [smem:$0x3FFE];
	_ =	sdelay $0x1  }
0x8a: {  	s1 =	srdreg.scid  }
0x8b: {  	s0 =	sand.u32 $0x1, s1  }
0x8c: {  	s17 =	sshll.u32 s0, $0xA;
	s2 =	sadd.s32 s3, s2  }
0x8d: {  	s2 =	sadd.s32 s2, s17  }
0x8e: {  	[smem:$0x3FBF] =	sst s2  }
0x8f: {  	_ = 	snop  }
0x90: {  	s18 =	sld [smem:$0x3FD0];
	(tm) =	ssettm $0x1  }
0x91: {  	s19 =	sld [smem:$0x3FFB];
	_ =	sdelay $0x3  }
0x92: {  	_ =	strace s19  }
0x93: {  	s2 =	sld [smem:$0x3FFC];
	_ =	sdelay $0x3  }
0x94: {  	_ =	strace s2  }
0x95: {  	s2 =	sld [smem:$0x3FFD];
	_ =	sdelay $0x3  }
0x96: {  	_ =	strace s2  }
0x97: {  	_ =	strace $0x8FFFFFFF  }
0x98: {  	s20 =	sld [smem:$0x3FDB];
	_ =	sdelay $0x1  }
0x99: {  	s4 =	simm.s32 $_scs_section_size  }
0x9a: {  	s5 =	simm.s32 $_size__tile_overlayer_lowered;
	s6 =	simm.s32 $_tile_overlayer_lowered  }
0x9b: {  	s7 =	simm.s32 $0x1BFF;
	s21 =	sshll.u32 s6, $0x1;
	s4 =	sadd.s32 s4, s20  }
0x9c: {  	s22 =	simm.s32 $0x0;
	s5 =	sshll.u32 s5, $0x1;
	s6 =	sadd.s32 s21, s4  }
0x9d: {  	[timem:s22], [sflag:s7] =	dma.local [hbm:s6], s5  }
0x9e: {  	_ =	swait.ge [sflag:s7], s5  }
0x9f: {  	s5 =	ssub.s32 $0x0, s5;
	[sflag:s7] =	ssyncset.done $0x0  }
0xa0: {  	[sflag:s7] =	ssyncadd.s32 s5;
	_ =	sdelay $0x1  }
0xa1: {  	s23 =	simm.s32 $0x1B8B  }
0xa2: {  	_ =	swait.ge [sflag:s23], $0x1  }
0xa3: {  	[sflag:s23] =	ssyncset.done $0x0  }
0xa4: {  	[sflag:s23] =	ssyncadd.s32 $0xFFFFFFFF  }
0xa5: {  	s5 =	sld [smem:$0x0]  }
0xa6: {  	s6 =	sand.u32 $0xFFFFFFFE, s1  }
0xa7: {  	p0 =	sne.s32 s1, s6  }
0xa8: {  	s6 =	sshll.u32 @p0 s6, $0xE  }
0xa9: {  	s6 =	sadd.s32 @p0 $0x11B8D, s6;
	s7 =	sshll.u32 @p0 s5, $0x11  }
0xaa: {  	s6 =	sor.u32 @p0 s7, s6  }
0xab: {  	[sflag:s6] =	ssyncadd.remote.s32 @p0 $0x1;
	_ =	sdelay $0x1  }
0xac: {  	s6 =	simm.s32 @p0 $0x1B8D  }
0xad: {  	_ =	swait.eq @p0 [sflag:s6], $0x1  }
0xae: {  	[sflag:s6] =	ssyncadd.s32 @p0 $0xFFFFFFFF  }
0xaf: {  	s7 =	sshll.u32 @!p0 s1, $0xE  }
0xb0: {  	s7 =	sor.u32 @!p0 $0x4000, s7;
	s6 =	simm.s32 @!p0 $0x1B8D  }
0xb1: {  	s5 =	sshll.u32 @!p0 s5, $0x11;
	s7 =	sadd.s32 @!p0 $0x11B8D, s7;
	_ =	swait.eq @!p0 [sflag:s6], $0x1  }
0xb2: {  	s5 =	sor.u32 @!p0 s5, s7;
	[sflag:s6] =	ssyncadd.s32 @!p0 $0xFFFFFFFF  }
0xb3: {  	s25 =	simm.s32 $0x1B8E;
	s24 =	sld [smem:$0x3FFE];
	[sflag:s5] =	ssyncadd.remote.s32 @!p0 $0x1  }
0xb4: {  	s26 =	simm.s32 $execute0_lowered;
	[smem:$0x3FD2] =	sst s25  }
0xb5: {  	s6 =	sshll.u32 s26, $0x1;
	_ =	strace $0x8000004F;
	[dreg:$0x1] =	wrdreg $0xFFFFFFFF  }
0xb6: {  	s28 =	simm.s32 $_size_execute0_lowered;
	s4 =	sadd.s32 s4, s6;
	[dreg:$0x0] =	wrdreg $0x0  }
0xb7: {  	s6 =	sshll.u32 s28, $0x1;
	[dreg:$0x2] =	wrdreg s4  }
0xb8: {  	[dreg:$0x3] =	wrdreg s6  }
0xb9: {  	[dreg:$0x4] =	wrdreg $0xC0  }
0xba: {  	_ =	task [dreg:s22], $0x5FFFF  }
0xbb: {  	[dreg:$0x1] =	wrdreg $0xFFFFFFFF  }
0xbc: {  	[dreg:$0x0] =	wrdreg $0x60  }
0xbd: {  	[dreg:$0x2] =	wrdreg s24  }
0xbe: {  	[dreg:$0x3] =	wrdreg s18  }
0xbf: {  	[dreg:$0x4] =	wrdreg $0x9  }
0xc0: {  	_ =	task.clear_ibuf [dreg:s22], $0x5FFFF;
	_ =	strace $0x9000004F  }
0xc1: {  	s29 =	simm.s32 $0x9;
	_ =	strace $0x80000051  }
0xc2: {  	_ =	swait.ge [sflag:s29], $0x1  }
0xc3: {  	[sflag:s29] =	ssyncadd.s32 $0xFFFFFFFF  }
0xc4: {  	_ =	strace $0x90000051  }
0xc5: {  	_ =	sfence  }
0xc6: {  	s30 =	sld [smem:$0x0];
	_ =	sdelay $0x2  }
0xc7: {  	s31 =	sshll.u32 s1, $0xD;
	s1 =	sshrl.u32 s1, $0x2  }
0xc8: {  	s4 =	sand.u32 $0x4000, s31;
	s1 =	sadd.s32 s1, s30  }
0xc9: {  	s0 =	sor.u32 s4, s0;
	s1 =	sshll.u32 s1, $0x11  }
0xca: {  	s0 =	sor.u32 s1, s0  }
0xcb: {  	s0 =	sadd.s32 $0x8F2B, s0  }
0xcc: {  	[sflag:s0] =	ssyncadd.remote.s32 $0x1  }
0xcd: {  	_ =	sfence.sel $0xFFFF  }
0xce: {  	[dreg:$0x0] =	wrdreg $0xFFFFFFFF;
	(pc) =	sbr.abs _section_cstart, $3  }
0xcf: {  	[dreg:$0x1] =	wrdreg $0xFFFFFFFF  }
0xd0: {  	_ =	task.clear_ibuf [dreg:s22], $0x2FFFF;
	_ =	strace $0x9FFFFFFF  }
0xd1: {  	(tm) =	ssettm $0x7FFFFFFF  }
tec
execute0_lowered:
.L_overlay_start_1:
0x0: {  	(tag) =	ssettag $0x1  }
0x1: {  	s1 =	srdreg.scid;
	s5 =	rddreg [dreg:$0x0]  }
0x2: {  	s0 =	stileid.u32;
	s2 =	rddreg [dreg:$0x1];
	s6 =	simm.s32 $0x1  }
0x3: {  	s9 =	simm.s32 $0x1;
	s10 =	simm.s32 $0x3;
	s1 =	sshll.u32 s1, $0xA  }
0x4: {  	s13 =	simm.s32 $0x0;
	s3 =	sshll.u32 s0, $0xB;
	s4 =	sand.u32 $0x400, s1  }
0x5: {  	s12 =	simm.s32 $0x0;
	s1 =	rddreg [dreg:$0x2];
	s3 =	sor.u32 s3, s4  }
0x6: {  	_ =	strace $0x80000050;
	s4 =	sadd.s32 $0x7F600, s5;
	s8 =	ssub.s32 $0xA000, s3  }
.Ltmp0:
0x7: {  	s5 =	sadd.s32 $0x80600, s5;
	s7 =	sand.u32 $0x7C00, s8;
	(pc) =	sbr.rel .LBB2_1-.Ltmp0, $4  }
0x8: {  	[sflag:s6] =	ssyncpa.u1 $0x0;
	s11 =	smov.u32 s3;
	p0 =	sne.s32 s7, $0x0  }
0x9: {  	s8 =	sshrl.u32 s8, $0xF;
	s7 =	simm.s32 $0x2;
	s9 =	simm.s32 @!p0 $0x0  }
0xa: {  	[sflag:s7] =	ssyncpa.u1 $0x0;
	p0 =	por $0x0, $0x0;
	s8 =	sadd.s32 s9, s8  }
0xb: {  	vm0 =	vmmov $0xffff;
	[sflag:s10] =	ssyncpa.u1 $0x0;
	s10 =	simm.s32 $0x0;
	s9 =	sadd.s32 $0x1, s8  }
.LBB2_4:
0xc: {  	v2 =	vnsel vm1, $0x0, v2  }
0xd: {  	vm1 =	vgt.s32 v0, $0x0;
	v2 =	vmin.u32 v2, $0x752F  }
0xe: {  	v0 =	vnsel vm1, $0x0, v0  }
0xf: {  	v0 =	vmin.u32 v0, $0x752F  }
0x10: {  	[tilespmem:s15], [sflag:$0x1] =	stream.indirect_vreg.gather [hbm4b:s4+s10], $0x1, v1, vm0, $0x4038;
	[tilespmem:$0x1000] =	vst v63  }
0x11: {  	(ifvalue) =	ssetifvalue $0x7FFFFFFF  }
0x12: {  	[tilespmem:s16], [sflag:$0x1] =	stream.indirect_vreg.gather [hbm4b:s4+s10], $0x1, v2, vm0, $0x4038;
	[tilespmem:$0x1000] =	vst v63  }
0x13: {  	s29 =	sadd.s32 $0x10, s16;
	(ifvalue) =	ssetifvalue $0x7FFFFFFF  }
0x14: {  	[tilespmem:s29], [sflag:$0x1] =	stream.indirect_vreg.gather [hbm4b:s4+s10], $0x1, v0, vm0, $0x4038;
	[tilespmem:$0x1000] =	vst v63  }
0x15: {  	_ =	swait.ge [sflag:s6], $0x400  }
0x16: {  	s30 =	sshrl.u32 s13, $0x3;
	[sflag:s6] =	ssyncset.done $0x0  }
0x17: {  	s31 =	sand.u32 $0x7, s13;
	s15 =	sadd.s32 s2, s30;
	[sflag:s6] =	ssyncadd.s32 $0xFFFFFC00  }
0x18: {  	[hbm4b:s15+s31] =	stream.linear.scatter [tilespmem:s14], [sflag:$0x3], $0x400, $0x38;
	[tilespmem:$0x1000] =	vst v63  }
.LBB2_5:
0x19: {  	s15 =	sadd.s32 $0x8000, s11  }
0x1a: {  	p2 =	sgt.s32 s15, $0x9FFF  }
0x1b: {  	s15 =	smov.u32 @p2 s3;
	p2 =	sne.s32 s12, s9  }
.Ltmp1:
0x1c: {  	p1 =	slt.u32 s12, $0x2;
	(pc) =	sbr.rel @!p2 .LBB2_6-.Ltmp1, $4  }
0x1d: {  	s14 =	simm.s32 @!p1 $0x3  }
0x1e: {  	s16 =	sadd.s32 $0x1, s12;
	_ =	swait.ge @!p1 [sflag:s14], $0x400  }
0x1f: {  	s13 =	smov.u32 s11;
	p0 =	por !p0, !p0;
	[sflag:s14] =	ssyncset.done @!p1 $0x0  }
0x20: {  	s12 =	smov.u32 s16;
	s11 =	smov.u32 s15;
	[sflag:s14] =	ssyncadd.s32 @!p1 $0xFFFFFC00  }
.LBB2_1:
0x21: {  	p1 =	sge.u32 s12, s8  }
0x22: {  	s14 =	sxor.u32 @!p1 $0xFFFFFFFF, s12  }
0x23: {  	s31 =	sadd.s32 $0xFFFFFFFF, s12;
	s15 =	sshrl.u32 @!p1 s11, $0x3;
	s14 =	sshll.u32 @!p1 s14, $0xA  }
0x24: {  	s16 =	sand.u32 @!p1 $0x7, s11;
	s15 =	sadd.s32 @!p1 s5, s15;
	s14 =	sand.u32 @!p1 $0x400, s14  }
0x25: {  	[tilespmem:s14], [sflag:$0x2] =	stream.linear.gather @!p1 [hbm4b:s15+s16], $0x400, $0x38;
	[tilespmem:$0x1000] =	vst v63  }
0x26: {  	p1 =	sge.u32 s31, s8  }
.Ltmp2:
0x27: {  	_ = 	snop;
	(pc) =	sbr.rel @p1 .LBB2_5-.Ltmp2, $1  }
0x28: {  	_ =	sdelay $0x3  }
0x29: {  	s14 =	simm.s32 $0x1  }
0x2a: {  	_ =	swait.ge [sflag:s7], $0x400;
	s14 =	simm.s32 @!p0 $0x0  }
0x2b: {  	[sflag:s7] =	ssyncset.done $0x0;
	s14 =	sshll.u32 s14, $0xA  }
0x2c: {  	[sflag:s7] =	ssyncadd.s32 $0xFFFFFC00;
	(ifvalue) =	ssetifvalue $0x7FFFFFFF;
	v0 =	vld.msk [tilespmem:s14+$0x0 ss:$0x1], $0xffff;
	_ =	sdelay $0x4  }
0x2d: {  	s15 =	sadd.s32 $0x10, s14;
	vm1 =	vgt.s32 v0, $0x0  }
0x2e: {  	v2 =	vld.msk [tilespmem:s15+$0x0 ss:$0x1], $0xffff;
	v1 =	vnsel vm1, $0x0, v0  }
0x2f: {  	v1 =	vmin.u32 v1, $0x752F;
	_ =	sdelay $0x1  }
0x30: {  	s16 =	sshll.u32 s12, $0xA;
	s18 =	simm.s32 $0x20  }
0x31: {  	s16 =	sand.u32 $0x400, s16;
	s17 =	sadd.s32 $0x10, s15;
	s15 =	sor.u32 $0x800, s14  }
0x32: {  	s14 =	sor.u32 $0x800, s16;
	s16 =	sadd.s32 $0x10, s15;
	v0 =	vld.msk [tilespmem:s17+$0x0 ss:$0x1], $0xffff;
	vm1 =	vgt.s32 v2, $0x0;
	(ifvalue) =	ssetifvalue $0x7FFFFFFF  }
.LBB2_3:
0x33: {  	[tilespmem:s15], [sflag:$0x1] =	stream.indirect_vreg.gather [hbm4b:s4+s10], $0x1, v1, vm0, $0x4038;
	[tilespmem:$0x1000] =	vst v63  }
0x34: {  	s18 =	sadd.s32 $0x10, s18  }
0x35: {  	v2 =	vnsel vm1, $0x0, v2;
	p1 =	slt.u32 s18, $0x3F0  }
.Ltmp3:
0x36: {  	s15 =	smov.u32 s16;
	v1 =	vmin.u32 v2, $0x752F;
	(pc) =	sbr.rel @p1 .LBB2_3-.Ltmp3, $3  }
0x37: {  	_ =	sdelay $0x1  }
0x38: {  	s17 =	sadd.s32 $0x10, s17  }
0x39: {  	vm1 =	vgt.s32 v0, $0x0;
	s16 =	sadd.s32 $0x10, s16;
	v2 =	vmov v0;
	(ifvalue) =	ssetifvalue $0x7FFFFFFF;
	v0 =	vld.msk [tilespmem:s17+$0x0 ss:$0x1], $0xffff  }
.Ltmp4:
0x3a: {  	_ = 	snop;
	(pc) =	sbr.rel .LBB2_4-.Ltmp4, $1  }
0x3b: {  	_ =	sdelay $0x3  }
.LBB2_6:
0x3c: {  	_ =	sfence.sel $0x180000  }
0x3d: {  	s2 =	simm.s32 $0x2;
	[bflag:$0x0] =	sbarrier.arrive $0xFFFF  }
0x3e: {  	s30 =	simm.s32 $0x3;
	[sflag:s2] =	ssyncpa.u1 $0x1  }
0x3f: {  	s31 =	simm.s32 $0x1;
	[sflag:s30] =	ssyncpa.u1 $0x1  }
0x40: {  	[sflag:s31] =	ssyncpa.u1 $0x1  }
0x41: {  	p0 =	sne.s32 s0, $0x0;
	_ =	strace $0x90000050  }
0x42: {  	s0 =	sadd.s32 @!p0 $0x100000, s1;
	[bflag:$0x2] =	sbarrier.arrive $0xFFFF  }
0x43: {  	[sflag:s0] =	ssyncadd.tile.s32 @!p0 $0x1;
	_ =	shalt  }
.Lfunc_end2:
_tile_overlayer_lowered:
.L_overlay_start_2:
0x44: {  	(tag) =	ssettag $0x2  }
0x45: {  	s0 =	rddreg [dreg:$0x0];
	s2 =	stileid.u32  }
0x46: {  	s1 =	rddreg [dreg:$0x1];
	p0 =	sne.s32 s2, $0x0  }
0x47: {  	s3 =	rddreg [dreg:$0x2];
	[bflag:$0x3] =	sbarrier.arrive $0xFFFF;
	s2 =	simm.s32 @!p0 $0x1C01  }
0x48: {  	[timem:s3], [sflag:s2] =	dma.local @!p0 [hbm:s0], s1  }
0x49: {  	s0 =	simm.s32 @!p0 $0x1  }
0x4a: {  	_ =	swait.ge @!p0 [sflag:s0], s1  }
0x4b: {  	s1 =	ssub.s32 @!p0 $0x0, s1;
	[sflag:s0] =	ssyncset.done @!p0 $0x0  }
0x4c: {  	[sflag:s0] =	ssyncadd.s32 @!p0 s1  }
0x4d: {  	[bflag:$0x3] =	sbarrier.arrive $0xFFFF  }
0x4e: {  	_ =	shalt  }

// kernel: gather_offload_async_start.2
scs
__scs_entry_jumppad:
0x0: {  	(pc) =	sbr.rel $0x88, $3  }
0x1: {  	(tag) =	ssettag $0x0;
	lr =	simm.s32 $0x1  }
0x2: {  	[smem:$0x3F98] =	sst lr;
	_ =	strace $0xD0000000  }
0x3: {  	_ = 	snop  }
0x4: {  	_ = 	snop  }
0x5: {  	_ = 	snop  }
0x6: {  	_ = 	snop  }
0x7: {  	_ = 	snop  }
__scs_overlays_trampoline_lowered:
0x8: {  	[smem:$0x3FA7] =	sst s0  }
0x9: {  	[smem:$0x3FA8] =	sst s1  }
0xa: {  	[smem:$0x3FA9] =	sst s2  }
0xb: {  	[smem:$0x3FAA] =	sst s3  }
0xc: {  	[smem:$0x3FAB] =	sst s4  }
0xd: {  	[smem:$0x3FAC] =	sst s5  }
0xe: {  	[smem:$0x3FAD] =	sst s6  }
0xf: {  	[smem:$0x3FAE] =	sst s7  }
0x10: {  	[smem:$0x3FAF] =	sst s8  }
0x11: {  	[smem:$0x3FB0] =	sst s9;
	s0 =	simm.s32 @!p0 $0x0  }
0x12: {  	s1 =	sld [smem:$0x3F96];
	s0 =	simm.s32 @p0 $0x1  }
0x13: {  	[smem:$0x3FB1] =	sst s0;
	s0 =	simm.s32 @!p1 $0x0  }
0x14: {  	s2 =	sld [smem:$0x3F95];
	s0 =	simm.s32 @p1 $0x1  }
0x15: {  	[smem:$0x3FB2] =	sst s0;
	s0 =	simm.s32 @!p2 $0x0  }
0x16: {  	s3 =	sld [smem:$0x3FDB];
	s0 =	simm.s32 @p2 $0x1  }
0x17: {  	s4 =	simm.s32 $0x1BF5;
	[smem:$0x3FB4] =	sst s0  }
0x18: {  	s0 =	sld [smem:$0x3F97];
	_ =	swait.ge [sflag:s4], $0x0  }
0x19: {  	s7 =	sld [smem:$0x3F98]  }
0x1a: {  	s8 =	sadd.s32 $0xFFFFE003, lr  }
0x1b: {  	s9 =	sadd.s32 $0xFFFFFEF7, lr;
	s5 =	simm.s32 $0xFFFFFFFF;
	p2 =	slt.u32 s8, $0xFFFFF086  }
0x1c: {  	p1 =	slt.u32 s9, $0xF7A;
	s5 =	simm.s32 @!p2 $0x0  }
0x1d: {  	s5 =	simm.s32 @p1 $0x1;
	p0 =	seq.s32 s7, s2  }
0x1e: {  	s7 =	smul.u32 @!p0 $0xF7A, s2;
	p2 =	seq.s32 @!p0 s5, $0x0  }
0x1f: {  	s9 =	smul.u32 $0xF7A, s1;
	s8 =	simm.s32 @!p0 $0x1BF5;
	p2 =	por !p2, p0  }
0x20: {  	[sflag:s8] =	ssyncset.s32 @!p0 $0xFFFFF086;
	s6 =	sadd.s32 @!p0 s3, s7;
	s7 =	simm.s32 @!p0 $0x108  }
0x21: {  	s3 =	sadd.s32 s3, s9;
	s6 =	sadd.s32 @!p0 $0x88, s6;
	s7 =	simm.s32 @p2 $0x1082  }
0x22: {  	[simem:s7], [sflag:s8] =	dma.local @!p0 [hbm:s6], $0xF7A  }
0x23: {  	s9 =	sor.u32 $0xD0000000, s2;
	s6 =	simm.s32 $0x108;
	_ =	swait.ge @!p0 [sflag:s8], $0x0  }
0x24: {  	s3 =	sadd.s32 $0x88, s3;
	s6 =	simm.s32 @!p1 $0x1082;
	[sflag:s4] =	ssyncset.s32 $0xFFFFF086  }
0x25: {  	[simem:s6], [sflag:s4] =	dma.local [hbm:s3], $0xF7A  }
0x26: {  	[smem:$0x3F98] =	sst s1;
	(tag) =	ssettag s2;
	_ =	strace s9  }
0x27: {  	s1 =	sld [smem:$0x3FA8]  }
0x28: {  	s2 =	sld [smem:$0x3FA9]  }
0x29: {  	s4 =	sld [smem:$0x3FAB]  }
0x2a: {  	p0 =	seq.s32 s5, $0x0;
	s5 =	sld [smem:$0x3FAC]  }
0x2b: {  	s6 =	sld [smem:$0x3FAD]  }
0x2c: {  	s7 =	sld [smem:$0x3FAE]  }
0x2d: {  	s3 =	simm.s32 $0x108;
	s8 =	sld [smem:$0x3FAF]  }
0x2e: {  	s3 =	simm.s32 @!p0 $0x1082;
	s9 =	sld [smem:$0x3FB0]  }
0x2f: {  	lr =	sadd.s32 s0, s3;
	s0 =	sld [smem:$0x3FA7]  }
0x30: {  	s3 =	sld [smem:$0x3FAA]  }
0x31: {  	[smem:$0x3FB3] =	sst s10  }
0x32: {  	s10 =	sld [smem:$0x3FB1];
	_ =	sdelay $0x3  }
0x33: {  	p0 =	seq.s32 s10, $0x1;
	s10 =	sld [smem:$0x3FB3];
	_ =	sdelay $0x3  }
0x34: {  	[smem:$0x3FB3] =	sst s10  }
0x35: {  	s10 =	sld [smem:$0x3FB2];
	_ =	sdelay $0x3  }
0x36: {  	p1 =	seq.s32 s10, $0x1;
	s10 =	sld [smem:$0x3FB3];
	_ =	sdelay $0x3  }
0x37: {  	[smem:$0x3FB3] =	sst s10  }
0x38: {  	s10 =	sld [smem:$0x3FB4]  }
0x39: {  	_ = 	snop;
	(pc) =	sbr.ind lr, $3  }
0x3a: {  	_ = 	snop  }
0x3b: {  	_ = 	snop  }
0x3c: {  	p2 =	seq.s32 s10, $0x1;
	s10 =	sld [smem:$0x3FB3]  }
0x3d: {  	_ =	shalt  }
0x3e: {  	_ =	shalt  }
0x3f: {  	_ =	shalt  }
0x40: {  	_ =	shalt  }
0x41: {  	_ =	shalt  }
0x42: {  	_ =	shalt  }
0x43: {  	_ =	shalt  }
0x44: {  	_ =	shalt  }
0x45: {  	_ =	shalt  }
0x46: {  	_ =	shalt  }
0x47: {  	_ =	shalt  }
0x48: {  	_ =	shalt  }
0x49: {  	_ =	shalt  }
0x4a: {  	_ =	shalt  }
0x4b: {  	_ =	shalt  }
0x4c: {  	_ =	shalt  }
0x4d: {  	_ =	shalt  }
0x4e: {  	_ =	shalt  }
0x4f: {  	_ =	shalt  }
0x50: {  	_ =	shalt  }
0x51: {  	_ =	shalt  }
0x52: {  	_ =	shalt  }
0x53: {  	_ =	shalt  }
0x54: {  	_ =	shalt  }
0x55: {  	_ =	shalt  }
0x56: {  	_ =	shalt  }
0x57: {  	_ =	shalt  }
0x58: {  	_ =	shalt  }
0x59: {  	_ =	shalt  }
0x5a: {  	_ =	shalt  }
0x5b: {  	_ =	shalt  }
0x5c: {  	_ =	shalt  }
0x5d: {  	_ =	shalt  }
0x5e: {  	_ =	shalt  }
0x5f: {  	_ =	shalt  }
0x60: {  	_ =	shalt  }
0x61: {  	_ =	shalt  }
0x62: {  	_ =	shalt  }
0x63: {  	_ =	shalt  }
0x64: {  	_ =	shalt  }
0x65: {  	_ =	shalt  }
0x66: {  	_ =	shalt  }
0x67: {  	_ =	shalt  }
0x68: {  	_ =	shalt  }
0x69: {  	_ =	shalt  }
0x6a: {  	_ =	shalt  }
0x6b: {  	_ =	shalt  }
0x6c: {  	_ =	shalt  }
0x6d: {  	_ =	shalt  }
0x6e: {  	_ =	shalt  }
0x6f: {  	_ =	shalt  }
0x70: {  	_ =	shalt  }
0x71: {  	_ =	shalt  }
0x72: {  	_ =	shalt  }
0x73: {  	_ =	shalt  }
0x74: {  	_ =	shalt  }
0x75: {  	_ =	shalt  }
0x76: {  	_ =	shalt  }
0x77: {  	_ =	shalt  }
0x78: {  	_ =	shalt  }
0x79: {  	_ =	shalt  }
0x7a: {  	_ =	shalt  }
0x7b: {  	_ =	shalt  }
0x7c: {  	_ =	shalt  }
0x7d: {  	_ =	shalt  }
0x7e: {  	_ =	shalt  }
0x7f: {  	_ =	shalt  }
0x80: {  	_ =	shalt  }
0x81: {  	_ =	shalt  }
0x82: {  	_ =	shalt  }
0x83: {  	_ =	shalt  }
0x84: {  	_ =	shalt  }
0x85: {  	_ =	shalt  }
0x86: {  	_ =	shalt  }
0x87: {  	_ =	shalt  }
.Lfunc_end0:
.L_simem_size_0:
called_computation.2_lowered:
.L_overlay_start_0:
0x88: {  	s2 =	sld [smem:$0x3FD9]  }
0x89: {  	s3 =	sld [smem:$0x3FFE];
	_ =	sdelay $0x1  }
0x8a: {  	s1 =	srdreg.scid  }
0x8b: {  	s0 =	sand.u32 $0x1, s1  }
0x8c: {  	s16 =	sshll.u32 s0, $0xA;
	s2 =	sadd.s32 s3, s2  }
0x8d: {  	s2 =	sadd.s32 s2, s16  }
0x8e: {  	[smem:$0x3FBF] =	sst s2  }
0x8f: {  	_ = 	snop  }
0x90: {  	(tm) =	ssettm $0x1  }
0x91: {  	s17 =	sld [smem:$0x3FFB];
	_ =	sdelay $0x3  }
0x92: {  	_ =	strace s17  }
0x93: {  	s2 =	sld [smem:$0x3FFC];
	_ =	sdelay $0x3  }
0x94: {  	_ =	strace s2  }
0x95: {  	s2 =	sld [smem:$0x3FFD];
	_ =	sdelay $0x3  }
0x96: {  	_ =	strace s2  }
0x97: {  	_ =	strace $0x8FFFFFFF  }
0x98: {  	s18 =	sld [smem:$0x3FDB];
	_ =	sdelay $0x1  }
0x99: {  	s19 =	simm.s32 $_scs_section_size  }
0x9a: {  	s4 =	simm.s32 $_size__tile_overlayer_lowered;
	s5 =	simm.s32 $_tile_overlayer_lowered  }
0x9b: {  	s22 =	simm.s32 $0x1BFF;
	s21 =	sshll.u32 s5, $0x1;
	s2 =	sadd.s32 s19, s18  }
0x9c: {  	s6 =	simm.s32 $0x0;
	s20 =	sshll.u32 s4, $0x1;
	s4 =	sadd.s32 s21, s2  }
0x9d: {  	[timem:s6], [sflag:s22] =	dma.local [hbm:s4], s20  }
0x9e: {  	_ =	swait.ge [sflag:s22], s20  }
0x9f: {  	s3 =	ssub.s32 $0x0, s20;
	[sflag:s22] =	ssyncset.done $0x0  }
0xa0: {  	[sflag:s22] =	ssyncadd.s32 s3;
	_ =	sdelay $0x1  }
0xa1: {  	s23 =	simm.s32 $0x1B8B  }
0xa2: {  	_ =	swait.ge [sflag:s23], $0x1  }
0xa3: {  	[sflag:s23] =	ssyncset.done $0x0  }
0xa4: {  	s25 =	simm.s32 $0x1B8E;
	s24 =	sld [smem:$0x3FFE];
	[sflag:s23] =	ssyncadd.s32 $0xFFFFFFFF  }
0xa5: {  	s26 =	simm.s32 $execute0_lowered;
	[smem:$0x3FD2] =	sst s25  }
0xa6: {  	s4 =	sshll.u32 s26, $0x1;
	_ =	strace $0x8000004C;
	[dreg:$0x1] =	wrdreg $0xFFFFFFFF  }
0xa7: {  	s28 =	simm.s32 $_size_execute0_lowered;
	s2 =	sadd.s32 s2, s4;
	[dreg:$0x0] =	wrdreg $0x0  }
0xa8: {  	s4 =	sshll.u32 s28, $0x1;
	[dreg:$0x2] =	wrdreg s2  }
0xa9: {  	[dreg:$0x3] =	wrdreg s4  }
0xaa: {  	[dreg:$0x4] =	wrdreg $0xC0  }
0xab: {  	_ =	task [dreg:s6], $0x5FFFF  }
0xac: {  	[dreg:$0x1] =	wrdreg $0xFFFFFFFF  }
0xad: {  	[dreg:$0x0] =	wrdreg $0x60  }
0xae: {  	[dreg:$0x2] =	wrdreg s24  }
0xaf: {  	[dreg:$0x3] =	wrdreg $0xA  }
0xb0: {  	_ =	task.clear_ibuf [dreg:s6], $0x4FFFF;
	_ =	strace $0x9000004C  }
0xb1: {  	s29 =	simm.s32 $0xA;
	_ =	strace $0x8000004E  }
0xb2: {  	_ =	swait.ge [sflag:s29], $0x1  }
0xb3: {  	[sflag:s29] =	ssyncadd.s32 $0xFFFFFFFF  }
0xb4: {  	_ =	strace $0x9000004E  }
0xb5: {  	_ =	sfence  }
0xb6: {  	s30 =	sld [smem:$0x0];
	_ =	sdelay $0x2  }
0xb7: {  	s31 =	sshll.u32 s1, $0xD;
	s1 =	sshrl.u32 s1, $0x2  }
0xb8: {  	s3 =	sand.u32 $0x4000, s31;
	s1 =	sadd.s32 s1, s30  }
0xb9: {  	s0 =	sor.u32 s3, s0;
	s1 =	sshll.u32 s1, $0x11  }
0xba: {  	s0 =	sor.u32 s1, s0  }
0xbb: {  	s0 =	sadd.s32 $0x8F2B, s0  }
0xbc: {  	[sflag:s0] =	ssyncadd.remote.s32 $0x1  }
0xbd: {  	_ =	sfence.sel $0xFFFF  }
0xbe: {  	[dreg:$0x0] =	wrdreg $0xFFFFFFFF;
	(pc) =	sbr.abs _section_cstart, $3  }
0xbf: {  	[dreg:$0x1] =	wrdreg $0xFFFFFFFF  }
0xc0: {  	_ =	task.clear_ibuf [dreg:s6], $0x2FFFF;
	_ =	strace $0x9FFFFFFF  }
0xc1: {  	(tm) =	ssettm $0x7FFFFFFF  }
tec
execute0_lowered:
.L_overlay_start_1:
0x0: {  	(tag) =	ssettag $0x1  }
0x1: {  	s0 =	srdreg.scid;
	s5 =	rddreg [dreg:$0x0]  }
0x2: {  	s1 =	stileid.u32;
	s6 =	simm.s32 $0x1;
	s9 =	simm.s32 $0x1  }
0x3: {  	s10 =	simm.s32 $0x3;
	s13 =	simm.s32 $0x0;
	s2 =	sshll.u32 s0, $0xA  }
0x4: {  	s12 =	simm.s32 $0x0;
	s3 =	sshll.u32 s1, $0xB;
	s2 =	sand.u32 $0x400, s2  }
0x5: {  	s0 =	rddreg [dreg:$0x1];
	_ =	strace $0x8000004D;
	s2 =	sor.u32 s3, s2  }
0x6: {  	s4 =	sadd.s32 $0x80600, s5;
	[sflag:s6] =	ssyncpa.u1 $0x0;
	s8 =	ssub.s32 $0xA000, s2  }
.Ltmp0:
0x7: {  	s3 =	sadd.s32 $0x6000, s5;
	s7 =	sand.u32 $0x7C00, s8;
	(pc) =	sbr.rel .LBB2_1-.Ltmp0, $4  }
0x8: {  	s5 =	sadd.s32 $0x81A00, s5;
	s11 =	smov.u32 s2;
	p0 =	sne.s32 s7, $0x0  }
0x9: {  	s8 =	sshrl.u32 s8, $0xF;
	s7 =	simm.s32 $0x2;
	s9 =	simm.s32 @!p0 $0x0  }
0xa: {  	[sflag:s7] =	ssyncpa.u1 $0x0;
	p0 =	por $0x0, $0x0;
	s8 =	sadd.s32 s9, s8  }
0xb: {  	vm0 =	vmmov $0xffff;
	[sflag:s10] =	ssyncpa.u1 $0x0;
	s10 =	simm.s32 $0x0;
	s9 =	sadd.s32 $0x1, s8  }
.LBB2_4:
0xc: {  	v2 =	vnsel vm1, $0x0, v2  }
0xd: {  	vm1 =	vgt.s32 v0, $0x0;
	v2 =	vmin.u32 v2, $0x752F  }
0xe: {  	v0 =	vnsel vm1, $0x0, v0  }
0xf: {  	v0 =	vmin.u32 v0, $0x752F  }
0x10: {  	[tilespmem:s15], [sflag:$0x1] =	stream.indirect_vreg.gather [hbm4b:s3+s10], $0x1, v1, vm0, $0x4038;
	[tilespmem:$0x1000] =	vst v63  }
0x11: {  	(ifvalue) =	ssetifvalue $0x7FFFFFFF  }
0x12: {  	[tilespmem:s16], [sflag:$0x1] =	stream.indirect_vreg.gather [hbm4b:s3+s10], $0x1, v2, vm0, $0x4038;
	[tilespmem:$0x1000] =	vst v63  }
0x13: {  	s29 =	sadd.s32 $0x10, s16;
	(ifvalue) =	ssetifvalue $0x7FFFFFFF  }
0x14: {  	[tilespmem:s29], [sflag:$0x1] =	stream.indirect_vreg.gather [hbm4b:s3+s10], $0x1, v0, vm0, $0x4038;
	[tilespmem:$0x1000] =	vst v63  }
0x15: {  	_ =	swait.ge [sflag:s6], $0x400  }
0x16: {  	s30 =	sshrl.u32 s13, $0x3;
	[sflag:s6] =	ssyncset.done $0x0  }
0x17: {  	s31 =	sand.u32 $0x7, s13;
	s15 =	sadd.s32 s5, s30;
	[sflag:s6] =	ssyncadd.s32 $0xFFFFFC00  }
0x18: {  	[hbm4b:s15+s31] =	stream.linear.scatter [tilespmem:s14], [sflag:$0x3], $0x400, $0x38;
	[tilespmem:$0x1000] =	vst v63  }
.LBB2_5:
0x19: {  	s15 =	sadd.s32 $0x8000, s11  }
0x1a: {  	p2 =	sgt.s32 s15, $0x9FFF  }
0x1b: {  	s15 =	smov.u32 @p2 s2;
	p2 =	sne.s32 s12, s9  }
.Ltmp1:
0x1c: {  	p1 =	slt.u32 s12, $0x2;
	(pc) =	sbr.rel @!p2 .LBB2_6-.Ltmp1, $4  }
0x1d: {  	s14 =	simm.s32 @!p1 $0x3  }
0x1e: {  	s16 =	sadd.s32 $0x1, s12;
	_ =	swait.ge @!p1 [sflag:s14], $0x400  }
0x1f: {  	s13 =	smov.u32 s11;
	p0 =	por !p0, !p0;
	[sflag:s14] =	ssyncset.done @!p1 $0x0  }
0x20: {  	s12 =	smov.u32 s16;
	s11 =	smov.u32 s15;
	[sflag:s14] =	ssyncadd.s32 @!p1 $0xFFFFFC00  }
.LBB2_1:
0x21: {  	p1 =	sge.u32 s12, s8  }
0x22: {  	s14 =	sxor.u32 @!p1 $0xFFFFFFFF, s12  }
0x23: {  	s31 =	sadd.s32 $0xFFFFFFFF, s12;
	s15 =	sshrl.u32 @!p1 s11, $0x3;
	s14 =	sshll.u32 @!p1 s14, $0xA  }
0x24: {  	s16 =	sand.u32 @!p1 $0x7, s11;
	s15 =	sadd.s32 @!p1 s4, s15;
	s14 =	sand.u32 @!p1 $0x400, s14  }
0x25: {  	[tilespmem:s14], [sflag:$0x2] =	stream.linear.gather @!p1 [hbm4b:s15+s16], $0x400, $0x38;
	[tilespmem:$0x1000] =	vst v63  }
0x26: {  	p1 =	sge.u32 s31, s8  }
.Ltmp2:
0x27: {  	_ = 	snop;
	(pc) =	sbr.rel @p1 .LBB2_5-.Ltmp2, $1  }
0x28: {  	_ =	sdelay $0x3  }
0x29: {  	s14 =	simm.s32 $0x1  }
0x2a: {  	_ =	swait.ge [sflag:s7], $0x400;
	s14 =	simm.s32 @!p0 $0x0  }
0x2b: {  	[sflag:s7] =	ssyncset.done $0x0;
	s14 =	sshll.u32 s14, $0xA  }
0x2c: {  	[sflag:s7] =	ssyncadd.s32 $0xFFFFFC00;
	(ifvalue) =	ssetifvalue $0x7FFFFFFF;
	v0 =	vld.msk [tilespmem:s14+$0x0 ss:$0x1], $0xffff;
	_ =	sdelay $0x4  }
0x2d: {  	s15 =	sadd.s32 $0x10, s14;
	vm1 =	vgt.s32 v0, $0x0  }
0x2e: {  	v2 =	vld.msk [tilespmem:s15+$0x0 ss:$0x1], $0xffff;
	v1 =	vnsel vm1, $0x0, v0  }
0x2f: {  	v1 =	vmin.u32 v1, $0x752F;
	_ =	sdelay $0x1  }
0x30: {  	s16 =	sshll.u32 s12, $0xA;
	s18 =	simm.s32 $0x20  }
0x31: {  	s16 =	sand.u32 $0x400, s16;
	s17 =	sadd.s32 $0x10, s15;
	s15 =	sor.u32 $0x800, s14  }
0x32: {  	s14 =	sor.u32 $0x800, s16;
	s16 =	sadd.s32 $0x10, s15;
	v0 =	vld.msk [tilespmem:s17+$0x0 ss:$0x1], $0xffff;
	vm1 =	vgt.s32 v2, $0x0;
	(ifvalue) =	ssetifvalue $0x7FFFFFFF  }
.LBB2_3:
0x33: {  	[tilespmem:s15], [sflag:$0x1] =	stream.indirect_vreg.gather [hbm4b:s3+s10], $0x1, v1, vm0, $0x4038;
	[tilespmem:$0x1000] =	vst v63  }
0x34: {  	s18 =	sadd.s32 $0x10, s18  }
0x35: {  	v2 =	vnsel vm1, $0x0, v2;
	p1 =	slt.u32 s18, $0x3F0  }
.Ltmp3:
0x36: {  	s15 =	smov.u32 s16;
	v1 =	vmin.u32 v2, $0x752F;
	(pc) =	sbr.rel @p1 .LBB2_3-.Ltmp3, $3  }
0x37: {  	_ =	sdelay $0x1  }
0x38: {  	s17 =	sadd.s32 $0x10, s17  }
0x39: {  	vm1 =	vgt.s32 v0, $0x0;
	s16 =	sadd.s32 $0x10, s16;
	v2 =	vmov v0;
	(ifvalue) =	ssetifvalue $0x7FFFFFFF;
	v0 =	vld.msk [tilespmem:s17+$0x0 ss:$0x1], $0xffff  }
.Ltmp4:
0x3a: {  	_ = 	snop;
	(pc) =	sbr.rel .LBB2_4-.Ltmp4, $1  }
0x3b: {  	_ =	sdelay $0x3  }
.LBB2_6:
0x3c: {  	_ =	sfence.sel $0x180000  }
0x3d: {  	s2 =	simm.s32 $0x2;
	[bflag:$0x0] =	sbarrier.arrive $0xFFFF  }
0x3e: {  	s30 =	simm.s32 $0x3;
	[sflag:s2] =	ssyncpa.u1 $0x1  }
0x3f: {  	s31 =	simm.s32 $0x1;
	[sflag:s30] =	ssyncpa.u1 $0x1  }
0x40: {  	[sflag:s31] =	ssyncpa.u1 $0x1  }
0x41: {  	p0 =	sne.s32 s1, $0x0;
	_ =	strace $0x9000004D  }
0x42: {  	s0 =	sadd.s32 @!p0 $0x100000, s0;
	[bflag:$0x2] =	sbarrier.arrive $0xFFFF  }
0x43: {  	[sflag:s0] =	ssyncadd.tile.s32 @!p0 $0x1;
	_ =	shalt  }
.Lfunc_end2:
_tile_overlayer_lowered:
.L_overlay_start_2:
0x44: {  	(tag) =	ssettag $0x2  }
0x45: {  	s0 =	rddreg [dreg:$0x0];
	s2 =	stileid.u32  }
0x46: {  	s1 =	rddreg [dreg:$0x1];
	p0 =	sne.s32 s2, $0x0  }
0x47: {  	s3 =	rddreg [dreg:$0x2];
	[bflag:$0x3] =	sbarrier.arrive $0xFFFF;
	s2 =	simm.s32 @!p0 $0x1C01  }
0x48: {  	[timem:s3], [sflag:s2] =	dma.local @!p0 [hbm:s0], s1  }
0x49: {  	s0 =	simm.s32 @!p0 $0x1  }
0x4a: {  	_ =	swait.ge @!p0 [sflag:s0], s1  }
0x4b: {  	s1 =	ssub.s32 @!p0 $0x0, s1;
	[sflag:s0] =	ssyncset.done @!p0 $0x0  }
0x4c: {  	[sflag:s0] =	ssyncadd.s32 @!p0 s1  }
0x4d: {  	[bflag:$0x3] =	sbarrier.arrive $0xFFFF  }
0x4e: {  	_ =	shalt  }

// kernel: gather_offload_async_start.3
scs
__scs_entry_jumppad:
0x0: {  	(pc) =	sbr.rel $0x88, $3  }
0x1: {  	(tag) =	ssettag $0x0;
	lr =	simm.s32 $0x1  }
0x2: {  	[smem:$0x3F98] =	sst lr;
	_ =	strace $0xD0000000  }
0x3: {  	_ = 	snop  }
0x4: {  	_ = 	snop  }
0x5: {  	_ = 	snop  }
0x6: {  	_ = 	snop  }
0x7: {  	_ = 	snop  }
__scs_overlays_trampoline_lowered:
0x8: {  	[smem:$0x3FA7] =	sst s0  }
0x9: {  	[smem:$0x3FA8] =	sst s1  }
0xa: {  	[smem:$0x3FA9] =	sst s2  }
0xb: {  	[smem:$0x3FAA] =	sst s3  }
0xc: {  	[smem:$0x3FAB] =	sst s4  }
0xd: {  	[smem:$0x3FAC] =	sst s5  }
0xe: {  	[smem:$0x3FAD] =	sst s6  }
0xf: {  	[smem:$0x3FAE] =	sst s7  }
0x10: {  	[smem:$0x3FAF] =	sst s8  }
0x11: {  	[smem:$0x3FB0] =	sst s9;
	s0 =	simm.s32 @!p0 $0x0  }
0x12: {  	s1 =	sld [smem:$0x3F96];
	s0 =	simm.s32 @p0 $0x1  }
0x13: {  	[smem:$0x3FB1] =	sst s0;
	s0 =	simm.s32 @!p1 $0x0  }
0x14: {  	s2 =	sld [smem:$0x3F95];
	s0 =	simm.s32 @p1 $0x1  }
0x15: {  	[smem:$0x3FB2] =	sst s0;
	s0 =	simm.s32 @!p2 $0x0  }
0x16: {  	s3 =	sld [smem:$0x3FDB];
	s0 =	simm.s32 @p2 $0x1  }
0x17: {  	s4 =	simm.s32 $0x1BF5;
	[smem:$0x3FB4] =	sst s0  }
0x18: {  	s0 =	sld [smem:$0x3F97];
	_ =	swait.ge [sflag:s4], $0x0  }
0x19: {  	s7 =	sld [smem:$0x3F98]  }
0x1a: {  	s8 =	sadd.s32 $0xFFFFE003, lr  }
0x1b: {  	s9 =	sadd.s32 $0xFFFFFEF7, lr;
	s5 =	simm.s32 $0xFFFFFFFF;
	p2 =	slt.u32 s8, $0xFFFFF086  }
0x1c: {  	p1 =	slt.u32 s9, $0xF7A;
	s5 =	simm.s32 @!p2 $0x0  }
0x1d: {  	s5 =	simm.s32 @p1 $0x1;
	p0 =	seq.s32 s7, s2  }
0x1e: {  	s7 =	smul.u32 @!p0 $0xF7A, s2;
	p2 =	seq.s32 @!p0 s5, $0x0  }
0x1f: {  	s9 =	smul.u32 $0xF7A, s1;
	s8 =	simm.s32 @!p0 $0x1BF5;
	p2 =	por !p2, p0  }
0x20: {  	[sflag:s8] =	ssyncset.s32 @!p0 $0xFFFFF086;
	s6 =	sadd.s32 @!p0 s3, s7;
	s7 =	simm.s32 @!p0 $0x108  }
0x21: {  	s3 =	sadd.s32 s3, s9;
	s6 =	sadd.s32 @!p0 $0x88, s6;
	s7 =	simm.s32 @p2 $0x1082  }
0x22: {  	[simem:s7], [sflag:s8] =	dma.local @!p0 [hbm:s6], $0xF7A  }
0x23: {  	s9 =	sor.u32 $0xD0000000, s2;
	s6 =	simm.s32 $0x108;
	_ =	swait.ge @!p0 [sflag:s8], $0x0  }
0x24: {  	s3 =	sadd.s32 $0x88, s3;
	s6 =	simm.s32 @!p1 $0x1082;
	[sflag:s4] =	ssyncset.s32 $0xFFFFF086  }
0x25: {  	[simem:s6], [sflag:s4] =	dma.local [hbm:s3], $0xF7A  }
0x26: {  	[smem:$0x3F98] =	sst s1;
	(tag) =	ssettag s2;
	_ =	strace s9  }
0x27: {  	s1 =	sld [smem:$0x3FA8]  }
0x28: {  	s2 =	sld [smem:$0x3FA9]  }
0x29: {  	s4 =	sld [smem:$0x3FAB]  }
0x2a: {  	p0 =	seq.s32 s5, $0x0;
	s5 =	sld [smem:$0x3FAC]  }
0x2b: {  	s6 =	sld [smem:$0x3FAD]  }
0x2c: {  	s7 =	sld [smem:$0x3FAE]  }
0x2d: {  	s3 =	simm.s32 $0x108;
	s8 =	sld [smem:$0x3FAF]  }
0x2e: {  	s3 =	simm.s32 @!p0 $0x1082;
	s9 =	sld [smem:$0x3FB0]  }
0x2f: {  	lr =	sadd.s32 s0, s3;
	s0 =	sld [smem:$0x3FA7]  }
0x30: {  	s3 =	sld [smem:$0x3FAA]  }
0x31: {  	[smem:$0x3FB3] =	sst s10  }
0x32: {  	s10 =	sld [smem:$0x3FB1];
	_ =	sdelay $0x3  }
0x33: {  	p0 =	seq.s32 s10, $0x1;
	s10 =	sld [smem:$0x3FB3];
	_ =	sdelay $0x3  }
0x34: {  	[smem:$0x3FB3] =	sst s10  }
0x35: {  	s10 =	sld [smem:$0x3FB2];
	_ =	sdelay $0x3  }
0x36: {  	p1 =	seq.s32 s10, $0x1;
	s10 =	sld [smem:$0x3FB3];
	_ =	sdelay $0x3  }
0x37: {  	[smem:$0x3FB3] =	sst s10  }
0x38: {  	s10 =	sld [smem:$0x3FB4]  }
0x39: {  	_ = 	snop;
	(pc) =	sbr.ind lr, $3  }
0x3a: {  	_ = 	snop  }
0x3b: {  	_ = 	snop  }
0x3c: {  	p2 =	seq.s32 s10, $0x1;
	s10 =	sld [smem:$0x3FB3]  }
0x3d: {  	_ =	shalt  }
0x3e: {  	_ =	shalt  }
0x3f: {  	_ =	shalt  }
0x40: {  	_ =	shalt  }
0x41: {  	_ =	shalt  }
0x42: {  	_ =	shalt  }
0x43: {  	_ =	shalt  }
0x44: {  	_ =	shalt  }
0x45: {  	_ =	shalt  }
0x46: {  	_ =	shalt  }
0x47: {  	_ =	shalt  }
0x48: {  	_ =	shalt  }
0x49: {  	_ =	shalt  }
0x4a: {  	_ =	shalt  }
0x4b: {  	_ =	shalt  }
0x4c: {  	_ =	shalt  }
0x4d: {  	_ =	shalt  }
0x4e: {  	_ =	shalt  }
0x4f: {  	_ =	shalt  }
0x50: {  	_ =	shalt  }
0x51: {  	_ =	shalt  }
0x52: {  	_ =	shalt  }
0x53: {  	_ =	shalt  }
0x54: {  	_ =	shalt  }
0x55: {  	_ =	shalt  }
0x56: {  	_ =	shalt  }
0x57: {  	_ =	shalt  }
0x58: {  	_ =	shalt  }
0x59: {  	_ =	shalt  }
0x5a: {  	_ =	shalt  }
0x5b: {  	_ =	shalt  }
0x5c: {  	_ =	shalt  }
0x5d: {  	_ =	shalt  }
0x5e: {  	_ =	shalt  }
0x5f: {  	_ =	shalt  }
0x60: {  	_ =	shalt  }
0x61: {  	_ =	shalt  }
0x62: {  	_ =	shalt  }
0x63: {  	_ =	shalt  }
0x64: {  	_ =	shalt  }
0x65: {  	_ =	shalt  }
0x66: {  	_ =	shalt  }
0x67: {  	_ =	shalt  }
0x68: {  	_ =	shalt  }
0x69: {  	_ =	shalt  }
0x6a: {  	_ =	shalt  }
0x6b: {  	_ =	shalt  }
0x6c: {  	_ =	shalt  }
0x6d: {  	_ =	shalt  }
0x6e: {  	_ =	shalt  }
0x6f: {  	_ =	shalt  }
0x70: {  	_ =	shalt  }
0x71: {  	_ =	shalt  }
0x72: {  	_ =	shalt  }
0x73: {  	_ =	shalt  }
0x74: {  	_ =	shalt  }
0x75: {  	_ =	shalt  }
0x76: {  	_ =	shalt  }
0x77: {  	_ =	shalt  }
0x78: {  	_ =	shalt  }
0x79: {  	_ =	shalt  }
0x7a: {  	_ =	shalt  }
0x7b: {  	_ =	shalt  }
0x7c: {  	_ =	shalt  }
0x7d: {  	_ =	shalt  }
0x7e: {  	_ =	shalt  }
0x7f: {  	_ =	shalt  }
0x80: {  	_ =	shalt  }
0x81: {  	_ =	shalt  }
0x82: {  	_ =	shalt  }
0x83: {  	_ =	shalt  }
0x84: {  	_ =	shalt  }
0x85: {  	_ =	shalt  }
0x86: {  	_ =	shalt  }
0x87: {  	_ =	shalt  }
.Lfunc_end0:
.L_simem_size_0:
called_computation.3_lowered:
.L_overlay_start_0:
0x88: {  	s0 =	sld [smem:$0x3FD9]  }
0x89: {  	s1 =	sld [smem:$0x3FFE];
	_ =	sdelay $0x3  }
0x8a: {  	s0 =	sadd.s32 s1, s0  }
0x8b: {  	[smem:$0x3FBF] =	sst s0  }
0x8c: {  	_ = 	snop  }
0x8d: {  	(tm) =	ssettm $0x1  }
0x8e: {  	s15 =	sld [smem:$0x3FFB];
	_ =	sdelay $0x3  }
0x8f: {  	_ =	strace s15  }
0x90: {  	s0 =	sld [smem:$0x3FFC];
	_ =	sdelay $0x3  }
0x91: {  	_ =	strace s0  }
0x92: {  	s0 =	sld [smem:$0x3FFD];
	_ =	sdelay $0x3  }
0x93: {  	_ =	strace s0  }
0x94: {  	_ =	strace $0x8FFFFFFF  }
0x95: {  	s16 =	sld [smem:$0x3FDB];
	_ =	sdelay $0x1  }
0x96: {  	s17 =	simm.s32 $_scs_section_size  }
0x97: {  	s2 =	simm.s32 $_size__tile_overlayer_lowered;
	s3 =	simm.s32 $_tile_overlayer_lowered  }
0x98: {  	s20 =	simm.s32 $0x1BFF;
	s19 =	sshll.u32 s3, $0x1;
	s0 =	sadd.s32 s17, s16  }
0x99: {  	s4 =	simm.s32 $0x0;
	s18 =	sshll.u32 s2, $0x1;
	s2 =	sadd.s32 s19, s0  }
0x9a: {  	[timem:s4], [sflag:s20] =	dma.local [hbm:s2], s18  }
0x9b: {  	_ =	swait.ge [sflag:s20], s18  }
0x9c: {  	s1 =	ssub.s32 $0x0, s18;
	[sflag:s20] =	ssyncset.done $0x0  }
0x9d: {  	[sflag:s20] =	ssyncadd.s32 s1;
	_ =	sdelay $0x1  }
0x9e: {  	s21 =	simm.s32 $0x1B8B  }
0x9f: {  	_ =	swait.ge [sflag:s21], $0x1  }
0xa0: {  	[sflag:s21] =	ssyncset.done $0x0  }
0xa1: {  	s23 =	simm.s32 $0x1B8E;
	s22 =	sld [smem:$0x3FFE];
	[sflag:s21] =	ssyncadd.s32 $0xFFFFFFFF  }
0xa2: {  	s24 =	simm.s32 $execute0_lowered;
	[smem:$0x3FD2] =	sst s23  }
0xa3: {  	s2 =	sshll.u32 s24, $0x1;
	_ =	strace $0x80000049;
	[dreg:$0x1] =	wrdreg $0xFFFFFFFF  }
0xa4: {  	s25 =	simm.s32 $_size_execute0_lowered;
	s0 =	sadd.s32 s0, s2;
	[dreg:$0x0] =	wrdreg $0x0  }
0xa5: {  	s2 =	sshll.u32 s25, $0x1;
	[dreg:$0x2] =	wrdreg s0  }
0xa6: {  	[dreg:$0x3] =	wrdreg s2  }
0xa7: {  	[dreg:$0x4] =	wrdreg $0xC0  }
0xa8: {  	_ =	task [dreg:s4], $0x5FFFF  }
0xa9: {  	[dreg:$0x1] =	wrdreg $0xFFFFFFFF  }
0xaa: {  	[dreg:$0x0] =	wrdreg $0x60  }
0xab: {  	[dreg:$0x2] =	wrdreg s22  }
0xac: {  	[dreg:$0x3] =	wrdreg $0x9  }
0xad: {  	_ =	task.clear_ibuf [dreg:s4], $0x4FFFF;
	_ =	strace $0x90000049  }
0xae: {  	s26 =	simm.s32 $0x9;
	_ =	strace $0x8000004B  }
0xaf: {  	_ =	swait.ge [sflag:s26], $0x1  }
0xb0: {  	[sflag:s26] =	ssyncadd.s32 $0xFFFFFFFF  }
0xb1: {  	_ =	strace $0x9000004B  }
0xb2: {  	_ =	sfence  }
0xb3: {  	s28 =	sld [smem:$0x0];
	_ =	sdelay $0x1  }
0xb4: {  	s29 =	srdreg.scid  }
0xb5: {  	s30 =	sshll.u32 s29, $0xD;
	s31 =	sshrl.u32 s29, $0x2  }
0xb6: {  	s1 =	sand.u32 $0x1, s29;
	s2 =	sand.u32 $0x4000, s30;
	s0 =	sadd.s32 s31, s28  }
0xb7: {  	s1 =	sor.u32 s2, s1;
	s0 =	sshll.u32 s0, $0x11  }
0xb8: {  	s0 =	sor.u32 s0, s1  }
0xb9: {  	s0 =	sadd.s32 $0x8F2B, s0  }
0xba: {  	[sflag:s0] =	ssyncadd.remote.s32 $0x1  }
0xbb: {  	_ =	sfence.sel $0xFFFF  }
0xbc: {  	[dreg:$0x0] =	wrdreg $0xFFFFFFFF;
	(pc) =	sbr.abs _section_cstart, $3  }
0xbd: {  	[dreg:$0x1] =	wrdreg $0xFFFFFFFF  }
0xbe: {  	_ =	task.clear_ibuf [dreg:s4], $0x2FFFF;
	_ =	strace $0x9FFFFFFF  }
0xbf: {  	(tm) =	ssettm $0x7FFFFFFF  }
tec
execute0_lowered:
.L_overlay_start_1:
0x0: {  	(tag) =	ssettag $0x1  }
0x1: {  	s8 =	rddreg [dreg:$0x0]  }
0x2: {  	s0 =	rddreg [dreg:$0x1];
	_ =	strace $0x8000004A  }
0x3: {  	s1 =	stileid.u32;
	s5 =	simm.s32 $0x1;
	s6 =	simm.s32 $0x4B00  }
0x4: {  	s9 =	simm.s32 $0x1;
	s10 =	simm.s32 $0x3;
	s13 =	simm.s32 $0x0  }
0x5: {  	s12 =	simm.s32 $0x0;
	s2 =	sadd.s32 $0x5000, s8;
	s4 =	smul.u32 $0x4B0, s1  }
0x6: {  	s3 =	sadd.s32 $0x7000, s8;
	p0 =	slt.u32 s1, $0xA;
	[sflag:s5] =	ssyncpa.u1 $0x0  }
.Ltmp0:
0x7: {  	s6 =	simm.s32 @!p0 $0x0;
	s7 =	ssub.s32 $0x7530, s4;
	(pc) =	sbr.rel .LBB2_1-.Ltmp0, $4  }
0x8: {  	s9 =	simm.s32 @!p0 $0x0;
	p0 =	sne.s32 s7, s6;
	s7 =	simm.s32 $0x1  }
0x9: {  	s8 =	sadd.s32 $0x7E600, s8;
	s6 =	simm.s32 $0x2;
	s7 =	simm.s32 @!p0 $0x0  }
0xa: {  	s11 =	smov.u32 s4;
	[sflag:s6] =	ssyncpa.u1 $0x0;
	s7 =	sadd.s32 s9, s7  }
0xb: {  	vm0 =	vmmov $0xffff;
	[sflag:s10] =	ssyncpa.u1 $0x0;
	s10 =	simm.s32 $0x0;
	s9 =	sadd.s32 $0x1, s7  }
.LBB2_4:
0xc: {  	v2 =	vnsel vm1, $0x0, v2  }
0xd: {  	vm1 =	vgt.s32 v0, $0x0;
	v2 =	vmin.u32 v2, $0x752F  }
0xe: {  	v0 =	vnsel vm1, $0x0, v0  }
0xf: {  	v0 =	vmin.u32 v0, $0x752F  }
0x10: {  	[tilespmem:s18], [sflag:$0x1] =	stream.indirect_vreg.gather [hbm4b:s2+s10], $0x1, v1, vm0, $0x4038;
	[tilespmem:$0x12C0] =	vst v63  }
0x11: {  	(ifvalue) =	ssetifvalue $0x7FFFFFFF  }
0x12: {  	[tilespmem:s15], [sflag:$0x1] =	stream.indirect_vreg.gather [hbm4b:s2+s10], $0x1, v2, vm0, $0x4038;
	[tilespmem:$0x12C0] =	vst v63  }
0x13: {  	s29 =	sadd.s32 $0x10, s15;
	(ifvalue) =	ssetifvalue $0x7FFFFFFF  }
0x14: {  	[tilespmem:s29], [sflag:$0x1] =	stream.indirect_vreg.gather [hbm4b:s2+s10], $0x1, v0, vm0, $0x4038;
	[tilespmem:$0x12C0] =	vst v63  }
0x15: {  	_ =	swait.ge [sflag:s5], $0x4B0  }
0x16: {  	s30 =	sshrl.u32 s13, $0x3;
	[sflag:s5] =	ssyncset.done $0x0  }
0x17: {  	s31 =	sand.u32 $0x7, s13;
	s15 =	sadd.s32 s8, s30;
	[sflag:s5] =	ssyncadd.s32 $0xFFFFFB50  }
0x18: {  	[hbm4b:s15+s31] =	stream.linear.scatter [tilespmem:s14], [sflag:$0x3], $0x4B0, $0x38;
	[tilespmem:$0x12C0] =	vst v63  }
.LBB2_5:
0x19: {  	s15 =	sadd.s32 $0x4B00, s11  }
0x1a: {  	p1 =	sgt.s32 s15, $0x752F  }
0x1b: {  	s15 =	smov.u32 @p1 s4;
	p1 =	sne.s32 s12, s9  }
.Ltmp1:
0x1c: {  	p0 =	slt.u32 s12, $0x2;
	(pc) =	sbr.rel @!p1 .LBB2_6-.Ltmp1, $4  }
0x1d: {  	s14 =	simm.s32 @!p0 $0x3  }
0x1e: {  	_ =	swait.ge @!p0 [sflag:s14], $0x4B0  }
0x1f: {  	s16 =	sadd.s32 $0x1, s12;
	s13 =	smov.u32 s11;
	[sflag:s14] =	ssyncset.done @!p0 $0x0  }
0x20: {  	s12 =	smov.u32 s16;
	s11 =	smov.u32 s15;
	[sflag:s14] =	ssyncadd.s32 @!p0 $0xFFFFFB50  }
.LBB2_1:
0x21: {  	p0 =	sge.u32 s12, s7  }
0x22: {  	s14 =	sxor.u32 @!p0 $0x1, s12  }
0x23: {  	s14 =	smul.u32 @!p0 $0x12C0, s14  }
0x24: {  	s31 =	sadd.s32 $0xFFFFFFFF, s12;
	s15 =	sshrl.u32 @!p0 s11, $0x3  }
0x25: {  	s16 =	sand.u32 @!p0 $0x7, s11;
	s15 =	sadd.s32 @!p0 s3, s15;
	s14 =	sshra.s32 @!p0 s14, $0x2  }
0x26: {  	[tilespmem:s14], [sflag:$0x2] =	stream.linear.gather @!p0 [hbm4b:s15+s16], $0x4B0, $0x38;
	[tilespmem:$0x12C0] =	vst v63  }
0x27: {  	p0 =	sge.u32 s31, s7  }
.Ltmp2:
0x28: {  	_ = 	snop;
	(pc) =	sbr.rel @p0 .LBB2_5-.Ltmp2, $1  }
0x29: {  	_ =	sdelay $0x3  }
0x2a: {  	s14 =	sand.u32 $0x1, s12  }
0x2b: {  	_ =	swait.ge [sflag:s6], $0x4B0;
	p0 =	seq.s32 s14, $0x1;
	s14 =	simm.s32 $0x4B0  }
0x2c: {  	[sflag:s6] =	ssyncset.done $0x0;
	s14 =	simm.s32 @!p0 $0x0  }
0x2d: {  	[sflag:s6] =	ssyncadd.s32 $0xFFFFFB50;
	(ifvalue) =	ssetifvalue $0x7FFFFFFF;
	v0 =	vld.msk [tilespmem:s14+$0x0 ss:$0x1], $0xffff;
	_ =	sdelay $0x4  }
0x2e: {  	s15 =	sadd.s32 $0x10, s14;
	vm1 =	vgt.s32 v0, $0x0  }
0x2f: {  	v2 =	vld.msk [tilespmem:s15+$0x0 ss:$0x1], $0xffff;
	v1 =	vnsel vm1, $0x0, v0  }
0x30: {  	v1 =	vmin.u32 v1, $0x752F;
	_ =	sdelay $0x2  }
0x31: {  	s17 =	simm.s32 $0x20;
	s14 =	sadd.s32 $0x960, s14;
	s16 =	sadd.s32 $0x10, s15  }
0x32: {  	s15 =	sadd.s32 $0x10, s14;
	s18 =	smov.u32 s14;
	v0 =	vld.msk [tilespmem:s16+$0x0 ss:$0x1], $0xffff;
	vm1 =	vgt.s32 v2, $0x0;
	(ifvalue) =	ssetifvalue $0x7FFFFFFF  }
.LBB2_3:
0x33: {  	[tilespmem:s18], [sflag:$0x1] =	stream.indirect_vreg.gather [hbm4b:s2+s10], $0x1, v1, vm0, $0x4038;
	[tilespmem:$0x12C0] =	vst v63  }
0x34: {  	s17 =	sadd.s32 $0x10, s17  }
0x35: {  	v2 =	vnsel vm1, $0x0, v2;
	p0 =	slt.u32 s17, $0x4A0  }
.Ltmp3:
0x36: {  	s18 =	smov.u32 s15;
	v1 =	vmin.u32 v2, $0x752F;
	(pc) =	sbr.rel @p0 .LBB2_3-.Ltmp3, $3  }
0x37: {  	_ =	sdelay $0x1  }
0x38: {  	s16 =	sadd.s32 $0x10, s16  }
0x39: {  	vm1 =	vgt.s32 v0, $0x0;
	s15 =	sadd.s32 $0x10, s15;
	v2 =	vmov v0;
	(ifvalue) =	ssetifvalue $0x7FFFFFFF;
	v0 =	vld.msk [tilespmem:s16+$0x0 ss:$0x1], $0xffff  }
.Ltmp4:
0x3a: {  	_ = 	snop;
	(pc) =	sbr.rel .LBB2_4-.Ltmp4, $1  }
0x3b: {  	_ =	sdelay $0x3  }
.LBB2_6:
0x3c: {  	_ =	sfence.sel $0x180000  }
0x3d: {  	s2 =	simm.s32 $0x2;
	[bflag:$0x0] =	sbarrier.arrive $0xFFFF  }
0x3e: {  	s30 =	simm.s32 $0x3;
	[sflag:s2] =	ssyncpa.u1 $0x1  }
0x3f: {  	s31 =	simm.s32 $0x1;
	[sflag:s30] =	ssyncpa.u1 $0x1  }
0x40: {  	[sflag:s31] =	ssyncpa.u1 $0x1  }
0x41: {  	p0 =	sne.s32 s1, $0x0;
	_ =	strace $0x9000004A  }
0x42: {  	s0 =	sadd.s32 @!p0 $0x100000, s0;
	[bflag:$0x2] =	sbarrier.arrive $0xFFFF  }
0x43: {  	[sflag:s0] =	ssyncadd.tile.s32 @!p0 $0x1;
	_ =	shalt  }
.Lfunc_end2:
_tile_overlayer_lowered:
.L_overlay_start_2:
0x44: {  	(tag) =	ssettag $0x2  }
0x45: {  	s0 =	rddreg [dreg:$0x0];
	s2 =	stileid.u32  }
0x46: {  	s1 =	rddreg [dreg:$0x1];
	p0 =	sne.s32 s2, $0x0  }
0x47: {  	s3 =	rddreg [dreg:$0x2];
	[bflag:$0x3] =	sbarrier.arrive $0xFFFF;
	s2 =	simm.s32 @!p0 $0x1C01  }
0x48: {  	[timem:s3], [sflag:s2] =	dma.local @!p0 [hbm:s0], s1  }
0x49: {  	s0 =	simm.s32 @!p0 $0x1  }
0x4a: {  	_ =	swait.ge @!p0 [sflag:s0], s1  }
0x4b: {  	s1 =	ssub.s32 @!p0 $0x0, s1;
	[sflag:s0] =	ssyncset.done @!p0 $0x0  }
0x4c: {  	[sflag:s0] =	ssyncadd.s32 @!p0 s1  }
0x4d: {  	[bflag:$0x3] =	sbarrier.arrive $0xFFFF  }
0x4e: {  	_ =	shalt  }

// kernel: gather_offload_async_start.4
scs
__scs_entry_jumppad:
0x0: {  	(pc) =	sbr.rel $0x88, $3  }
0x1: {  	(tag) =	ssettag $0x0;
	lr =	simm.s32 $0x1  }
0x2: {  	[smem:$0x3F98] =	sst lr;
	_ =	strace $0xD0000000  }
0x3: {  	_ = 	snop  }
0x4: {  	_ = 	snop  }
0x5: {  	_ = 	snop  }
0x6: {  	_ = 	snop  }
0x7: {  	_ = 	snop  }
__scs_overlays_trampoline_lowered:
0x8: {  	[smem:$0x3FA7] =	sst s0  }
0x9: {  	[smem:$0x3FA8] =	sst s1  }
0xa: {  	[smem:$0x3FA9] =	sst s2  }
0xb: {  	[smem:$0x3FAA] =	sst s3  }
0xc: {  	[smem:$0x3FAB] =	sst s4  }
0xd: {  	[smem:$0x3FAC] =	sst s5  }
0xe: {  	[smem:$0x3FAD] =	sst s6  }
0xf: {  	[smem:$0x3FAE] =	sst s7  }
0x10: {  	[smem:$0x3FAF] =	sst s8  }
0x11: {  	[smem:$0x3FB0] =	sst s9;
	s0 =	simm.s32 @!p0 $0x0  }
0x12: {  	s1 =	sld [smem:$0x3F96];
	s0 =	simm.s32 @p0 $0x1  }
0x13: {  	[smem:$0x3FB1] =	sst s0;
	s0 =	simm.s32 @!p1 $0x0  }
0x14: {  	s2 =	sld [smem:$0x3F95];
	s0 =	simm.s32 @p1 $0x1  }
0x15: {  	[smem:$0x3FB2] =	sst s0;
	s0 =	simm.s32 @!p2 $0x0  }
0x16: {  	s3 =	sld [smem:$0x3FDB];
	s0 =	simm.s32 @p2 $0x1  }
0x17: {  	s4 =	simm.s32 $0x1BF5;
	[smem:$0x3FB4] =	sst s0  }
0x18: {  	s0 =	sld [smem:$0x3F97];
	_ =	swait.ge [sflag:s4], $0x0  }
0x19: {  	s7 =	sld [smem:$0x3F98]  }
0x1a: {  	s8 =	sadd.s32 $0xFFFFE003, lr  }
0x1b: {  	s9 =	sadd.s32 $0xFFFFFEF7, lr;
	s5 =	simm.s32 $0xFFFFFFFF;
	p2 =	slt.u32 s8, $0xFFFFF086  }
0x1c: {  	p1 =	slt.u32 s9, $0xF7A;
	s5 =	simm.s32 @!p2 $0x0  }
0x1d: {  	s5 =	simm.s32 @p1 $0x1;
	p0 =	seq.s32 s7, s2  }
0x1e: {  	s7 =	smul.u32 @!p0 $0xF7A, s2;
	p2 =	seq.s32 @!p0 s5, $0x0  }
0x1f: {  	s9 =	smul.u32 $0xF7A, s1;
	s8 =	simm.s32 @!p0 $0x1BF5;
	p2 =	por !p2, p0  }
0x20: {  	[sflag:s8] =	ssyncset.s32 @!p0 $0xFFFFF086;
	s6 =	sadd.s32 @!p0 s3, s7;
	s7 =	simm.s32 @!p0 $0x108  }
0x21: {  	s3 =	sadd.s32 s3, s9;
	s6 =	sadd.s32 @!p0 $0x88, s6;
	s7 =	simm.s32 @p2 $0x1082  }
0x22: {  	[simem:s7], [sflag:s8] =	dma.local @!p0 [hbm:s6], $0xF7A  }
0x23: {  	s9 =	sor.u32 $0xD0000000, s2;
	s6 =	simm.s32 $0x108;
	_ =	swait.ge @!p0 [sflag:s8], $0x0  }
0x24: {  	s3 =	sadd.s32 $0x88, s3;
	s6 =	simm.s32 @!p1 $0x1082;
	[sflag:s4] =	ssyncset.s32 $0xFFFFF086  }
0x25: {  	[simem:s6], [sflag:s4] =	dma.local [hbm:s3], $0xF7A  }
0x26: {  	[smem:$0x3F98] =	sst s1;
	(tag) =	ssettag s2;
	_ =	strace s9  }
0x27: {  	s1 =	sld [smem:$0x3FA8]  }
0x28: {  	s2 =	sld [smem:$0x3FA9]  }
0x29: {  	s4 =	sld [smem:$0x3FAB]  }
0x2a: {  	p0 =	seq.s32 s5, $0x0;
	s5 =	sld [smem:$0x3FAC]  }
0x2b: {  	s6 =	sld [smem:$0x3FAD]  }
0x2c: {  	s7 =	sld [smem:$0x3FAE]  }
0x2d: {  	s3 =	simm.s32 $0x108;
	s8 =	sld [smem:$0x3FAF]  }
0x2e: {  	s3 =	simm.s32 @!p0 $0x1082;
	s9 =	sld [smem:$0x3FB0]  }
0x2f: {  	lr =	sadd.s32 s0, s3;
	s0 =	sld [smem:$0x3FA7]  }
0x30: {  	s3 =	sld [smem:$0x3FAA]  }
0x31: {  	[smem:$0x3FB3] =	sst s10  }
0x32: {  	s10 =	sld [smem:$0x3FB1];
	_ =	sdelay $0x3  }
0x33: {  	p0 =	seq.s32 s10, $0x1;
	s10 =	sld [smem:$0x3FB3];
	_ =	sdelay $0x3  }
0x34: {  	[smem:$0x3FB3] =	sst s10  }
0x35: {  	s10 =	sld [smem:$0x3FB2];
	_ =	sdelay $0x3  }
0x36: {  	p1 =	seq.s32 s10, $0x1;
	s10 =	sld [smem:$0x3FB3];
	_ =	sdelay $0x3  }
0x37: {  	[smem:$0x3FB3] =	sst s10  }
0x38: {  	s10 =	sld [smem:$0x3FB4]  }
0x39: {  	_ = 	snop;
	(pc) =	sbr.ind lr, $3  }
0x3a: {  	_ = 	snop  }
0x3b: {  	_ = 	snop  }
0x3c: {  	p2 =	seq.s32 s10, $0x1;
	s10 =	sld [smem:$0x3FB3]  }
0x3d: {  	_ =	shalt  }
0x3e: {  	_ =	shalt  }
0x3f: {  	_ =	shalt  }
0x40: {  	_ =	shalt  }
0x41: {  	_ =	shalt  }
0x42: {  	_ =	shalt  }
0x43: {  	_ =	shalt  }
0x44: {  	_ =	shalt  }
0x45: {  	_ =	shalt  }
0x46: {  	_ =	shalt  }
0x47: {  	_ =	shalt  }
0x48: {  	_ =	shalt  }
0x49: {  	_ =	shalt  }
0x4a: {  	_ =	shalt  }
0x4b: {  	_ =	shalt  }
0x4c: {  	_ =	shalt  }
0x4d: {  	_ =	shalt  }
0x4e: {  	_ =	shalt  }
0x4f: {  	_ =	shalt  }
0x50: {  	_ =	shalt  }
0x51: {  	_ =	shalt  }
0x52: {  	_ =	shalt  }
0x53: {  	_ =	shalt  }
0x54: {  	_ =	shalt  }
0x55: {  	_ =	shalt  }
0x56: {  	_ =	shalt  }
0x57: {  	_ =	shalt  }
0x58: {  	_ =	shalt  }
0x59: {  	_ =	shalt  }
0x5a: {  	_ =	shalt  }
0x5b: {  	_ =	shalt  }
0x5c: {  	_ =	shalt  }
0x5d: {  	_ =	shalt  }
0x5e: {  	_ =	shalt  }
0x5f: {  	_ =	shalt  }
0x60: {  	_ =	shalt  }
0x61: {  	_ =	shalt  }
0x62: {  	_ =	shalt  }
0x63: {  	_ =	shalt  }
0x64: {  	_ =	shalt  }
0x65: {  	_ =	shalt  }
0x66: {  	_ =	shalt  }
0x67: {  	_ =	shalt  }
0x68: {  	_ =	shalt  }
0x69: {  	_ =	shalt  }
0x6a: {  	_ =	shalt  }
0x6b: {  	_ =	shalt  }
0x6c: {  	_ =	shalt  }
0x6d: {  	_ =	shalt  }
0x6e: {  	_ =	shalt  }
0x6f: {  	_ =	shalt  }
0x70: {  	_ =	shalt  }
0x71: {  	_ =	shalt  }
0x72: {  	_ =	shalt  }
0x73: {  	_ =	shalt  }
0x74: {  	_ =	shalt  }
0x75: {  	_ =	shalt  }
0x76: {  	_ =	shalt  }
0x77: {  	_ =	shalt  }
0x78: {  	_ =	shalt  }
0x79: {  	_ =	shalt  }
0x7a: {  	_ =	shalt  }
0x7b: {  	_ =	shalt  }
0x7c: {  	_ =	shalt  }
0x7d: {  	_ =	shalt  }
0x7e: {  	_ =	shalt  }
0x7f: {  	_ =	shalt  }
0x80: {  	_ =	shalt  }
0x81: {  	_ =	shalt  }
0x82: {  	_ =	shalt  }
0x83: {  	_ =	shalt  }
0x84: {  	_ =	shalt  }
0x85: {  	_ =	shalt  }
0x86: {  	_ =	shalt  }
0x87: {  	_ =	shalt  }
.Lfunc_end0:
.L_simem_size_0:
called_computation.4_lowered:
.L_overlay_start_0:
0x88: {  	s0 =	sld [smem:$0x3FD9]  }
0x89: {  	s1 =	sld [smem:$0x3FFE];
	_ =	sdelay $0x3  }
0x8a: {  	s0 =	sadd.s32 s1, s0  }
0x8b: {  	[smem:$0x3FBF] =	sst s0  }
0x8c: {  	_ = 	snop  }
0x8d: {  	s0 =	sld [smem:$0x3FD0];
	(tm) =	ssettm $0x1  }
0x8e: {  	s16 =	sld [smem:$0x3FFB];
	_ =	sdelay $0x3  }
0x8f: {  	_ =	strace s16  }
0x90: {  	s1 =	sld [smem:$0x3FFC];
	_ =	sdelay $0x3  }
0x91: {  	_ =	strace s1  }
0x92: {  	s1 =	sld [smem:$0x3FFD];
	_ =	sdelay $0x3  }
0x93: {  	_ =	strace s1  }
0x94: {  	_ =	strace $0x8FFFFFFF  }
0x95: {  	s17 =	sld [smem:$0x3FDB];
	_ =	sdelay $0x1  }
0x96: {  	s2 =	simm.s32 $_scs_section_size  }
0x97: {  	s3 =	simm.s32 $_size__tile_overlayer_lowered;
	s4 =	simm.s32 $_tile_overlayer_lowered  }
0x98: {  	s20 =	simm.s32 $0x1BFF;
	s19 =	sshll.u32 s4, $0x1;
	s1 =	sadd.s32 s2, s17  }
0x99: {  	s5 =	simm.s32 $0x0;
	s18 =	sshll.u32 s3, $0x1;
	s3 =	sadd.s32 s19, s1  }
0x9a: {  	[timem:s5], [sflag:s20] =	dma.local [hbm:s3], s18  }
0x9b: {  	_ =	swait.ge [sflag:s20], s18  }
0x9c: {  	s2 =	ssub.s32 $0x0, s18;
	[sflag:s20] =	ssyncset.done $0x0  }
0x9d: {  	[sflag:s20] =	ssyncadd.s32 s2;
	_ =	sdelay $0x1  }
0x9e: {  	s21 =	simm.s32 $0x1B8B  }
0x9f: {  	_ =	swait.ge [sflag:s21], $0x1  }
0xa0: {  	[sflag:s21] =	ssyncset.done $0x0  }
0xa1: {  	s23 =	simm.s32 $0x1B8E;
	s22 =	sld [smem:$0x3FFE];
	[sflag:s21] =	ssyncadd.s32 $0xFFFFFFFF  }
0xa2: {  	s24 =	simm.s32 $execute0_lowered;
	[smem:$0x3FD2] =	sst s23  }
0xa3: {  	s3 =	sshll.u32 s24, $0x1;
	_ =	strace $0x80000046;
	[dreg:$0x1] =	wrdreg $0xFFFFFFFF  }
0xa4: {  	s25 =	simm.s32 $_size_execute0_lowered;
	s1 =	sadd.s32 s1, s3;
	[dreg:$0x0] =	wrdreg $0x0  }
0xa5: {  	s3 =	sshll.u32 s25, $0x1;
	[dreg:$0x2] =	wrdreg s1  }
0xa6: {  	[dreg:$0x3] =	wrdreg s3  }
0xa7: {  	[dreg:$0x4] =	wrdreg $0xC0  }
0xa8: {  	_ =	task [dreg:s5], $0x5FFFF  }
0xa9: {  	[dreg:$0x1] =	wrdreg $0xFFFFFFFF  }
0xaa: {  	[dreg:$0x0] =	wrdreg $0x60  }
0xab: {  	[dreg:$0x2] =	wrdreg s0  }
0xac: {  	[dreg:$0x3] =	wrdreg s22  }
0xad: {  	[dreg:$0x4] =	wrdreg $0xA  }
0xae: {  	_ =	task.clear_ibuf [dreg:s5], $0x5FFFF;
	_ =	strace $0x90000046  }
0xaf: {  	s26 =	simm.s32 $0xA;
	_ =	strace $0x80000048  }
0xb0: {  	_ =	swait.ge [sflag:s26], $0x1  }
0xb1: {  	[sflag:s26] =	ssyncadd.s32 $0xFFFFFFFF  }
0xb2: {  	_ =	strace $0x90000048  }
0xb3: {  	_ =	sfence  }
0xb4: {  	s28 =	sld [smem:$0x0];
	_ =	sdelay $0x1  }
0xb5: {  	s29 =	srdreg.scid  }
0xb6: {  	s30 =	sshll.u32 s29, $0xD;
	s31 =	sshrl.u32 s29, $0x2  }
0xb7: {  	s2 =	sand.u32 $0x4000, s30;
	s1 =	sand.u32 $0x1, s29;
	s0 =	sadd.s32 s31, s28  }
0xb8: {  	s1 =	sor.u32 s2, s1;
	s0 =	sshll.u32 s0, $0x11  }
0xb9: {  	s0 =	sor.u32 s0, s1  }
0xba: {  	s0 =	sadd.s32 $0x8F2B, s0  }
0xbb: {  	[sflag:s0] =	ssyncadd.remote.s32 $0x1  }
0xbc: {  	_ =	sfence.sel $0xFFFF  }
0xbd: {  	[dreg:$0x0] =	wrdreg $0xFFFFFFFF;
	(pc) =	sbr.abs _section_cstart, $3  }
0xbe: {  	[dreg:$0x1] =	wrdreg $0xFFFFFFFF  }
0xbf: {  	_ =	task.clear_ibuf [dreg:s5], $0x2FFFF;
	_ =	strace $0x9FFFFFFF  }
0xc0: {  	(tm) =	ssettm $0x7FFFFFFF  }
0xc1: {  	_ =	shalt  }
tec
execute0_lowered:
.L_overlay_start_1:
0x0: {  	(tag) =	ssettag $0x1  }
0x1: {  	s2 =	rddreg [dreg:$0x0]  }
0x2: {  	s8 =	rddreg [dreg:$0x1]  }
0x3: {  	s0 =	rddreg [dreg:$0x2]  }
0x4: {  	s1 =	stileid.u32;
	_ =	strace $0x80000047;
	s5 =	simm.s32 $0x1  }
0x5: {  	s6 =	simm.s32 $0x4B00;
	s9 =	simm.s32 $0x1;
	s10 =	simm.s32 $0x3  }
0x6: {  	s13 =	simm.s32 $0x0;
	s12 =	simm.s32 $0x0;
	s4 =	smul.u32 $0x4B0, s1  }
0x7: {  	s3 =	sadd.s32 $0x7000, s8;
	p0 =	slt.u32 s1, $0xA;
	[sflag:s5] =	ssyncpa.u1 $0x0  }
.Ltmp0:
0x8: {  	s6 =	simm.s32 @!p0 $0x0;
	s7 =	ssub.s32 $0x7530, s4;
	(pc) =	sbr.rel .LBB2_1-.Ltmp0, $4  }
0x9: {  	s9 =	simm.s32 @!p0 $0x0;
	p0 =	sne.s32 s7, s6;
	s7 =	simm.s32 $0x1  }
0xa: {  	s8 =	sadd.s32 $0x42C00, s8;
	s6 =	simm.s32 $0x2;
	s7 =	simm.s32 @!p0 $0x0  }
0xb: {  	s11 =	smov.u32 s4;
	[sflag:s6] =	ssyncpa.u1 $0x0;
	s7 =	sadd.s32 s9, s7  }
0xc: {  	vm0 =	vmmov $0xffff;
	[sflag:s10] =	ssyncpa.u1 $0x0;
	s10 =	simm.s32 $0x0;
	s9 =	sadd.s32 $0x1, s7  }
.LBB2_4:
0xd: {  	v2 =	vnsel vm1, $0x0, v2  }
0xe: {  	vm1 =	vgt.s32 v0, $0x0;
	v2 =	vmin.u32 v2, $0x752F  }
0xf: {  	v0 =	vnsel vm1, $0x0, v0  }
0x10: {  	v0 =	vmin.u32 v0, $0x752F  }
0x11: {  	[tilespmem:s18], [sflag:$0x1] =	stream.indirect_vreg.gather [hbm4b:s2+s10], $0x1, v1, vm0, $0x4038;
	[tilespmem:$0x12C0] =	vst v63  }
0x12: {  	(ifvalue) =	ssetifvalue $0x7FFFFFFF  }
0x13: {  	[tilespmem:s15], [sflag:$0x1] =	stream.indirect_vreg.gather [hbm4b:s2+s10], $0x1, v2, vm0, $0x4038;
	[tilespmem:$0x12C0] =	vst v63  }
0x14: {  	s29 =	sadd.s32 $0x10, s15;
	(ifvalue) =	ssetifvalue $0x7FFFFFFF  }
0x15: {  	[tilespmem:s29], [sflag:$0x1] =	stream.indirect_vreg.gather [hbm4b:s2+s10], $0x1, v0, vm0, $0x4038;
	[tilespmem:$0x12C0] =	vst v63  }
0x16: {  	_ =	swait.ge [sflag:s5], $0x4B0  }
0x17: {  	s30 =	sshrl.u32 s13, $0x3;
	[sflag:s5] =	ssyncset.done $0x0  }
0x18: {  	s31 =	sand.u32 $0x7, s13;
	s15 =	sadd.s32 s8, s30;
	[sflag:s5] =	ssyncadd.s32 $0xFFFFFB50  }
0x19: {  	[hbm4b:s15+s31] =	stream.linear.scatter [tilespmem:s14], [sflag:$0x3], $0x4B0, $0x38;
	[tilespmem:$0x12C0] =	vst v63  }
.LBB2_5:
0x1a: {  	s15 =	sadd.s32 $0x4B00, s11  }
0x1b: {  	p1 =	sgt.s32 s15, $0x752F  }
0x1c: {  	s15 =	smov.u32 @p1 s4;
	p1 =	sne.s32 s12, s9  }
.Ltmp1:
0x1d: {  	p0 =	slt.u32 s12, $0x2;
	(pc) =	sbr.rel @!p1 .LBB2_6-.Ltmp1, $4  }
0x1e: {  	s14 =	simm.s32 @!p0 $0x3  }
0x1f: {  	_ =	swait.ge @!p0 [sflag:s14], $0x4B0  }
0x20: {  	s16 =	sadd.s32 $0x1, s12;
	s13 =	smov.u32 s11;
	[sflag:s14] =	ssyncset.done @!p0 $0x0  }
0x21: {  	s12 =	smov.u32 s16;
	s11 =	smov.u32 s15;
	[sflag:s14] =	ssyncadd.s32 @!p0 $0xFFFFFB50  }
.LBB2_1:
0x22: {  	p0 =	sge.u32 s12, s7  }
0x23: {  	s14 =	sxor.u32 @!p0 $0x1, s12  }
0x24: {  	s14 =	smul.u32 @!p0 $0x12C0, s14  }
0x25: {  	s31 =	sadd.s32 $0xFFFFFFFF, s12;
	s15 =	sshrl.u32 @!p0 s11, $0x3  }
0x26: {  	s16 =	sand.u32 @!p0 $0x7, s11;
	s15 =	sadd.s32 @!p0 s3, s15;
	s14 =	sshra.s32 @!p0 s14, $0x2  }
0x27: {  	[tilespmem:s14], [sflag:$0x2] =	stream.linear.gather @!p0 [hbm4b:s15+s16], $0x4B0, $0x38;
	[tilespmem:$0x12C0] =	vst v63  }
0x28: {  	p0 =	sge.u32 s31, s7  }
.Ltmp2:
0x29: {  	_ = 	snop;
	(pc) =	sbr.rel @p0 .LBB2_5-.Ltmp2, $1  }
0x2a: {  	_ =	sdelay $0x3  }
0x2b: {  	s14 =	sand.u32 $0x1, s12  }
0x2c: {  	_ =	swait.ge [sflag:s6], $0x4B0;
	p0 =	seq.s32 s14, $0x1;
	s14 =	simm.s32 $0x4B0  }
0x2d: {  	[sflag:s6] =	ssyncset.done $0x0;
	s14 =	simm.s32 @!p0 $0x0  }
0x2e: {  	[sflag:s6] =	ssyncadd.s32 $0xFFFFFB50;
	(ifvalue) =	ssetifvalue $0x7FFFFFFF;
	v0 =	vld.msk [tilespmem:s14+$0x0 ss:$0x1], $0xffff;
	_ =	sdelay $0x4  }
0x2f: {  	s15 =	sadd.s32 $0x10, s14;
	vm1 =	vgt.s32 v0, $0x0  }
0x30: {  	v2 =	vld.msk [tilespmem:s15+$0x0 ss:$0x1], $0xffff;
	v1 =	vnsel vm1, $0x0, v0  }
0x31: {  	v1 =	vmin.u32 v1, $0x752F;
	_ =	sdelay $0x2  }
0x32: {  	s17 =	simm.s32 $0x20;
	s14 =	sadd.s32 $0x960, s14;
	s16 =	sadd.s32 $0x10, s15  }
0x33: {  	s15 =	sadd.s32 $0x10, s14;
	s18 =	smov.u32 s14;
	v0 =	vld.msk [tilespmem:s16+$0x0 ss:$0x1], $0xffff;
	vm1 =	vgt.s32 v2, $0x0;
	(ifvalue) =	ssetifvalue $0x7FFFFFFF  }
.LBB2_3:
0x34: {  	[tilespmem:s18], [sflag:$0x1] =	stream.indirect_vreg.gather [hbm4b:s2+s10], $0x1, v1, vm0, $0x4038;
	[tilespmem:$0x12C0] =	vst v63  }
0x35: {  	s17 =	sadd.s32 $0x10, s17  }
0x36: {  	v2 =	vnsel vm1, $0x0, v2;
	p0 =	slt.u32 s17, $0x4A0  }
.Ltmp3:
0x37: {  	s18 =	smov.u32 s15;
	v1 =	vmin.u32 v2, $0x752F;
	(pc) =	sbr.rel @p0 .LBB2_3-.Ltmp3, $3  }
0x38: {  	_ =	sdelay $0x1  }
0x39: {  	s16 =	sadd.s32 $0x10, s16  }
0x3a: {  	vm1 =	vgt.s32 v0, $0x0;
	s15 =	sadd.s32 $0x10, s15;
	v2 =	vmov v0;
	(ifvalue) =	ssetifvalue $0x7FFFFFFF;
	v0 =	vld.msk [tilespmem:s16+$0x0 ss:$0x1], $0xffff  }
.Ltmp4:
0x3b: {  	_ = 	snop;
	(pc) =	sbr.rel .LBB2_4-.Ltmp4, $1  }
0x3c: {  	_ =	sdelay $0x3  }
.LBB2_6:
0x3d: {  	_ =	sfence.sel $0x180000  }
0x3e: {  	s2 =	simm.s32 $0x2;
	[bflag:$0x0] =	sbarrier.arrive $0xFFFF  }
0x3f: {  	s30 =	simm.s32 $0x3;
	[sflag:s2] =	ssyncpa.u1 $0x1  }
0x40: {  	s31 =	simm.s32 $0x1;
	[sflag:s30] =	ssyncpa.u1 $0x1  }
0x41: {  	[sflag:s31] =	ssyncpa.u1 $0x1  }
0x42: {  	p0 =	sne.s32 s1, $0x0;
	_ =	strace $0x90000047  }
0x43: {  	s0 =	sadd.s32 @!p0 $0x100000, s0;
	[bflag:$0x2] =	sbarrier.arrive $0xFFFF  }
0x44: {  	[sflag:s0] =	ssyncadd.tile.s32 @!p0 $0x1;
	_ =	shalt  }
.Lfunc_end2:
_tile_overlayer_lowered:
.L_overlay_start_2:
0x45: {  	(tag) =	ssettag $0x2  }
0x46: {  	s0 =	rddreg [dreg:$0x0];
	s2 =	stileid.u32  }
0x47: {  	s1 =	rddreg [dreg:$0x1];
	p0 =	sne.s32 s2, $0x0  }
0x48: {  	s3 =	rddreg [dreg:$0x2];
	[bflag:$0x3] =	sbarrier.arrive $0xFFFF;
	s2 =	simm.s32 @!p0 $0x1C01  }
0x49: {  	[timem:s3], [sflag:s2] =	dma.local @!p0 [hbm:s0], s1  }
0x4a: {  	s0 =	simm.s32 @!p0 $0x1  }
0x4b: {  	_ =	swait.ge @!p0 [sflag:s0], s1  }
0x4c: {  	s1 =	ssub.s32 @!p0 $0x0, s1;
	[sflag:s0] =	ssyncset.done @!p0 $0x0  }
0x4d: {  	[sflag:s0] =	ssyncadd.s32 @!p0 s1  }
0x4e: {  	[bflag:$0x3] =	sbarrier.arrive $0xFFFF  }
0x4f: {  	_ =	shalt  }

// kernel: gather_offload_async_start
scs
__scs_entry_jumppad:
0x0: {  	(pc) =	sbr.rel $0x88, $3  }
0x1: {  	(tag) =	ssettag $0x0;
	lr =	simm.s32 $0x1  }
0x2: {  	[smem:$0x3F98] =	sst lr;
	_ =	strace $0xD0000000  }
0x3: {  	_ = 	snop  }
0x4: {  	_ = 	snop  }
0x5: {  	_ = 	snop  }
0x6: {  	_ = 	snop  }
0x7: {  	_ = 	snop  }
__scs_overlays_trampoline_lowered:
0x8: {  	[smem:$0x3FA7] =	sst s0  }
0x9: {  	[smem:$0x3FA8] =	sst s1  }
0xa: {  	[smem:$0x3FA9] =	sst s2  }
0xb: {  	[smem:$0x3FAA] =	sst s3  }
0xc: {  	[smem:$0x3FAB] =	sst s4  }
0xd: {  	[smem:$0x3FAC] =	sst s5  }
0xe: {  	[smem:$0x3FAD] =	sst s6  }
0xf: {  	[smem:$0x3FAE] =	sst s7  }
0x10: {  	[smem:$0x3FAF] =	sst s8  }
0x11: {  	[smem:$0x3FB0] =	sst s9;
	s0 =	simm.s32 @!p0 $0x0  }
0x12: {  	s1 =	sld [smem:$0x3F96];
	s0 =	simm.s32 @p0 $0x1  }
0x13: {  	[smem:$0x3FB1] =	sst s0;
	s0 =	simm.s32 @!p1 $0x0  }
0x14: {  	s2 =	sld [smem:$0x3F95];
	s0 =	simm.s32 @p1 $0x1  }
0x15: {  	[smem:$0x3FB2] =	sst s0;
	s0 =	simm.s32 @!p2 $0x0  }
0x16: {  	s3 =	sld [smem:$0x3FDB];
	s0 =	simm.s32 @p2 $0x1  }
0x17: {  	s4 =	simm.s32 $0x1BF5;
	[smem:$0x3FB4] =	sst s0  }
0x18: {  	s0 =	sld [smem:$0x3F97];
	_ =	swait.ge [sflag:s4], $0x0  }
0x19: {  	s7 =	sld [smem:$0x3F98]  }
0x1a: {  	s8 =	sadd.s32 $0xFFFFE003, lr  }
0x1b: {  	s9 =	sadd.s32 $0xFFFFFEF7, lr;
	s5 =	simm.s32 $0xFFFFFFFF;
	p2 =	slt.u32 s8, $0xFFFFF086  }
0x1c: {  	p1 =	slt.u32 s9, $0xF7A;
	s5 =	simm.s32 @!p2 $0x0  }
0x1d: {  	s5 =	simm.s32 @p1 $0x1;
	p0 =	seq.s32 s7, s2  }
0x1e: {  	s7 =	smul.u32 @!p0 $0xF7A, s2;
	p2 =	seq.s32 @!p0 s5, $0x0  }
0x1f: {  	s9 =	smul.u32 $0xF7A, s1;
	s8 =	simm.s32 @!p0 $0x1BF5;
	p2 =	por !p2, p0  }
0x20: {  	[sflag:s8] =	ssyncset.s32 @!p0 $0xFFFFF086;
	s6 =	sadd.s32 @!p0 s3, s7;
	s7 =	simm.s32 @!p0 $0x108  }
0x21: {  	s3 =	sadd.s32 s3, s9;
	s6 =	sadd.s32 @!p0 $0x88, s6;
	s7 =	simm.s32 @p2 $0x1082  }
0x22: {  	[simem:s7], [sflag:s8] =	dma.local @!p0 [hbm:s6], $0xF7A  }
0x23: {  	s9 =	sor.u32 $0xD0000000, s2;
	s6 =	simm.s32 $0x108;
	_ =	swait.ge @!p0 [sflag:s8], $0x0  }
0x24: {  	s3 =	sadd.s32 $0x88, s3;
	s6 =	simm.s32 @!p1 $0x1082;
	[sflag:s4] =	ssyncset.s32 $0xFFFFF086  }
0x25: {  	[simem:s6], [sflag:s4] =	dma.local [hbm:s3], $0xF7A  }
0x26: {  	[smem:$0x3F98] =	sst s1;
	(tag) =	ssettag s2;
	_ =	strace s9  }
0x27: {  	s1 =	sld [smem:$0x3FA8]  }
0x28: {  	s2 =	sld [smem:$0x3FA9]  }
0x29: {  	s4 =	sld [smem:$0x3FAB]  }
0x2a: {  	p0 =	seq.s32 s5, $0x0;
	s5 =	sld [smem:$0x3FAC]  }
0x2b: {  	s6 =	sld [smem:$0x3FAD]  }
0x2c: {  	s7 =	sld [smem:$0x3FAE]  }
0x2d: {  	s3 =	simm.s32 $0x108;
	s8 =	sld [smem:$0x3FAF]  }
0x2e: {  	s3 =	simm.s32 @!p0 $0x1082;
	s9 =	sld [smem:$0x3FB0]  }
0x2f: {  	lr =	sadd.s32 s0, s3;
	s0 =	sld [smem:$0x3FA7]  }
0x30: {  	s3 =	sld [smem:$0x3FAA]  }
0x31: {  	[smem:$0x3FB3] =	sst s10  }
0x32: {  	s10 =	sld [smem:$0x3FB1];
	_ =	sdelay $0x3  }
0x33: {  	p0 =	seq.s32 s10, $0x1;
	s10 =	sld [smem:$0x3FB3];
	_ =	sdelay $0x3  }
0x34: {  	[smem:$0x3FB3] =	sst s10  }
0x35: {  	s10 =	sld [smem:$0x3FB2];
	_ =	sdelay $0x3  }
0x36: {  	p1 =	seq.s32 s10, $0x1;
	s10 =	sld [smem:$0x3FB3];
	_ =	sdelay $0x3  }
0x37: {  	[smem:$0x3FB3] =	sst s10  }
0x38: {  	s10 =	sld [smem:$0x3FB4]  }
0x39: {  	_ = 	snop;
	(pc) =	sbr.ind lr, $3  }
0x3a: {  	_ = 	snop  }
0x3b: {  	_ = 	snop  }
0x3c: {  	p2 =	seq.s32 s10, $0x1;
	s10 =	sld [smem:$0x3FB3]  }
0x3d: {  	_ =	shalt  }
0x3e: {  	_ =	shalt  }
0x3f: {  	_ =	shalt  }
0x40: {  	_ =	shalt  }
0x41: {  	_ =	shalt  }
0x42: {  	_ =	shalt  }
0x43: {  	_ =	shalt  }
0x44: {  	_ =	shalt  }
0x45: {  	_ =	shalt  }
0x46: {  	_ =	shalt  }
0x47: {  	_ =	shalt  }
0x48: {  	_ =	shalt  }
0x49: {  	_ =	shalt  }
0x4a: {  	_ =	shalt  }
0x4b: {  	_ =	shalt  }
0x4c: {  	_ =	shalt  }
0x4d: {  	_ =	shalt  }
0x4e: {  	_ =	shalt  }
0x4f: {  	_ =	shalt  }
0x50: {  	_ =	shalt  }
0x51: {  	_ =	shalt  }
0x52: {  	_ =	shalt  }
0x53: {  	_ =	shalt  }
0x54: {  	_ =	shalt  }
0x55: {  	_ =	shalt  }
0x56: {  	_ =	shalt  }
0x57: {  	_ =	shalt  }
0x58: {  	_ =	shalt  }
0x59: {  	_ =	shalt  }
0x5a: {  	_ =	shalt  }
0x5b: {  	_ =	shalt  }
0x5c: {  	_ =	shalt  }
0x5d: {  	_ =	shalt  }
0x5e: {  	_ =	shalt  }
0x5f: {  	_ =	shalt  }
0x60: {  	_ =	shalt  }
0x61: {  	_ =	shalt  }
0x62: {  	_ =	shalt  }
0x63: {  	_ =	shalt  }
0x64: {  	_ =	shalt  }
0x65: {  	_ =	shalt  }
0x66: {  	_ =	shalt  }
0x67: {  	_ =	shalt  }
0x68: {  	_ =	shalt  }
0x69: {  	_ =	shalt  }
0x6a: {  	_ =	shalt  }
0x6b: {  	_ =	shalt  }
0x6c: {  	_ =	shalt  }
0x6d: {  	_ =	shalt  }
0x6e: {  	_ =	shalt  }
0x6f: {  	_ =	shalt  }
0x70: {  	_ =	shalt  }
0x71: {  	_ =	shalt  }
0x72: {  	_ =	shalt  }
0x73: {  	_ =	shalt  }
0x74: {  	_ =	shalt  }
0x75: {  	_ =	shalt  }
0x76: {  	_ =	shalt  }
0x77: {  	_ =	shalt  }
0x78: {  	_ =	shalt  }
0x79: {  	_ =	shalt  }
0x7a: {  	_ =	shalt  }
0x7b: {  	_ =	shalt  }
0x7c: {  	_ =	shalt  }
0x7d: {  	_ =	shalt  }
0x7e: {  	_ =	shalt  }
0x7f: {  	_ =	shalt  }
0x80: {  	_ =	shalt  }
0x81: {  	_ =	shalt  }
0x82: {  	_ =	shalt  }
0x83: {  	_ =	shalt  }
0x84: {  	_ =	shalt  }
0x85: {  	_ =	shalt  }
0x86: {  	_ =	shalt  }
0x87: {  	_ =	shalt  }
.Lfunc_end0:
.L_simem_size_0:
called_computation_lowered:
.L_overlay_start_0:
0x88: {  	s2 =	sld [smem:$0x3FD9]  }
0x89: {  	s3 =	sld [smem:$0x3FFE];
	_ =	sdelay $0x1  }
0x8a: {  	s1 =	srdreg.scid  }
0x8b: {  	s0 =	sand.u32 $0x1, s1  }
0x8c: {  	s16 =	sshll.u32 s0, $0xA;
	s2 =	sadd.s32 s3, s2  }
0x8d: {  	s2 =	sadd.s32 s2, s16  }
0x8e: {  	[smem:$0x3FBF] =	sst s2  }
0x8f: {  	_ = 	snop  }
0x90: {  	(tm) =	ssettm $0x1  }
0x91: {  	s17 =	sld [smem:$0x3FFB];
	_ =	sdelay $0x3  }
0x92: {  	_ =	strace s17  }
0x93: {  	s2 =	sld [smem:$0x3FFC];
	_ =	sdelay $0x3  }
0x94: {  	_ =	strace s2  }
0x95: {  	s2 =	sld [smem:$0x3FFD];
	_ =	sdelay $0x3  }
0x96: {  	_ =	strace s2  }
0x97: {  	_ =	strace $0x8FFFFFFF  }
0x98: {  	s18 =	sld [smem:$0x3FDB];
	_ =	sdelay $0x1  }
0x99: {  	s19 =	simm.s32 $_scs_section_size  }
0x9a: {  	s4 =	simm.s32 $_size__tile_overlayer_lowered;
	s5 =	simm.s32 $_tile_overlayer_lowered  }
0x9b: {  	s22 =	simm.s32 $0x1BFF;
	s21 =	sshll.u32 s5, $0x1;
	s2 =	sadd.s32 s19, s18  }
0x9c: {  	s6 =	simm.s32 $0x0;
	s20 =	sshll.u32 s4, $0x1;
	s4 =	sadd.s32 s21, s2  }
0x9d: {  	[timem:s6], [sflag:s22] =	dma.local [hbm:s4], s20  }
0x9e: {  	_ =	swait.ge [sflag:s22], s20  }
0x9f: {  	s3 =	ssub.s32 $0x0, s20;
	[sflag:s22] =	ssyncset.done $0x0  }
0xa0: {  	[sflag:s22] =	ssyncadd.s32 s3;
	_ =	sdelay $0x1  }
0xa1: {  	s23 =	simm.s32 $0x1B8B  }
0xa2: {  	_ =	swait.ge [sflag:s23], $0x1  }
0xa3: {  	[sflag:s23] =	ssyncset.done $0x0  }
0xa4: {  	s25 =	simm.s32 $0x1B8E;
	s24 =	sld [smem:$0x3FFE];
	[sflag:s23] =	ssyncadd.s32 $0xFFFFFFFF  }
0xa5: {  	s26 =	simm.s32 $execute0_lowered;
	[smem:$0x3FD2] =	sst s25  }
0xa6: {  	s4 =	sshll.u32 s26, $0x1;
	_ =	strace $0x80000052;
	[dreg:$0x1] =	wrdreg $0xFFFFFFFF  }
0xa7: {  	s28 =	simm.s32 $_size_execute0_lowered;
	s2 =	sadd.s32 s2, s4;
	[dreg:$0x0] =	wrdreg $0x0  }
0xa8: {  	s4 =	sshll.u32 s28, $0x1;
	[dreg:$0x2] =	wrdreg s2  }
0xa9: {  	[dreg:$0x3] =	wrdreg s4  }
0xaa: {  	[dreg:$0x4] =	wrdreg $0xC0  }
0xab: {  	_ =	task [dreg:s6], $0x5FFFF  }
0xac: {  	[dreg:$0x1] =	wrdreg $0xFFFFFFFF  }
0xad: {  	[dreg:$0x0] =	wrdreg $0x60  }
0xae: {  	[dreg:$0x2] =	wrdreg s24  }
0xaf: {  	[dreg:$0x3] =	wrdreg $0x9  }
0xb0: {  	_ =	task.clear_ibuf [dreg:s6], $0x4FFFF;
	_ =	strace $0x90000052  }
0xb1: {  	s29 =	simm.s32 $0x9;
	_ =	strace $0x80000054  }
0xb2: {  	_ =	swait.ge [sflag:s29], $0x1  }
0xb3: {  	[sflag:s29] =	ssyncadd.s32 $0xFFFFFFFF  }
0xb4: {  	_ =	strace $0x90000054  }
0xb5: {  	_ =	sfence  }
0xb6: {  	s30 =	sld [smem:$0x0];
	_ =	sdelay $0x2  }
0xb7: {  	s31 =	sshll.u32 s1, $0xD;
	s1 =	sshrl.u32 s1, $0x2  }
0xb8: {  	s3 =	sand.u32 $0x4000, s31;
	s1 =	sadd.s32 s1, s30  }
0xb9: {  	s0 =	sor.u32 s3, s0;
	s1 =	sshll.u32 s1, $0x11  }
0xba: {  	s0 =	sor.u32 s1, s0  }
0xbb: {  	s0 =	sadd.s32 $0x8F2B, s0  }
0xbc: {  	[sflag:s0] =	ssyncadd.remote.s32 $0x1  }
0xbd: {  	_ =	sfence.sel $0xFFFF  }
0xbe: {  	[dreg:$0x0] =	wrdreg $0xFFFFFFFF;
	(pc) =	sbr.abs _section_cstart, $3  }
0xbf: {  	[dreg:$0x1] =	wrdreg $0xFFFFFFFF  }
0xc0: {  	_ =	task.clear_ibuf [dreg:s6], $0x2FFFF;
	_ =	strace $0x9FFFFFFF  }
0xc1: {  	(tm) =	ssettm $0x7FFFFFFF  }
tec
execute0_lowered:
.L_overlay_start_1:
0x0: {  	(tag) =	ssettag $0x1  }
0x1: {  	s0 =	srdreg.scid;
	s5 =	rddreg [dreg:$0x0]  }
0x2: {  	s1 =	stileid.u32;
	s6 =	simm.s32 $0x1;
	s9 =	simm.s32 $0x1  }
0x3: {  	s10 =	simm.s32 $0x3;
	s13 =	simm.s32 $0x0;
	s2 =	sshll.u32 s0, $0xA  }
0x4: {  	s12 =	simm.s32 $0x0;
	s3 =	sshll.u32 s1, $0xB;
	s2 =	sand.u32 $0x400, s2  }
0x5: {  	s0 =	rddreg [dreg:$0x1];
	_ =	strace $0x80000053;
	s2 =	sor.u32 s3, s2  }
0x6: {  	s4 =	sadd.s32 $0x80600, s5;
	[sflag:s6] =	ssyncpa.u1 $0x0;
	s8 =	ssub.s32 $0xA000, s2  }
.Ltmp0:
0x7: {  	s3 =	sadd.s32 $0x5000, s5;
	s7 =	sand.u32 $0x7C00, s8;
	(pc) =	sbr.rel .LBB2_1-.Ltmp0, $4  }
0x8: {  	s5 =	sadd.s32 $0x81A00, s5;
	s11 =	smov.u32 s2;
	p0 =	sne.s32 s7, $0x0  }
0x9: {  	s8 =	sshrl.u32 s8, $0xF;
	s7 =	simm.s32 $0x2;
	s9 =	simm.s32 @!p0 $0x0  }
0xa: {  	[sflag:s7] =	ssyncpa.u1 $0x0;
	p0 =	por $0x0, $0x0;
	s8 =	sadd.s32 s9, s8  }
0xb: {  	vm0 =	vmmov $0xffff;
	[sflag:s10] =	ssyncpa.u1 $0x0;
	s10 =	simm.s32 $0x0;
	s9 =	sadd.s32 $0x1, s8  }
.LBB2_4:
0xc: {  	v2 =	vnsel vm1, $0x0, v2  }
0xd: {  	vm1 =	vgt.s32 v0, $0x0;
	v2 =	vmin.u32 v2, $0x752F  }
0xe: {  	v0 =	vnsel vm1, $0x0, v0  }
0xf: {  	v0 =	vmin.u32 v0, $0x752F  }
0x10: {  	[tilespmem:s15], [sflag:$0x1] =	stream.indirect_vreg.gather [hbm4b:s3+s10], $0x1, v1, vm0, $0x4038;
	[tilespmem:$0x1000] =	vst v63  }
0x11: {  	(ifvalue) =	ssetifvalue $0x7FFFFFFF  }
0x12: {  	[tilespmem:s16], [sflag:$0x1] =	stream.indirect_vreg.gather [hbm4b:s3+s10], $0x1, v2, vm0, $0x4038;
	[tilespmem:$0x1000] =	vst v63  }
0x13: {  	s29 =	sadd.s32 $0x10, s16;
	(ifvalue) =	ssetifvalue $0x7FFFFFFF  }
0x14: {  	[tilespmem:s29], [sflag:$0x1] =	stream.indirect_vreg.gather [hbm4b:s3+s10], $0x1, v0, vm0, $0x4038;
	[tilespmem:$0x1000] =	vst v63  }
0x15: {  	_ =	swait.ge [sflag:s6], $0x400  }
0x16: {  	s30 =	sshrl.u32 s13, $0x3;
	[sflag:s6] =	ssyncset.done $0x0  }
0x17: {  	s31 =	sand.u32 $0x7, s13;
	s15 =	sadd.s32 s5, s30;
	[sflag:s6] =	ssyncadd.s32 $0xFFFFFC00  }
0x18: {  	[hbm4b:s15+s31] =	stream.linear.scatter [tilespmem:s14], [sflag:$0x3], $0x400, $0x38;
	[tilespmem:$0x1000] =	vst v63  }
.LBB2_5:
0x19: {  	s15 =	sadd.s32 $0x8000, s11  }
0x1a: {  	p2 =	sgt.s32 s15, $0x9FFF  }
0x1b: {  	s15 =	smov.u32 @p2 s2;
	p2 =	sne.s32 s12, s9  }
.Ltmp1:
0x1c: {  	p1 =	slt.u32 s12, $0x2;
	(pc) =	sbr.rel @!p2 .LBB2_6-.Ltmp1, $4  }
0x1d: {  	s14 =	simm.s32 @!p1 $0x3  }
0x1e: {  	s16 =	sadd.s32 $0x1, s12;
	_ =	swait.ge @!p1 [sflag:s14], $0x400  }
0x1f: {  	s13 =	smov.u32 s11;
	p0 =	por !p0, !p0;
	[sflag:s14] =	ssyncset.done @!p1 $0x0  }
0x20: {  	s12 =	smov.u32 s16;
	s11 =	smov.u32 s15;
	[sflag:s14] =	ssyncadd.s32 @!p1 $0xFFFFFC00  }
.LBB2_1:
0x21: {  	p1 =	sge.u32 s12, s8  }
0x22: {  	s14 =	sxor.u32 @!p1 $0xFFFFFFFF, s12  }
0x23: {  	s31 =	sadd.s32 $0xFFFFFFFF, s12;
	s15 =	sshrl.u32 @!p1 s11, $0x3;
	s14 =	sshll.u32 @!p1 s14, $0xA  }
0x24: {  	s16 =	sand.u32 @!p1 $0x7, s11;
	s15 =	sadd.s32 @!p1 s4, s15;
	s14 =	sand.u32 @!p1 $0x400, s14  }
0x25: {  	[tilespmem:s14], [sflag:$0x2] =	stream.linear.gather @!p1 [hbm4b:s15+s16], $0x400, $0x38;
	[tilespmem:$0x1000] =	vst v63  }
0x26: {  	p1 =	sge.u32 s31, s8  }
.Ltmp2:
0x27: {  	_ = 	snop;
	(pc) =	sbr.rel @p1 .LBB2_5-.Ltmp2, $1  }
0x28: {  	_ =	sdelay $0x3  }
0x29: {  	s14 =	simm.s32 $0x1  }
0x2a: {  	_ =	swait.ge [sflag:s7], $0x400;
	s14 =	simm.s32 @!p0 $0x0  }
0x2b: {  	[sflag:s7] =	ssyncset.done $0x0;
	s14 =	sshll.u32 s14, $0xA  }
0x2c: {  	[sflag:s7] =	ssyncadd.s32 $0xFFFFFC00;
	(ifvalue) =	ssetifvalue $0x7FFFFFFF;
	v0 =	vld.msk [tilespmem:s14+$0x0 ss:$0x1], $0xffff;
	_ =	sdelay $0x4  }
0x2d: {  	s15 =	sadd.s32 $0x10, s14;
	vm1 =	vgt.s32 v0, $0x0  }
0x2e: {  	v2 =	vld.msk [tilespmem:s15+$0x0 ss:$0x1], $0xffff;
	v1 =	vnsel vm1, $0x0, v0  }
0x2f: {  	v1 =	vmin.u32 v1, $0x752F;
	_ =	sdelay $0x1  }
0x30: {  	s16 =	sshll.u32 s12, $0xA;
	s18 =	simm.s32 $0x20  }
0x31: {  	s16 =	sand.u32 $0x400, s16;
	s17 =	sadd.s32 $0x10, s15;
	s15 =	sor.u32 $0x800, s14  }
0x32: {  	s14 =	sor.u32 $0x800, s16;
	s16 =	sadd.s32 $0x10, s15;
	v0 =	vld.msk [tilespmem:s17+$0x0 ss:$0x1], $0xffff;
	vm1 =	vgt.s32 v2, $0x0;
	(ifvalue) =	ssetifvalue $0x7FFFFFFF  }
.LBB2_3:
0x33: {  	[tilespmem:s15], [sflag:$0x1] =	stream.indirect_vreg.gather [hbm4b:s3+s10], $0x1, v1, vm0, $0x4038;
	[tilespmem:$0x1000] =	vst v63  }
0x34: {  	s18 =	sadd.s32 $0x10, s18  }
0x35: {  	v2 =	vnsel vm1, $0x0, v2;
	p1 =	slt.u32 s18, $0x3F0  }
.Ltmp3:
0x36: {  	s15 =	smov.u32 s16;
	v1 =	vmin.u32 v2, $0x752F;
	(pc) =	sbr.rel @p1 .LBB2_3-.Ltmp3, $3  }
0x37: {  	_ =	sdelay $0x1  }
0x38: {  	s17 =	sadd.s32 $0x10, s17  }
0x39: {  	vm1 =	vgt.s32 v0, $0x0;
	s16 =	sadd.s32 $0x10, s16;
	v2 =	vmov v0;
	(ifvalue) =	ssetifvalue $0x7FFFFFFF;
	v0 =	vld.msk [tilespmem:s17+$0x0 ss:$0x1], $0xffff  }
.Ltmp4:
0x3a: {  	_ = 	snop;
	(pc) =	sbr.rel .LBB2_4-.Ltmp4, $1  }
0x3b: {  	_ =	sdelay $0x3  }
.LBB2_6:
0x3c: {  	_ =	sfence.sel $0x180000  }
0x3d: {  	s2 =	simm.s32 $0x2;
	[bflag:$0x0] =	sbarrier.arrive $0xFFFF  }
0x3e: {  	s30 =	simm.s32 $0x3;
	[sflag:s2] =	ssyncpa.u1 $0x1  }
0x3f: {  	s31 =	simm.s32 $0x1;
	[sflag:s30] =	ssyncpa.u1 $0x1  }
0x40: {  	[sflag:s31] =	ssyncpa.u1 $0x1  }
0x41: {  	p0 =	sne.s32 s1, $0x0;
	_ =	strace $0x90000053  }
0x42: {  	s0 =	sadd.s32 @!p0 $0x100000, s0;
	[bflag:$0x2] =	sbarrier.arrive $0xFFFF  }
0x43: {  	[sflag:s0] =	ssyncadd.tile.s32 @!p0 $0x1;
	_ =	shalt  }
.Lfunc_end2:
_tile_overlayer_lowered:
.L_overlay_start_2:
0x44: {  	(tag) =	ssettag $0x2  }
0x45: {  	s0 =	rddreg [dreg:$0x0];
	s2 =	stileid.u32  }
0x46: {  	s1 =	rddreg [dreg:$0x1];
	p0 =	sne.s32 s2, $0x0  }
0x47: {  	s3 =	rddreg [dreg:$0x2];
	[bflag:$0x3] =	sbarrier.arrive $0xFFFF;
	s2 =	simm.s32 @!p0 $0x1C01  }
0x48: {  	[timem:s3], [sflag:s2] =	dma.local @!p0 [hbm:s0], s1  }
0x49: {  	s0 =	simm.s32 @!p0 $0x1  }
0x4a: {  	_ =	swait.ge @!p0 [sflag:s0], s1  }
0x4b: {  	s1 =	ssub.s32 @!p0 $0x0, s1;
	[sflag:s0] =	ssyncset.done @!p0 $0x0  }
0x4c: {  	[sflag:s0] =	ssyncadd.s32 @!p0 s1  }
0x4d: {  	[bflag:$0x3] =	sbarrier.arrive $0xFFFF  }
0x4e: {  	_ =	shalt  }

// kernel: kernel.5.cloned.1.call-start
scs
__scs_entry_jumppad:
0x0: {  	(pc) =	sbr.rel $0x88, $3  }
0x1: {  	(tag) =	ssettag $0x0;
	lr =	simm.s32 $0x1  }
0x2: {  	[smem:$0x3F98] =	sst lr;
	_ =	strace $0xD0000000  }
0x3: {  	_ = 	snop  }
0x4: {  	_ = 	snop  }
0x5: {  	_ = 	snop  }
0x6: {  	_ = 	snop  }
0x7: {  	_ = 	snop  }
__scs_overlays_trampoline_lowered:
0x8: {  	[smem:$0x3FA7] =	sst s0  }
0x9: {  	[smem:$0x3FA8] =	sst s1  }
0xa: {  	[smem:$0x3FA9] =	sst s2  }
0xb: {  	[smem:$0x3FAA] =	sst s3  }
0xc: {  	[smem:$0x3FAB] =	sst s4  }
0xd: {  	[smem:$0x3FAC] =	sst s5  }
0xe: {  	[smem:$0x3FAD] =	sst s6  }
0xf: {  	[smem:$0x3FAE] =	sst s7  }
0x10: {  	[smem:$0x3FAF] =	sst s8  }
0x11: {  	[smem:$0x3FB0] =	sst s9;
	s0 =	simm.s32 @!p0 $0x0  }
0x12: {  	s1 =	sld [smem:$0x3F96];
	s0 =	simm.s32 @p0 $0x1  }
0x13: {  	[smem:$0x3FB1] =	sst s0;
	s0 =	simm.s32 @!p1 $0x0  }
0x14: {  	s2 =	sld [smem:$0x3F95];
	s0 =	simm.s32 @p1 $0x1  }
0x15: {  	[smem:$0x3FB2] =	sst s0;
	s0 =	simm.s32 @!p2 $0x0  }
0x16: {  	s3 =	sld [smem:$0x3FDB];
	s0 =	simm.s32 @p2 $0x1  }
0x17: {  	s4 =	simm.s32 $0x1BF5;
	[smem:$0x3FB4] =	sst s0  }
0x18: {  	s0 =	sld [smem:$0x3F97];
	_ =	swait.ge [sflag:s4], $0x0  }
0x19: {  	s7 =	sld [smem:$0x3F98]  }
0x1a: {  	s8 =	sadd.s32 $0xFFFFE003, lr  }
0x1b: {  	s9 =	sadd.s32 $0xFFFFFEF7, lr;
	s5 =	simm.s32 $0xFFFFFFFF;
	p2 =	slt.u32 s8, $0xFFFFF086  }
0x1c: {  	p1 =	slt.u32 s9, $0xF7A;
	s5 =	simm.s32 @!p2 $0x0  }
0x1d: {  	s5 =	simm.s32 @p1 $0x1;
	p0 =	seq.s32 s7, s2  }
0x1e: {  	s7 =	smul.u32 @!p0 $0xF7A, s2;
	p2 =	seq.s32 @!p0 s5, $0x0  }
0x1f: {  	s9 =	smul.u32 $0xF7A, s1;
	s8 =	simm.s32 @!p0 $0x1BF5;
	p2 =	por !p2, p0  }
0x20: {  	[sflag:s8] =	ssyncset.s32 @!p0 $0xFFFFF086;
	s6 =	sadd.s32 @!p0 s3, s7;
	s7 =	simm.s32 @!p0 $0x108  }
0x21: {  	s3 =	sadd.s32 s3, s9;
	s6 =	sadd.s32 @!p0 $0x88, s6;
	s7 =	simm.s32 @p2 $0x1082  }
0x22: {  	[simem:s7], [sflag:s8] =	dma.local @!p0 [hbm:s6], $0xF7A  }
0x23: {  	s9 =	sor.u32 $0xD0000000, s2;
	s6 =	simm.s32 $0x108;
	_ =	swait.ge @!p0 [sflag:s8], $0x0  }
0x24: {  	s3 =	sadd.s32 $0x88, s3;
	s6 =	simm.s32 @!p1 $0x1082;
	[sflag:s4] =	ssyncset.s32 $0xFFFFF086  }
0x25: {  	[simem:s6], [sflag:s4] =	dma.local [hbm:s3], $0xF7A  }
0x26: {  	[smem:$0x3F98] =	sst s1;
	(tag) =	ssettag s2;
	_ =	strace s9  }
0x27: {  	s1 =	sld [smem:$0x3FA8]  }
0x28: {  	s2 =	sld [smem:$0x3FA9]  }
0x29: {  	s4 =	sld [smem:$0x3FAB]  }
0x2a: {  	p0 =	seq.s32 s5, $0x0;
	s5 =	sld [smem:$0x3FAC]  }
0x2b: {  	s6 =	sld [smem:$0x3FAD]  }
0x2c: {  	s7 =	sld [smem:$0x3FAE]  }
0x2d: {  	s3 =	simm.s32 $0x108;
	s8 =	sld [smem:$0x3FAF]  }
0x2e: {  	s3 =	simm.s32 @!p0 $0x1082;
	s9 =	sld [smem:$0x3FB0]  }
0x2f: {  	lr =	sadd.s32 s0, s3;
	s0 =	sld [smem:$0x3FA7]  }
0x30: {  	s3 =	sld [smem:$0x3FAA]  }
0x31: {  	[smem:$0x3FB3] =	sst s10  }
0x32: {  	s10 =	sld [smem:$0x3FB1];
	_ =	sdelay $0x3  }
0x33: {  	p0 =	seq.s32 s10, $0x1;
	s10 =	sld [smem:$0x3FB3];
	_ =	sdelay $0x3  }
0x34: {  	[smem:$0x3FB3] =	sst s10  }
0x35: {  	s10 =	sld [smem:$0x3FB2];
	_ =	sdelay $0x3  }
0x36: {  	p1 =	seq.s32 s10, $0x1;
	s10 =	sld [smem:$0x3FB3];
	_ =	sdelay $0x3  }
0x37: {  	[smem:$0x3FB3] =	sst s10  }
0x38: {  	s10 =	sld [smem:$0x3FB4]  }
0x39: {  	_ = 	snop;
	(pc) =	sbr.ind lr, $3  }
0x3a: {  	_ = 	snop  }
0x3b: {  	_ = 	snop  }
0x3c: {  	p2 =	seq.s32 s10, $0x1;
	s10 =	sld [smem:$0x3FB3]  }
0x3d: {  	_ =	shalt  }
0x3e: {  	_ =	shalt  }
0x3f: {  	_ =	shalt  }
0x40: {  	_ =	shalt  }
0x41: {  	_ =	shalt  }
0x42: {  	_ =	shalt  }
0x43: {  	_ =	shalt  }
0x44: {  	_ =	shalt  }
0x45: {  	_ =	shalt  }
0x46: {  	_ =	shalt  }
0x47: {  	_ =	shalt  }
0x48: {  	_ =	shalt  }
0x49: {  	_ =	shalt  }
0x4a: {  	_ =	shalt  }
0x4b: {  	_ =	shalt  }
0x4c: {  	_ =	shalt  }
0x4d: {  	_ =	shalt  }
0x4e: {  	_ =	shalt  }
0x4f: {  	_ =	shalt  }
0x50: {  	_ =	shalt  }
0x51: {  	_ =	shalt  }
0x52: {  	_ =	shalt  }
0x53: {  	_ =	shalt  }
0x54: {  	_ =	shalt  }
0x55: {  	_ =	shalt  }
0x56: {  	_ =	shalt  }
0x57: {  	_ =	shalt  }
0x58: {  	_ =	shalt  }
0x59: {  	_ =	shalt  }
0x5a: {  	_ =	shalt  }
0x5b: {  	_ =	shalt  }
0x5c: {  	_ =	shalt  }
0x5d: {  	_ =	shalt  }
0x5e: {  	_ =	shalt  }
0x5f: {  	_ =	shalt  }
0x60: {  	_ =	shalt  }
0x61: {  	_ =	shalt  }
0x62: {  	_ =	shalt  }
0x63: {  	_ =	shalt  }
0x64: {  	_ =	shalt  }
0x65: {  	_ =	shalt  }
0x66: {  	_ =	shalt  }
0x67: {  	_ =	shalt  }
0x68: {  	_ =	shalt  }
0x69: {  	_ =	shalt  }
0x6a: {  	_ =	shalt  }
0x6b: {  	_ =	shalt  }
0x6c: {  	_ =	shalt  }
0x6d: {  	_ =	shalt  }
0x6e: {  	_ =	shalt  }
0x6f: {  	_ =	shalt  }
0x70: {  	_ =	shalt  }
0x71: {  	_ =	shalt  }
0x72: {  	_ =	shalt  }
0x73: {  	_ =	shalt  }
0x74: {  	_ =	shalt  }
0x75: {  	_ =	shalt  }
0x76: {  	_ =	shalt  }
0x77: {  	_ =	shalt  }
0x78: {  	_ =	shalt  }
0x79: {  	_ =	shalt  }
0x7a: {  	_ =	shalt  }
0x7b: {  	_ =	shalt  }
0x7c: {  	_ =	shalt  }
0x7d: {  	_ =	shalt  }
0x7e: {  	_ =	shalt  }
0x7f: {  	_ =	shalt  }
0x80: {  	_ =	shalt  }
0x81: {  	_ =	shalt  }
0x82: {  	_ =	shalt  }
0x83: {  	_ =	shalt  }
0x84: {  	_ =	shalt  }
0x85: {  	_ =	shalt  }
0x86: {  	_ =	shalt  }
0x87: {  	_ =	shalt  }
.Lfunc_end0:
.L_simem_size_0:
called_computation.5_lowered:
.L_overlay_start_0:
0x88: {  	s2 =	sld [smem:$0x3FD9]  }
0x89: {  	s3 =	sld [smem:$0x3FFE];
	_ =	sdelay $0x1  }
0x8a: {  	s1 =	srdreg.scid  }
0x8b: {  	s0 =	sand.u32 $0x1, s1  }
0x8c: {  	s17 =	sshll.u32 s0, $0xA;
	s2 =	sadd.s32 s3, s2  }
0x8d: {  	s2 =	sadd.s32 s2, s17  }
0x8e: {  	[smem:$0x3FBF] =	sst s2  }
0x8f: {  	_ = 	snop  }
0x90: {  	s18 =	sld [smem:$0x3FD0];
	(tm) =	ssettm $0x1  }
0x91: {  	s19 =	sld [smem:$0x3FFB];
	_ =	sdelay $0x3  }
0x92: {  	_ =	strace s19  }
0x93: {  	s2 =	sld [smem:$0x3FFC];
	_ =	sdelay $0x3  }
0x94: {  	_ =	strace s2  }
0x95: {  	s2 =	sld [smem:$0x3FFD];
	_ =	sdelay $0x3  }
0x96: {  	_ =	strace s2  }
0x97: {  	_ =	strace $0x8FFFFFFF  }
0x98: {  	s20 =	sld [smem:$0x3FDB];
	_ =	sdelay $0x1  }
0x99: {  	s4 =	simm.s32 $_scs_section_size  }
0x9a: {  	s5 =	simm.s32 $_size__tile_overlayer_lowered;
	s6 =	simm.s32 $_tile_overlayer_lowered  }
0x9b: {  	s7 =	simm.s32 $0x1BFF;
	s21 =	sshll.u32 s6, $0x1;
	s4 =	sadd.s32 s4, s20  }
0x9c: {  	s22 =	simm.s32 $0x0;
	s5 =	sshll.u32 s5, $0x1;
	s6 =	sadd.s32 s21, s4  }
0x9d: {  	[timem:s22], [sflag:s7] =	dma.local [hbm:s6], s5  }
0x9e: {  	_ =	swait.ge [sflag:s7], s5  }
0x9f: {  	s5 =	ssub.s32 $0x0, s5;
	[sflag:s7] =	ssyncset.done $0x0  }
0xa0: {  	[sflag:s7] =	ssyncadd.s32 s5;
	_ =	sdelay $0x1  }
0xa1: {  	s23 =	simm.s32 $0x1B8B  }
0xa2: {  	_ =	swait.ge [sflag:s23], $0x1  }
0xa3: {  	[sflag:s23] =	ssyncset.done $0x0  }
0xa4: {  	[sflag:s23] =	ssyncadd.s32 $0xFFFFFFFF  }
0xa5: {  	s5 =	sld [smem:$0x0]  }
0xa6: {  	s6 =	sand.u32 $0xFFFFFFFE, s1  }
0xa7: {  	p0 =	sne.s32 s1, s6  }
0xa8: {  	s6 =	sshll.u32 @p0 s6, $0xE  }
0xa9: {  	s6 =	sadd.s32 @p0 $0x11B8D, s6;
	s7 =	sshll.u32 @p0 s5, $0x11  }
0xaa: {  	s6 =	sor.u32 @p0 s7, s6  }
0xab: {  	[sflag:s6] =	ssyncadd.remote.s32 @p0 $0x1;
	_ =	sdelay $0x1  }
0xac: {  	s6 =	simm.s32 @p0 $0x1B8D  }
0xad: {  	_ =	swait.eq @p0 [sflag:s6], $0x1  }
0xae: {  	[sflag:s6] =	ssyncadd.s32 @p0 $0xFFFFFFFF  }
0xaf: {  	s7 =	sshll.u32 @!p0 s1, $0xE  }
0xb0: {  	s7 =	sor.u32 @!p0 $0x4000, s7;
	s6 =	simm.s32 @!p0 $0x1B8D  }
0xb1: {  	s5 =	sshll.u32 @!p0 s5, $0x11;
	s7 =	sadd.s32 @!p0 $0x11B8D, s7;
	_ =	swait.eq @!p0 [sflag:s6], $0x1  }
0xb2: {  	s5 =	sor.u32 @!p0 s5, s7;
	[sflag:s6] =	ssyncadd.s32 @!p0 $0xFFFFFFFF  }
0xb3: {  	s25 =	simm.s32 $0x1B8E;
	s24 =	sld [smem:$0x3FFE];
	[sflag:s5] =	ssyncadd.remote.s32 @!p0 $0x1  }
0xb4: {  	s26 =	simm.s32 $execute0_lowered;
	[smem:$0x3FD2] =	sst s25  }
0xb5: {  	s6 =	sshll.u32 s26, $0x1;
	_ =	strace $0x80000055;
	[dreg:$0x1] =	wrdreg $0xFFFFFFFF  }
0xb6: {  	s28 =	simm.s32 $_size_execute0_lowered;
	s4 =	sadd.s32 s4, s6;
	[dreg:$0x0] =	wrdreg $0x0  }
0xb7: {  	s6 =	sshll.u32 s28, $0x1;
	[dreg:$0x2] =	wrdreg s4  }
0xb8: {  	[dreg:$0x3] =	wrdreg s6  }
0xb9: {  	[dreg:$0x4] =	wrdreg $0xC0  }
0xba: {  	_ =	task [dreg:s22], $0x5FFFF  }
0xbb: {  	[dreg:$0x1] =	wrdreg $0xFFFFFFFF  }
0xbc: {  	[dreg:$0x0] =	wrdreg $0x60  }
0xbd: {  	[dreg:$0x2] =	wrdreg s24  }
0xbe: {  	[dreg:$0x3] =	wrdreg s18  }
0xbf: {  	[dreg:$0x4] =	wrdreg $0xA  }
0xc0: {  	_ =	task.clear_ibuf [dreg:s22], $0x5FFFF;
	_ =	strace $0x90000055  }
0xc1: {  	s29 =	simm.s32 $0xA;
	_ =	strace $0x80000057  }
0xc2: {  	_ =	swait.ge [sflag:s29], $0x1  }
0xc3: {  	[sflag:s29] =	ssyncadd.s32 $0xFFFFFFFF  }
0xc4: {  	_ =	strace $0x90000057  }
0xc5: {  	_ =	sfence  }
0xc6: {  	s30 =	sld [smem:$0x0];
	_ =	sdelay $0x2  }
0xc7: {  	s31 =	sshll.u32 s1, $0xD;
	s1 =	sshrl.u32 s1, $0x2  }
0xc8: {  	s4 =	sand.u32 $0x4000, s31;
	s1 =	sadd.s32 s1, s30  }
0xc9: {  	s0 =	sor.u32 s4, s0;
	s1 =	sshll.u32 s1, $0x11  }
0xca: {  	s0 =	sor.u32 s1, s0  }
0xcb: {  	s0 =	sadd.s32 $0x8F2B, s0  }
0xcc: {  	[sflag:s0] =	ssyncadd.remote.s32 $0x1  }
0xcd: {  	_ =	sfence.sel $0xFFFF  }
0xce: {  	[dreg:$0x0] =	wrdreg $0xFFFFFFFF;
	(pc) =	sbr.abs _section_cstart, $3  }
0xcf: {  	[dreg:$0x1] =	wrdreg $0xFFFFFFFF  }
0xd0: {  	_ =	task.clear_ibuf [dreg:s22], $0x2FFFF;
	_ =	strace $0x9FFFFFFF  }
0xd1: {  	(tm) =	ssettm $0x7FFFFFFF  }
tec
execute0_lowered:
.L_overlay_start_1:
0x0: {  	(tag) =	ssettag $0x1  }
0x1: {  	s1 =	srdreg.scid;
	s0 =	stileid.u32  }
0x2: {  	s31 =	sand.u32 $0x1, s1;
	s26 =	sshll.u32 s0, $0x1  }
0x3: {  	s29 =	sor.u32 s31, s26  }
0x4: {  	s30 =	rddreg [dreg:$0x0];
	s2 =	simm.s32 $0x0;
	s3 =	smul.u32 $0xA0, s29  }
0x5: {  	[smem:$0x7FF] =	sst s2  }
0x6: {  	s26 =	rddreg [dreg:$0x1];
	s28 =	sadd.s32 s3, s30  }
0x7: {  	_ =	strace $0x80000056;
	s3 =	simm.s32 $0x2;
	s4 =	sadd.s32 $0x7E600, s28  }
0x8: {  	[tilespmem:s2], [sflag:$0x2] =	stream.linear.gather [hbm4b:s4+s2], $0x500, $0x38;
	[tilespmem:$0x14500] =	vst v63  }
0x9: {  	_ =	swait.ge [sflag:s3], $0x500  }
0xa: {  	s6 =	simm.s32 $0x80;
	[sflag:s3] =	ssyncset.done $0x0  }
0xb: {  	s7 =	simm.s32 $0x500;
	s5 =	sadd.s32 $0x2F200, s30;
	[sflag:s3] =	ssyncadd.s32 $0xFFFFFB00  }
0xc: {  	[tilespmem:s7], [sflag:$0x1] =	stream.indirect.gather [hbm4b:s5+s6], $0x40, s2, s6, $0xb8;
	[tilespmem:$0x14500] =	vst v63  }
0xd: {  	s8 =	simm.s32 $0x2500  }
0xe: {  	[tilespmem:s8], [sflag:$0x1] =	stream.indirect.gather [hbm4b:s5+s6], $0x40, s6, s6, $0xb8;
	[tilespmem:$0x14500] =	vst v63  }
0xf: {  	s9 =	simm.s32 $0x100;
	s10 =	simm.s32 $0x4500  }
0x10: {  	[tilespmem:s10], [sflag:$0x1] =	stream.indirect.gather [hbm4b:s5+s6], $0x40, s9, s6, $0xb8;
	[tilespmem:$0x14500] =	vst v63  }
0x11: {  	s11 =	simm.s32 $0x180;
	s12 =	simm.s32 $0x6500  }
0x12: {  	[tilespmem:s12], [sflag:$0x1] =	stream.indirect.gather [hbm4b:s5+s6], $0x40, s11, s6, $0xb8;
	[tilespmem:$0x14500] =	vst v63  }
0x13: {  	s13 =	simm.s32 $0x200;
	s14 =	simm.s32 $0x8500  }
0x14: {  	[tilespmem:s14], [sflag:$0x1] =	stream.indirect.gather [hbm4b:s5+s6], $0x40, s13, s6, $0xb8;
	[tilespmem:$0x14500] =	vst v63  }
0x15: {  	s15 =	simm.s32 $0x280;
	s16 =	simm.s32 $0xA500  }
0x16: {  	[tilespmem:s16], [sflag:$0x1] =	stream.indirect.gather [hbm4b:s5+s6], $0x40, s15, s6, $0xb8;
	[tilespmem:$0x14500] =	vst v63  }
0x17: {  	s17 =	simm.s32 $0x300;
	s18 =	simm.s32 $0xC500  }
0x18: {  	[tilespmem:s18], [sflag:$0x1] =	stream.indirect.gather [hbm4b:s5+s6], $0x40, s17, s6, $0xb8;
	[tilespmem:$0x14500] =	vst v63  }
0x19: {  	s19 =	simm.s32 $0x380;
	s20 =	simm.s32 $0xE500  }
0x1a: {  	[tilespmem:s20], [sflag:$0x1] =	stream.indirect.gather [hbm4b:s5+s6], $0x40, s19, s6, $0xb8;
	[tilespmem:$0x14500] =	vst v63  }
0x1b: {  	s21 =	simm.s32 $0x400;
	s22 =	simm.s32 $0x10500  }
0x1c: {  	[tilespmem:s22], [sflag:$0x1] =	stream.indirect.gather [hbm4b:s5+s6], $0x40, s21, s6, $0xb8;
	[tilespmem:$0x14500] =	vst v63  }
0x1d: {  	s23 =	simm.s32 $0x480;
	s24 =	simm.s32 $0x12500;
	s25 =	simm.s32 $0x1  }
0x1e: {  	[tilespmem:s24], [sflag:$0x1] =	stream.indirect.gather [hbm4b:s5+s6], $0x40, s23, s6, $0xb8;
	[tilespmem:$0x14500] =	vst v63  }
0x1f: {  	_ =	swait.ge [sflag:s25], $0x2000  }
0x20: {  	[sflag:s25] =	ssyncset.done $0x0  }
0x21: {  	[sflag:s25] =	ssyncadd.s32 $0xFFFFE000  }
0x22: {  	_ =	swait.ge [sflag:s25], $0x2000  }
0x23: {  	[sflag:s25] =	ssyncset.done $0x0  }
0x24: {  	[sflag:s25] =	ssyncadd.s32 $0xFFFFE000  }
0x25: {  	_ =	swait.ge [sflag:s25], $0x2000  }
0x26: {  	[sflag:s25] =	ssyncset.done $0x0  }
0x27: {  	[sflag:s25] =	ssyncadd.s32 $0xFFFFE000  }
0x28: {  	_ =	swait.ge [sflag:s25], $0x2000  }
0x29: {  	[sflag:s25] =	ssyncset.done $0x0  }
0x2a: {  	[sflag:s25] =	ssyncadd.s32 $0xFFFFE000  }
0x2b: {  	_ =	swait.ge [sflag:s25], $0x2000  }
0x2c: {  	[sflag:s25] =	ssyncset.done $0x0  }
0x2d: {  	[sflag:s25] =	ssyncadd.s32 $0xFFFFE000  }
0x2e: {  	_ =	swait.ge [sflag:s25], $0x2000  }
0x2f: {  	[sflag:s25] =	ssyncset.done $0x0  }
0x30: {  	[sflag:s25] =	ssyncadd.s32 $0xFFFFE000  }
0x31: {  	_ =	swait.ge [sflag:s25], $0x2000  }
0x32: {  	[sflag:s25] =	ssyncset.done $0x0  }
0x33: {  	[sflag:s25] =	ssyncadd.s32 $0xFFFFE000  }
0x34: {  	_ =	swait.ge [sflag:s25], $0x2000  }
0x35: {  	[sflag:s25] =	ssyncset.done $0x0  }
0x36: {  	[sflag:s25] =	ssyncadd.s32 $0xFFFFE000  }
0x37: {  	_ =	swait.ge [sflag:s25], $0x2000  }
0x38: {  	[sflag:s25] =	ssyncset.done $0x0  }
0x39: {  	[sflag:s25] =	ssyncadd.s32 $0xFFFFE000  }
0x3a: {  	s1 =	smul.u32 $0x2800, s29;
	_ =	swait.ge [sflag:s25], $0x2000  }
0x3b: {  	[sflag:s25] =	ssyncset.done $0x0  }
0x3c: {  	s26 =	sadd.s32 s26, s1;
	[sflag:s25] =	ssyncadd.s32 $0xFFFFE000  }
0x3d: {  	[hbm4b:s26+s2] =	stream.linear.scatter [tilespmem:s7], [sflag:$0x2], $0x14000, $0x38;
	[tilespmem:$0x14500] =	vst v63  }
0x3e: {  	_ =	swait.ge [sflag:s3], $0x14000  }
0x3f: {  	[sflag:s3] =	ssyncset.done $0x0  }
0x40: {  	s28 =	sadd.s32 $0x6000, s28;
	[sflag:s3] =	ssyncadd.s32 $0xFFFEC000  }
0x41: {  	[tilespmem:s2], [sflag:$0x2] =	stream.linear.gather [hbm4b:s28+s2], $0x500, $0x38;
	[tilespmem:$0x14500] =	vst v63  }
0x42: {  	_ =	swait.ge [sflag:s3], $0x500  }
0x43: {  	[sflag:s3] =	ssyncset.done $0x0  }
0x44: {  	s29 =	sadd.s32 $0x43C00, s30;
	[sflag:s3] =	ssyncadd.s32 $0xFFFFFB00  }
0x45: {  	[tilespmem:s7], [sflag:$0x1] =	stream.indirect.gather [hbm4b:s29+s6], $0x40, s2, s6, $0xb8;
	[tilespmem:$0x14500] =	vst v63  }
0x46: {  	_ = 	snop  }
0x47: {  	[tilespmem:s8], [sflag:$0x1] =	stream.indirect.gather [hbm4b:s29+s6], $0x40, s6, s6, $0xb8;
	[tilespmem:$0x14500] =	vst v63  }
0x48: {  	_ = 	snop  }
0x49: {  	[tilespmem:s10], [sflag:$0x1] =	stream.indirect.gather [hbm4b:s29+s6], $0x40, s9, s6, $0xb8;
	[tilespmem:$0x14500] =	vst v63  }
0x4a: {  	_ = 	snop  }
0x4b: {  	[tilespmem:s12], [sflag:$0x1] =	stream.indirect.gather [hbm4b:s29+s6], $0x40, s11, s6, $0xb8;
	[tilespmem:$0x14500] =	vst v63  }
0x4c: {  	_ = 	snop  }
0x4d: {  	[tilespmem:s14], [sflag:$0x1] =	stream.indirect.gather [hbm4b:s29+s6], $0x40, s13, s6, $0xb8;
	[tilespmem:$0x14500] =	vst v63  }
0x4e: {  	_ = 	snop  }
0x4f: {  	[tilespmem:s16], [sflag:$0x1] =	stream.indirect.gather [hbm4b:s29+s6], $0x40, s15, s6, $0xb8;
	[tilespmem:$0x14500] =	vst v63  }
0x50: {  	_ = 	snop  }
0x51: {  	[tilespmem:s18], [sflag:$0x1] =	stream.indirect.gather [hbm4b:s29+s6], $0x40, s17, s6, $0xb8;
	[tilespmem:$0x14500] =	vst v63  }
0x52: {  	_ = 	snop  }
0x53: {  	[tilespmem:s20], [sflag:$0x1] =	stream.indirect.gather [hbm4b:s29+s6], $0x40, s19, s6, $0xb8;
	[tilespmem:$0x14500] =	vst v63  }
0x54: {  	_ = 	snop  }
0x55: {  	[tilespmem:s22], [sflag:$0x1] =	stream.indirect.gather [hbm4b:s29+s6], $0x40, s21, s6, $0xb8;
	[tilespmem:$0x14500] =	vst v63  }
0x56: {  	_ = 	snop  }
0x57: {  	[tilespmem:s24], [sflag:$0x1] =	stream.indirect.gather [hbm4b:s29+s6], $0x40, s23, s6, $0xb8;
	[tilespmem:$0x14500] =	vst v63  }
0x58: {  	_ =	swait.ge [sflag:s25], $0x2000  }
0x59: {  	[sflag:s25] =	ssyncset.done $0x0  }
0x5a: {  	[sflag:s25] =	ssyncadd.s32 $0xFFFFE000  }
0x5b: {  	_ =	swait.ge [sflag:s25], $0x2000  }
0x5c: {  	[sflag:s25] =	ssyncset.done $0x0  }
0x5d: {  	[sflag:s25] =	ssyncadd.s32 $0xFFFFE000  }
0x5e: {  	_ =	swait.ge [sflag:s25], $0x2000  }
0x5f: {  	[sflag:s25] =	ssyncset.done $0x0  }
0x60: {  	[sflag:s25] =	ssyncadd.s32 $0xFFFFE000  }
0x61: {  	_ =	swait.ge [sflag:s25], $0x2000  }
0x62: {  	[sflag:s25] =	ssyncset.done $0x0  }
0x63: {  	[sflag:s25] =	ssyncadd.s32 $0xFFFFE000  }
0x64: {  	_ =	swait.ge [sflag:s25], $0x2000  }
0x65: {  	[sflag:s25] =	ssyncset.done $0x0  }
0x66: {  	[sflag:s25] =	ssyncadd.s32 $0xFFFFE000  }
0x67: {  	_ =	swait.ge [sflag:s25], $0x2000  }
0x68: {  	[sflag:s25] =	ssyncset.done $0x0  }
0x69: {  	[sflag:s25] =	ssyncadd.s32 $0xFFFFE000  }
0x6a: {  	_ =	swait.ge [sflag:s25], $0x2000  }
0x6b: {  	[sflag:s25] =	ssyncset.done $0x0  }
0x6c: {  	[sflag:s25] =	ssyncadd.s32 $0xFFFFE000  }
0x6d: {  	_ =	swait.ge [sflag:s25], $0x2000  }
0x6e: {  	[sflag:s25] =	ssyncset.done $0x0  }
0x6f: {  	s31 =	ssub.s32 $0x2, s31;
	[sflag:s25] =	ssyncadd.s32 $0xFFFFE000  }
0x70: {  	s0 =	sshrl.u32 s31, $0x1;
	_ =	swait.ge [sflag:s25], $0x2000  }
0x71: {  	s0 =	ssub.s32 s31, s0;
	[sflag:s25] =	ssyncset.done $0x0  }
0x72: {  	s0 =	smax.u32 s0, $0x1;
	[sflag:s25] =	ssyncadd.s32 $0xFFFFE000  }
0x73: {  	p0 =	sne.s32 s0, $0x1;
	_ =	swait.ge [sflag:s25], $0x2000  }
.Ltmp0:
0x74: {  	s1 =	sadd.s32 s1, s30;
	[sflag:s25] =	ssyncset.done $0x0;
	(pc) =	sbr.rel @!p0 .LBB2_2-.Ltmp0, $4  }
0x75: {  	s30 =	sadd.s32 $0x82E00, s1;
	[sflag:s25] =	ssyncadd.s32 $0xFFFFE000  }
0x76: {  	[hbm4b:s30+s2] =	stream.linear.scatter [tilespmem:s7], [sflag:$0x2], $0x14000, $0x38;
	[tilespmem:$0x14500] =	vst v63  }
0x77: {  	_ =	swait.ge [sflag:s3], $0x14000  }
0x78: {  	s31 =	sadd.s32 $0xFFFFFFFF, s0;
	[sflag:s3] =	ssyncset.done $0x0  }
.LBB2_1:
0x79: {  	p0 =	sne.s32 s31, $0x1;
	s31 =	sadd.s32 $0xFFFFFFFF, s31;
	[sflag:s3] =	ssyncadd.s32 $0xFFFEC000  }
0x7a: {  	[tilespmem:s2], [sflag:$0x2] =	stream.linear.gather [hbm4b:s4+s2], $0x500, $0x38;
	[tilespmem:$0x14500] =	vst v63  }
0x7b: {  	_ =	swait.ge [sflag:s3], $0x500  }
0x7c: {  	[sflag:s3] =	ssyncset.done $0x0  }
0x7d: {  	[sflag:s3] =	ssyncadd.s32 $0xFFFFFB00  }
0x7e: {  	[tilespmem:s7], [sflag:$0x1] =	stream.indirect.gather [hbm4b:s5+s6], $0x40, s2, s6, $0xb8;
	[tilespmem:$0x14500] =	vst v63  }
0x7f: {  	_ = 	snop  }
0x80: {  	[tilespmem:s8], [sflag:$0x1] =	stream.indirect.gather [hbm4b:s5+s6], $0x40, s6, s6, $0xb8;
	[tilespmem:$0x14500] =	vst v63  }
0x81: {  	_ = 	snop  }
0x82: {  	[tilespmem:s10], [sflag:$0x1] =	stream.indirect.gather [hbm4b:s5+s6], $0x40, s9, s6, $0xb8;
	[tilespmem:$0x14500] =	vst v63  }
0x83: {  	_ = 	snop  }
0x84: {  	[tilespmem:s12], [sflag:$0x1] =	stream.indirect.gather [hbm4b:s5+s6], $0x40, s11, s6, $0xb8;
	[tilespmem:$0x14500] =	vst v63  }
0x85: {  	_ = 	snop  }
0x86: {  	[tilespmem:s14], [sflag:$0x1] =	stream.indirect.gather [hbm4b:s5+s6], $0x40, s13, s6, $0xb8;
	[tilespmem:$0x14500] =	vst v63  }
0x87: {  	_ = 	snop  }
0x88: {  	[tilespmem:s16], [sflag:$0x1] =	stream.indirect.gather [hbm4b:s5+s6], $0x40, s15, s6, $0xb8;
	[tilespmem:$0x14500] =	vst v63  }
0x89: {  	_ = 	snop  }
0x8a: {  	[tilespmem:s18], [sflag:$0x1] =	stream.indirect.gather [hbm4b:s5+s6], $0x40, s17, s6, $0xb8;
	[tilespmem:$0x14500] =	vst v63  }
0x8b: {  	_ = 	snop  }
0x8c: {  	[tilespmem:s20], [sflag:$0x1] =	stream.indirect.gather [hbm4b:s5+s6], $0x40, s19, s6, $0xb8;
	[tilespmem:$0x14500] =	vst v63  }
0x8d: {  	_ = 	snop  }
0x8e: {  	[tilespmem:s22], [sflag:$0x1] =	stream.indirect.gather [hbm4b:s5+s6], $0x40, s21, s6, $0xb8;
	[tilespmem:$0x14500] =	vst v63  }
0x8f: {  	_ = 	snop  }
0x90: {  	[tilespmem:s24], [sflag:$0x1] =	stream.indirect.gather [hbm4b:s5+s6], $0x40, s23, s6, $0xb8;
	[tilespmem:$0x14500] =	vst v63  }
0x91: {  	_ =	swait.ge [sflag:s25], $0x2000  }
0x92: {  	[sflag:s25] =	ssyncset.done $0x0  }
0x93: {  	[sflag:s25] =	ssyncadd.s32 $0xFFFFE000  }
0x94: {  	_ =	swait.ge [sflag:s25], $0x2000  }
0x95: {  	[sflag:s25] =	ssyncset.done $0x0  }
0x96: {  	[sflag:s25] =	ssyncadd.s32 $0xFFFFE000  }
0x97: {  	_ =	swait.ge [sflag:s25], $0x2000  }
0x98: {  	[sflag:s25] =	ssyncset.done $0x0  }
0x99: {  	[sflag:s25] =	ssyncadd.s32 $0xFFFFE000  }
0x9a: {  	_ =	swait.ge [sflag:s25], $0x2000  }
0x9b: {  	[sflag:s25] =	ssyncset.done $0x0  }
0x9c: {  	[sflag:s25] =	ssyncadd.s32 $0xFFFFE000  }
0x9d: {  	_ =	swait.ge [sflag:s25], $0x2000  }
0x9e: {  	[sflag:s25] =	ssyncset.done $0x0  }
0x9f: {  	[sflag:s25] =	ssyncadd.s32 $0xFFFFE000  }
0xa0: {  	_ =	swait.ge [sflag:s25], $0x2000  }
0xa1: {  	[sflag:s25] =	ssyncset.done $0x0  }
0xa2: {  	[sflag:s25] =	ssyncadd.s32 $0xFFFFE000  }
0xa3: {  	_ =	swait.ge [sflag:s25], $0x2000  }
0xa4: {  	[sflag:s25] =	ssyncset.done $0x0  }
0xa5: {  	[sflag:s25] =	ssyncadd.s32 $0xFFFFE000  }
0xa6: {  	_ =	swait.ge [sflag:s25], $0x2000  }
0xa7: {  	[sflag:s25] =	ssyncset.done $0x0  }
0xa8: {  	[sflag:s25] =	ssyncadd.s32 $0xFFFFE000  }
0xa9: {  	_ =	swait.ge [sflag:s25], $0x2000  }
0xaa: {  	[sflag:s25] =	ssyncset.done $0x0  }
0xab: {  	[sflag:s25] =	ssyncadd.s32 $0xFFFFE000  }
0xac: {  	_ =	swait.ge [sflag:s25], $0x2000  }
0xad: {  	[sflag:s25] =	ssyncset.done $0x0  }
0xae: {  	[sflag:s25] =	ssyncadd.s32 $0xFFFFE000  }
0xaf: {  	[hbm4b:s26+s2] =	stream.linear.scatter [tilespmem:s7], [sflag:$0x2], $0x14000, $0x38;
	[tilespmem:$0x14500] =	vst v63  }
0xb0: {  	_ =	swait.ge [sflag:s3], $0x14000  }
0xb1: {  	[sflag:s3] =	ssyncset.done $0x0  }
0xb2: {  	[sflag:s3] =	ssyncadd.s32 $0xFFFEC000  }
0xb3: {  	[tilespmem:s2], [sflag:$0x2] =	stream.linear.gather [hbm4b:s28+s2], $0x500, $0x38;
	[tilespmem:$0x14500] =	vst v63  }
0xb4: {  	_ =	swait.ge [sflag:s3], $0x500  }
0xb5: {  	[sflag:s3] =	ssyncset.done $0x0  }
0xb6: {  	[sflag:s3] =	ssyncadd.s32 $0xFFFFFB00  }
0xb7: {  	[tilespmem:s7], [sflag:$0x1] =	stream.indirect.gather [hbm4b:s29+s6], $0x40, s2, s6, $0xb8;
	[tilespmem:$0x14500] =	vst v63  }
0xb8: {  	_ = 	snop  }
0xb9: {  	[tilespmem:s8], [sflag:$0x1] =	stream.indirect.gather [hbm4b:s29+s6], $0x40, s6, s6, $0xb8;
	[tilespmem:$0x14500] =	vst v63  }
0xba: {  	_ = 	snop  }
0xbb: {  	[tilespmem:s10], [sflag:$0x1] =	stream.indirect.gather [hbm4b:s29+s6], $0x40, s9, s6, $0xb8;
	[tilespmem:$0x14500] =	vst v63  }
0xbc: {  	_ = 	snop  }
0xbd: {  	[tilespmem:s12], [sflag:$0x1] =	stream.indirect.gather [hbm4b:s29+s6], $0x40, s11, s6, $0xb8;
	[tilespmem:$0x14500] =	vst v63  }
0xbe: {  	_ = 	snop  }
0xbf: {  	[tilespmem:s14], [sflag:$0x1] =	stream.indirect.gather [hbm4b:s29+s6], $0x40, s13, s6, $0xb8;
	[tilespmem:$0x14500] =	vst v63  }
0xc0: {  	_ = 	snop  }
0xc1: {  	[tilespmem:s16], [sflag:$0x1] =	stream.indirect.gather [hbm4b:s29+s6], $0x40, s15, s6, $0xb8;
	[tilespmem:$0x14500] =	vst v63  }
0xc2: {  	_ = 	snop  }
0xc3: {  	[tilespmem:s18], [sflag:$0x1] =	stream.indirect.gather [hbm4b:s29+s6], $0x40, s17, s6, $0xb8;
	[tilespmem:$0x14500] =	vst v63  }
0xc4: {  	_ = 	snop  }
0xc5: {  	[tilespmem:s20], [sflag:$0x1] =	stream.indirect.gather [hbm4b:s29+s6], $0x40, s19, s6, $0xb8;
	[tilespmem:$0x14500] =	vst v63  }
0xc6: {  	_ = 	snop  }
0xc7: {  	[tilespmem:s22], [sflag:$0x1] =	stream.indirect.gather [hbm4b:s29+s6], $0x40, s21, s6, $0xb8;
	[tilespmem:$0x14500] =	vst v63  }
0xc8: {  	_ = 	snop  }
0xc9: {  	[tilespmem:s24], [sflag:$0x1] =	stream.indirect.gather [hbm4b:s29+s6], $0x40, s23, s6, $0xb8;
	[tilespmem:$0x14500] =	vst v63  }
0xca: {  	_ =	swait.ge [sflag:s25], $0x2000  }
0xcb: {  	[sflag:s25] =	ssyncset.done $0x0  }
0xcc: {  	[sflag:s25] =	ssyncadd.s32 $0xFFFFE000  }
0xcd: {  	_ =	swait.ge [sflag:s25], $0x2000  }
0xce: {  	[sflag:s25] =	ssyncset.done $0x0  }
0xcf: {  	[sflag:s25] =	ssyncadd.s32 $0xFFFFE000  }
0xd0: {  	_ =	swait.ge [sflag:s25], $0x2000  }
0xd1: {  	[sflag:s25] =	ssyncset.done $0x0  }
0xd2: {  	[sflag:s25] =	ssyncadd.s32 $0xFFFFE000  }
0xd3: {  	_ =	swait.ge [sflag:s25], $0x2000  }
0xd4: {  	[sflag:s25] =	ssyncset.done $0x0  }
0xd5: {  	[sflag:s25] =	ssyncadd.s32 $0xFFFFE000  }
0xd6: {  	_ =	swait.ge [sflag:s25], $0x2000  }
0xd7: {  	[sflag:s25] =	ssyncset.done $0x0  }
0xd8: {  	[sflag:s25] =	ssyncadd.s32 $0xFFFFE000  }
0xd9: {  	_ =	swait.ge [sflag:s25], $0x2000  }
0xda: {  	[sflag:s25] =	ssyncset.done $0x0  }
0xdb: {  	[sflag:s25] =	ssyncadd.s32 $0xFFFFE000  }
0xdc: {  	_ =	swait.ge [sflag:s25], $0x2000  }
0xdd: {  	[sflag:s25] =	ssyncset.done $0x0  }
0xde: {  	[sflag:s25] =	ssyncadd.s32 $0xFFFFE000  }
0xdf: {  	_ =	swait.ge [sflag:s25], $0x2000  }
0xe0: {  	[sflag:s25] =	ssyncset.done $0x0  }
0xe1: {  	[sflag:s25] =	ssyncadd.s32 $0xFFFFE000  }
0xe2: {  	_ =	swait.ge [sflag:s25], $0x2000  }
0xe3: {  	[sflag:s25] =	ssyncset.done $0x0  }
0xe4: {  	[sflag:s25] =	ssyncadd.s32 $0xFFFFE000  }
0xe5: {  	_ =	swait.ge [sflag:s25], $0x2000  }
.Ltmp1:
0xe6: {  	[sflag:s25] =	ssyncset.done $0x0;
	(pc) =	sbr.rel @p0 .LBB2_1-.Ltmp1, $4  }
0xe7: {  	[sflag:s25] =	ssyncadd.s32 $0xFFFFE000  }
0xe8: {  	[hbm4b:s30+s2] =	stream.linear.scatter [tilespmem:s7], [sflag:$0x2], $0x14000, $0x38;
	[tilespmem:$0x14500] =	vst v63  }
0xe9: {  	_ =	swait.ge [sflag:s3], $0x14000  }
0xea: {  	[sflag:s3] =	ssyncset.done $0x0  }
.LBB2_2:
0xeb: {  	[sflag:s3] =	ssyncadd.s32 $0xFFFEC000  }
0xec: {  	_ =	sfence.sel $0x180000  }
0xed: {  	[bflag:$0x0] =	sbarrier.arrive $0xFFFF  }
0xee: {  	_ =	strace $0x90000056  }
0xef: {  	s0 =	stileid.u32;
	[bflag:$0x2] =	sbarrier.arrive $0xFFFF  }
0xf0: {  	p0 =	sne.s32 s0, $0x0;
	s0 =	rddreg [dreg:$0x2]  }
0xf1: {  	s0 =	sadd.s32 @!p0 $0x100000, s0  }
0xf2: {  	[sflag:s0] =	ssyncadd.tile.s32 @!p0 $0x1;
	_ =	shalt  }
.Lfunc_end2:
_tile_overlayer_lowered:
.L_overlay_start_2:
0xf3: {  	(tag) =	ssettag $0x2  }
0xf4: {  	s0 =	rddreg [dreg:$0x0];
	s2 =	stileid.u32  }
0xf5: {  	s1 =	rddreg [dreg:$0x1];
	p0 =	sne.s32 s2, $0x0  }
0xf6: {  	s3 =	rddreg [dreg:$0x2];
	[bflag:$0x3] =	sbarrier.arrive $0xFFFF;
	s2 =	simm.s32 @!p0 $0x1C02  }
0xf7: {  	[timem:s3], [sflag:s2] =	dma.local @!p0 [hbm:s0], s1  }
0xf8: {  	s0 =	simm.s32 @!p0 $0x2  }
0xf9: {  	_ =	swait.ge @!p0 [sflag:s0], s1  }
0xfa: {  	s1 =	ssub.s32 @!p0 $0x0, s1;
	[sflag:s0] =	ssyncset.done @!p0 $0x0  }
0xfb: {  	[sflag:s0] =	ssyncadd.s32 @!p0 s1  }
0xfc: {  	[bflag:$0x3] =	sbarrier.arrive $0xFFFF  }
0xfd: {  	_ =	shalt  }

</sc_bundles>
